<compile_context>
chip_gen: v7x
topology: tpu7x:2x2x1
jax: 0.10.2.dev20260603
libtpu: 0.0.44.dev20260713+nightly
codegen_flags: <defaults>
</compile_context>

<pallas_src>
import functools

import jax
import jax.numpy as jnp
from jax import lax
from jax.experimental import pallas as pl
from jax.experimental.pallas import tpu as pltpu
from jax.experimental.pallas import tpu_sc as plsc

KNN = 20
EPS = 1e-5
NEG = -3e38
BIG = 3e38
KP = 32


def _topk_body(xn_ref, idx_ref, *, n):
    x = xn_ref[0]
    xb = x.astype(jnp.bfloat16)
    inner = -2.0 * jax.lax.dot_general(xb, xb, (((1,), (1,)), ((), ())),
                                       preferred_element_type=jnp.float32)
    xsq = jnp.sum(x * x, axis=1)
    dist = (xsq[:, None] + inner) + xsq[None, :]
    col = jax.lax.broadcasted_iota(jnp.int32, (n, n), 1).astype(jnp.float32)
    lane = jax.lax.broadcasted_iota(jnp.int32, (n, KP), 1)
    roff = pl.program_id(0) * n

    def step(t, carry):
        g_mat, acc = carry
        rmin = jnp.min(g_mat, axis=1, keepdims=True)
        cand = jnp.where(g_mat == rmin, col, BIG)
        amin = jnp.min(cand, axis=1, keepdims=True)
        onehot = col == amin
        g_mat = jnp.where(onehot, BIG, g_mat)
        gidx = amin.astype(jnp.int32) + roff
        acc = acc + jnp.where(lane == t, gidx, 0)
        return g_mat, acc

    _, acc = jax.lax.fori_loop(0, KNN, step,
                               (dist, jnp.zeros((n, KP), jnp.int32)))
    idx_ref[0] = acc


def _edge_topk(xn):
    b, n, d = xn.shape
    return pl.pallas_call(
        functools.partial(_topk_body, n=n),
        grid=(b,),
        in_specs=[pl.BlockSpec((1, n, d), lambda i: (i, 0, 0))],
        out_specs=pl.BlockSpec((1, n, KP), lambda i: (i, 0, 0)),
        out_shape=jax.ShapeDtypeStruct((b, n, KP), jnp.int32),
    )(xn)


def _sc_gather(table, idx):
    r, d = table.shape
    m = idx.shape[0]
    info = plsc.get_sparse_core_info()
    nc, ns = info.num_cores, info.num_subcores
    nw = nc * ns
    ch = 128
    m_per_w = m // nw
    nch = m_per_w // ch
    mesh = plsc.VectorSubcoreMesh(core_axis_name="c", subcore_axis_name="s")

    @functools.partial(
        pl.kernel, mesh=mesh,
        out_type=jax.ShapeDtypeStruct((m, d), jnp.float32),
        scratch_types=[
            pltpu.VMEM((nch, ch), jnp.int32),
            pltpu.VMEM((2, ch, d), jnp.float32),
            pltpu.SemaphoreType.DMA,
            pltpu.SemaphoreType.DMA,
        ],
    )
    def k(table_hbm, idx_hbm, out_hbm, idx_v, rows_v, sem_a, sem_b):
        wid = lax.axis_index("s") * nc + lax.axis_index("c")
        base = wid * m_per_w
        pltpu.sync_copy(idx_hbm.at[pl.ds(wid * nch, nch)], idx_v)
        pltpu.async_copy(table_hbm.at[idx_v.at[0]], rows_v.at[0], sem_a)

        def body(c2, carry):
            c0 = c2 * 2
            pltpu.async_copy(table_hbm.at[idx_v.at[c0 + 1]], rows_v.at[1],
                             sem_b)
            pltpu.make_async_copy(table_hbm.at[idx_v.at[c0]], rows_v.at[0],
                                  sem_a).wait()
            pltpu.sync_copy(rows_v.at[0], out_hbm.at[pl.ds(base + c0 * ch, ch)])

            @pl.when(c0 + 2 < nch)
            def _():
                pltpu.async_copy(table_hbm.at[idx_v.at[c0 + 2]], rows_v.at[0],
                                 sem_a)

            pltpu.make_async_copy(table_hbm.at[idx_v.at[c0 + 1]], rows_v.at[1],
                                  sem_b).wait()
            pltpu.sync_copy(rows_v.at[1],
                            out_hbm.at[pl.ds(base + (c0 + 1) * ch, ch)])
            return carry

        jax.lax.fori_loop(0, nch // 2, body, 0)

    return k(table, idx.reshape(nw * nch, ch))


def _conv_body(xn_ref, g_ref, w_ref, mx_ref, s1_ref, s2_ref, *, n, din):
    x = xn_ref[0]
    w16 = w_ref[...]
    o = w16.shape[1]
    xc = x[:, :din]
    pad2 = w_ref.shape[0] - 2 * din

    mxa = jnp.full((n, o), NEG, jnp.float32)
    sa = jnp.zeros((n, o), jnp.float32)
    qa = jnp.zeros((n, o), jnp.float32)
    for t in range(KNN):
        xg = g_ref[t, 0]
        parts = [xc, xg[:, :din] - xc]
        if pad2:
            parts.append(jnp.zeros((n, pad2), jnp.float32))
        ef16 = jnp.concatenate(parts, axis=1).astype(jnp.bfloat16)
        z = jnp.dot(ef16, w16, preferred_element_type=jnp.float32)
        mxa = jnp.maximum(mxa, z)
        sa = sa + z
        qa = qa + z * z
    mx_ref[0] = mxa
    s1_ref[0, 0] = jnp.sum(sa, axis=0)
    s2_ref[0, 0] = jnp.sum(qa, axis=0)


def _edge_conv(xn, gath, w16, din):
    b, n, d = xn.shape
    tw, o = w16.shape
    return pl.pallas_call(
        functools.partial(_conv_body, n=n, din=din),
        grid=(b,),
        in_specs=[pl.BlockSpec((1, n, d), lambda i: (i, 0, 0)),
                  pl.BlockSpec((KNN, 1, n, d), lambda i: (0, i, 0, 0)),
                  pl.BlockSpec((tw, o), lambda i: (0, 0))],
        out_specs=[pl.BlockSpec((1, n, o), lambda i: (i, 0, 0)),
                   pl.BlockSpec((1, 1, o), lambda i: (i, 0, 0)),
                   pl.BlockSpec((1, 1, o), lambda i: (i, 0, 0))],
        out_shape=[jax.ShapeDtypeStruct((b, n, o), jnp.float32),
                   jax.ShapeDtypeStruct((b, 1, o), jnp.float32),
                   jax.ShapeDtypeStruct((b, 1, o), jnp.float32)],
    )(xn, gath, w16)


def _finalize_body(mx_ref, s1_ref, s2_ref, g_ref, b_ref, out_ref, *, cnt):
    s1 = jnp.sum(s1_ref[...], axis=(0, 1))
    s2 = jnp.sum(s2_ref[...], axis=(0, 1))
    mean = s1 / cnt
    var = s2 / cnt - mean * mean
    sd = jnp.sqrt(var + EPS)
    u = (mx_ref[...] - mean[None, None, :]) / sd[None, None, :]
    v = u * g_ref[0, 0][None, None, :] + b_ref[0, 0][None, None, :]
    out_ref[...] = jnp.where(v >= 0, v, 0.2 * v)


def _finalize(mx, s1, s2, g, b, cnt):
    return pl.pallas_call(
        functools.partial(_finalize_body, cnt=float(cnt)),
        out_shape=jax.ShapeDtypeStruct(mx.shape, jnp.float32),
    )(mx, s1, s2, g.reshape(1, 1, -1), b.reshape(1, 1, -1))


def _layer5_body(cat_ref, w_ref, mx_ref, s1_ref, s2_ref):
    z = jnp.dot(cat_ref[0].astype(jnp.bfloat16), w_ref[...],
                preferred_element_type=jnp.float32)
    mx_ref[0, 0] = jnp.max(z, axis=0)
    s1_ref[0, 0] = jnp.sum(z, axis=0)
    s2_ref[0, 0] = jnp.sum(z * z, axis=0)


def _layer5(cat, w16):
    b, n, d = cat.shape
    o = w16.shape[1]
    return pl.pallas_call(
        _layer5_body,
        grid=(b,),
        in_specs=[pl.BlockSpec((1, n, d), lambda i: (i, 0, 0)),
                  pl.BlockSpec((d, o), lambda i: (0, 0))],
        out_specs=[pl.BlockSpec((1, 1, o), lambda i: (i, 0, 0)),
                   pl.BlockSpec((1, 1, o), lambda i: (i, 0, 0)),
                   pl.BlockSpec((1, 1, o), lambda i: (i, 0, 0))],
        out_shape=[jax.ShapeDtypeStruct((b, 1, o), jnp.float32),
                   jax.ShapeDtypeStruct((b, 1, o), jnp.float32),
                   jax.ShapeDtypeStruct((b, 1, o), jnp.float32)],
    )(cat, w16)


def kernel(x, W1, g1, b1, W2, g2, b2, W3, g3, b3, W4, g4, b4, W5, g5, b5):
    b, _, n = x.shape
    xt = jnp.swapaxes(x, 2, 1)
    xt = jnp.pad(xt, ((0, 0), (0, 0), (0, 125)))

    feats = []
    cur = xt
    for (w, g, bb) in ((W1, g1, b1), (W2, g2, b2), (W3, g3, b3), (W4, g4, b4)):
        din = w.shape[1] // 2
        wc, wn = w[:, :din], w[:, din:]
        w2 = jnp.concatenate([wc.T, wn.T], axis=0)
        w2 = jnp.pad(w2, ((0, 256 - 2 * din), (0, 0)))
        if cur.shape[2] < 128:
            cur = jnp.pad(cur, ((0, 0), (0, 0), (0, 128 - cur.shape[2])))
        d = cur.shape[2]
        idx = _edge_topk(cur)
        idx_flat = jnp.transpose(idx[:, :, :KNN], (2, 0, 1)).reshape(-1)
        gath = _sc_gather(cur.reshape(b * n, d), idx_flat)
        gath = gath.reshape(KNN, b, n, d)
        mx, s1, s2 = _edge_conv(cur, gath, w2.astype(jnp.bfloat16), din)
        cur = _finalize(mx, s1, s2, g, bb, b * n * KNN)
        feats.append(cur)

    cat = jnp.concatenate(feats, axis=2)
    mxn, s1, s2 = _layer5(cat, W5.T.astype(jnp.bfloat16))
    out = _finalize(mxn, s1, s2, g5, b5, b * n)
    return out.reshape(b, -1)

# --- scband reference (transcript-rebuilt; emitter-appended) ---
"""Pipeline reference for scband-dgcnn-encoder-3298534883365 (READ-ONLY COPY).

The authoritative reference and input builder live on the scoring server;
editing this copy changes nothing except your own understanding.
"""

import jax, jax.numpy as jnp
import numpy as np

K = 20
EPS = 1e-5

def pairwise_distance(x):
    B, N = x.shape[0], x.shape[1]
    x = x.reshape(B, N, -1)
    inner = -2.0 * jnp.matmul(x, jnp.swapaxes(x, 2, 1))
    xx = jnp.sum(x * x, axis=2, keepdims=True)
    return xx + inner + jnp.swapaxes(xx, 2, 1)

def knn(dist_mat, k):
    _, idx = jax.lax.top_k(-dist_mat, k)
    return idx

def get_edge_feature(x, nn_idx, k):
    B, N = x.shape[0], x.shape[1]
    x = x.reshape(B, N, -1)
    neighbors = jax.vmap(lambda xb, ib: xb[ib])(x, nn_idx)
    central = jnp.broadcast_to(x[:, :, None, :], neighbors.shape)
    return jnp.concatenate([central, neighbors - central], axis=-1)

def conv1x1(x, W):
    return jnp.einsum('oc,bchw->bohw', W, x)

def batch_norm(x, gamma, beta):
    mean = jnp.mean(x, axis=(0, 2, 3), keepdims=True)
    var = jnp.var(x, axis=(0, 2, 3), keepdims=True)
    xh = (x - mean) / jnp.sqrt(var + EPS)
    return xh * gamma.reshape(1, -1, 1, 1) + beta.reshape(1, -1, 1, 1)

def lrelu(x):
    return jax.nn.leaky_relu(x, negative_slope=0.2)

def setup_inputs(seed: int = 0):
    key = jax.random.key(seed)
    ks = jax.random.split(key, 8)
    B, N = 16, 1024
    x = jax.random.normal(ks[0], (B, 3, N), dtype=jnp.float32)
    def w(k, o, c):
        return jax.random.normal(k, (o, c), dtype=jnp.float32) * (1.0 / np.sqrt(c))
    return {
        'x': x,
        'W1': w(ks[1], 64, 6),   'g1': jnp.ones(64, jnp.float32),   'b1': jnp.zeros(64, jnp.float32),
        'W2': w(ks[2], 64, 128), 'g2': jnp.ones(64, jnp.float32),   'b2': jnp.zeros(64, jnp.float32),
        'W3': w(ks[3], 64, 128), 'g3': jnp.ones(64, jnp.float32),   'b3': jnp.zeros(64, jnp.float32),
        'W4': w(ks[4], 128, 128),'g4': jnp.ones(128, jnp.float32),  'b4': jnp.zeros(128, jnp.float32),
        'W5': w(ks[5], 1024, 320),'g5': jnp.ones(1024, jnp.float32),'b5': jnp.zeros(1024, jnp.float32),
    }

def reference(x, W1, g1, b1, W2, g2, b2, W3, g3, b3, W4, g4, b4, W5, g5, b5):
    x = jnp.swapaxes(x, 2, 1)  # [B, N, 3]
    B, N = x.shape[0], x.shape[1]
    feats = []
    for (W, g, b) in [(W1, g1, b1), (W2, g2, b2), (W3, g3, b3), (W4, g4, b4)]:
        dist = pairwise_distance(x)
        idx = knn(dist, K)
        ef = get_edge_feature(x, idx, K)        # [B, N, k, 2D]
        ef = jnp.transpose(ef, (0, 3, 1, 2))    # [B, 2D, N, k]
        h = lrelu(batch_norm(conv1x1(ef, W), g, b))
        h = jnp.max(h, axis=-1, keepdims=True)  # [B, C, N, 1]
        feats.append(h)
        x = jnp.transpose(h, (0, 2, 3, 1))      # [B, N, 1, C]
    cat = jnp.concatenate(feats, axis=1)        # [B, 320, N, 1]
    h = lrelu(batch_norm(conv1x1(cat, W5), g5, b5))
    h = jnp.max(h, axis=2, keepdims=True)       # [B, 1024, 1, 1]
    return h.reshape(B, -1)

if __name__ == "__main__":
    import jax
    _d = setup_inputs()
    print(jax.jit(kernel)(*tuple(_d.values())))

</pallas_src>

<mosaic_0001>
#map = affine_map<(d0, d1) -> (0, 0)>
module attributes {stable_mosaic.version = 14 : i64} {
  func.func @k(%arg0: i32, %arg1: i32, %arg2: memref<16384x128xf32, #tpu.memory_space<hbm>>, %arg3: memref<2560x128xi32, #tpu.memory_space<hbm>>, %arg4: memref<327680x128xf32, #tpu.memory_space<hbm>>, %arg5: memref<80x128xi32, #tpu.memory_space<vmem>>, %arg6: memref<2x128x128xf32, #tpu.memory_space<vmem>>, %arg7: memref<!tpu.dma_semaphore, #tpu.memory_space<semaphore_mem>>, %arg8: memref<!tpu.dma_semaphore, #tpu.memory_space<semaphore_mem>>) attributes {dimension_semantics = [#tpu.dimension_semantics<core_parallel>, #tpu.dimension_semantics<subcore_parallel>], iteration_bounds = array<i64: 2, 16>, scalar_prefetch = 0 : i64, scratch_operands = 4 : i64, tpu.core_type = #tpu.core_type<sc_vector_subcore>, window_params = [{transform_indices = #map}, {transform_indices = #map}, {transform_indices = #map}]} {
    %mul3A = arith.constant 2 : i32
    %mul3A_0 = arith.muli %arg1, %mul3A : i32
    %add3A = arith.addi %mul3A_0, %arg0 : i32
    %mul3A_1 = arith.constant 10240 : i32
    %mul3A_2 = arith.muli %add3A, %mul3A_1 : i32
    %mul3A_3 = arith.constant 80 : i32
    %mul3A_4 = arith.muli %add3A, %mul3A_3 : i32
    "tpu.region"() ({
      %run_scoped3A = tpu.sem_alloc : memref<!tpu.dma_semaphore, #tpu.memory_space<semaphore_mem>>
      %dma_start3A_21 = arith.constant 0 : i32
      %dma_start3A_22 = tpu.memref_slice %arg3[%mul3A_4, %dma_start3A_21] : memref<2560x128xi32, #tpu.memory_space<hbm>> -> memref<80x128xi32, #tpu.memory_space<hbm>>
      %dma_start3A_23 = arith.constant 0 : i32
      %dma_start3A_24 = tpu.memref_slice %arg3[%mul3A_4, %dma_start3A_23] : memref<2560x128xi32, #tpu.memory_space<hbm>> -> memref<80x128xi32, #tpu.memory_space<hbm>>
      tpu.enqueue_dma source(%dma_start3A_24 : memref<80x128xi32, #tpu.memory_space<hbm>>) target(%arg5 : memref<80x128xi32, #tpu.memory_space<vmem>>) target_semaphore(%run_scoped3A : memref<!tpu.dma_semaphore, #tpu.memory_space<semaphore_mem>>)
      %dma_wait3A = arith.constant 0 : i32
      %dma_wait3A_25 = tpu.memref_slice %arg3[%mul3A_4, %dma_wait3A] : memref<2560x128xi32, #tpu.memory_space<hbm>> -> memref<80x128xi32, #tpu.memory_space<hbm>>
      %dma_wait3A_26 = arith.constant 0 : i32
      %dma_wait3A_27 = tpu.memref_slice %arg3[%mul3A_4, %dma_wait3A_26] : memref<2560x128xi32, #tpu.memory_space<hbm>> -> memref<80x128xi32, #tpu.memory_space<hbm>>
      tpu.wait_dma2 semaphore(%run_scoped3A : memref<!tpu.dma_semaphore, #tpu.memory_space<semaphore_mem>>) src(%dma_wait3A_27 : memref<80x128xi32, #tpu.memory_space<hbm>>) dst(%arg5 : memref<80x128xi32, #tpu.memory_space<vmem>>)
      tpu.yield
    }) : () -> ()
    %dma_start3A = arith.constant 0 : i32
    %dma_start3A_5 = arith.constant 0 : i32
    %dma_start3A_6 = arith.constant 0 : i32
    %dma_start3A_7 = arith.constant 0 : i32
    %dma_start3A_8 = tpu.memref_slice %arg6[%dma_start3A_5, %dma_start3A_6, %dma_start3A_7] : memref<2x128x128xf32, #tpu.memory_space<vmem>> -> memref<1x128x128xf32, #tpu.memory_space<vmem>>
    %dma_start3A_9 = tpu.memref_squeeze %dma_start3A_8 : memref<1x128x128xf32, #tpu.memory_space<vmem>> -> memref<128x128xf32, #tpu.memory_space<vmem>>
    %dma_start3A_10 = arith.constant 0 : i32
    %dma_start3A_11 = tpu.memref_slice %arg5[%dma_start3A, %dma_start3A_10] : memref<80x128xi32, #tpu.memory_space<vmem>> -> memref<1x128xi32, #tpu.memory_space<vmem>>
    %dma_start3A_12 = tpu.memref_squeeze %dma_start3A_11 : memref<1x128xi32, #tpu.memory_space<vmem>> -> memref<128xi32, #tpu.memory_space<vmem>>
    %dma_start3A_13 = arith.constant 0 : i32
    %dma_start3A_14 = arith.constant 0 : i32
    %dma_start3A_15 = tpu.memref_slice %arg2[%dma_start3A_13, %dma_start3A_14] : memref<16384x128xf32, #tpu.memory_space<hbm>> -> memref<16384x128xf32, #tpu.memory_space<hbm>>
    tpu.enqueue_indirect_dma source(%dma_start3A_15 : memref<16384x128xf32, #tpu.memory_space<hbm>>) target(%dma_start3A_9 : memref<128x128xf32, #tpu.memory_space<vmem>>) offsets(%dma_start3A_12 : memref<128xi32, #tpu.memory_space<vmem>>) semaphore(%arg7 : memref<!tpu.dma_semaphore, #tpu.memory_space<semaphore_mem>>)
    %scan3A = arith.constant 0 : i32
    %scan3A_16 = arith.constant 0 : i32
    %scan3A_17 = arith.constant 40 : i32
    %scan3A_18 = arith.addi %scan3A_16, %scan3A_17 : i32
    %scan3A_19 = arith.constant 1 : i32
    scf.for %scan3A_21 = %scan3A_16 to %scan3A_18 step %scan3A_19  : i32 {
      %mul3A_22 = arith.constant 2 : i32
      %mul3A_23 = arith.muli %scan3A_21, %mul3A_22 : i32
      %add3A_24 = arith.constant 1 : i32
      %add3A_25 = arith.addi %mul3A_23, %add3A_24 : i32
      %dma_start3A_26 = arith.constant 1 : i32
      %dma_start3A_27 = arith.constant 0 : i32
      %dma_start3A_28 = arith.constant 0 : i32
      %dma_start3A_29 = tpu.memref_slice %arg6[%dma_start3A_26, %dma_start3A_27, %dma_start3A_28] : memref<2x128x128xf32, #tpu.memory_space<vmem>> -> memref<1x128x128xf32, #tpu.memory_space<vmem>>
      %dma_start3A_30 = tpu.memref_squeeze %dma_start3A_29 : memref<1x128x128xf32, #tpu.memory_space<vmem>> -> memref<128x128xf32, #tpu.memory_space<vmem>>
      %dma_start3A_31 = arith.constant 0 : i32
      %dma_start3A_32 = tpu.memref_slice %arg5[%add3A_25, %dma_start3A_31] : memref<80x128xi32, #tpu.memory_space<vmem>> -> memref<1x128xi32, #tpu.memory_space<vmem>>
      %dma_start3A_33 = tpu.memref_squeeze %dma_start3A_32 : memref<1x128xi32, #tpu.memory_space<vmem>> -> memref<128xi32, #tpu.memory_space<vmem>>
      %dma_start3A_34 = arith.constant 0 : i32
      %dma_start3A_35 = arith.constant 0 : i32
      %dma_start3A_36 = tpu.memref_slice %arg2[%dma_start3A_34, %dma_start3A_35] : memref<16384x128xf32, #tpu.memory_space<hbm>> -> memref<16384x128xf32, #tpu.memory_space<hbm>>
      tpu.enqueue_indirect_dma source(%dma_start3A_36 : memref<16384x128xf32, #tpu.memory_space<hbm>>) target(%dma_start3A_30 : memref<128x128xf32, #tpu.memory_space<vmem>>) offsets(%dma_start3A_33 : memref<128xi32, #tpu.memory_space<vmem>>) semaphore(%arg8 : memref<!tpu.dma_semaphore, #tpu.memory_space<semaphore_mem>>)
      %dma_wait3A = arith.constant 0 : i32
      %dma_wait3A_37 = arith.constant 0 : i32
      %dma_wait3A_38 = arith.constant 0 : i32
      %dma_wait3A_39 = tpu.memref_slice %arg6[%dma_wait3A, %dma_wait3A_37, %dma_wait3A_38] : memref<2x128x128xf32, #tpu.memory_space<vmem>> -> memref<1x128x128xf32, #tpu.memory_space<vmem>>
      %dma_wait3A_40 = tpu.memref_squeeze %dma_wait3A_39 : memref<1x128x128xf32, #tpu.memory_space<vmem>> -> memref<128x128xf32, #tpu.memory_space<vmem>>
      %dma_wait3A_41 = arith.constant 0 : i32
      %dma_wait3A_42 = tpu.memref_slice %arg5[%mul3A_23, %dma_wait3A_41] : memref<80x128xi32, #tpu.memory_space<vmem>> -> memref<1x128xi32, #tpu.memory_space<vmem>>
      %dma_wait3A_43 = tpu.memref_squeeze %dma_wait3A_42 : memref<1x128xi32, #tpu.memory_space<vmem>> -> memref<128xi32, #tpu.memory_space<vmem>>
      %dma_wait3A_44 = arith.constant 0 : i32
      %dma_wait3A_45 = arith.constant 0 : i32
      %dma_wait3A_46 = tpu.memref_slice %arg2[%dma_wait3A_44, %dma_wait3A_45] : memref<16384x128xf32, #tpu.memory_space<hbm>> -> memref<16384x128xf32, #tpu.memory_space<hbm>>
      tpu.wait_indirect_dma semaphore(%arg7 : memref<!tpu.dma_semaphore, #tpu.memory_space<semaphore_mem>>) src(%dma_wait3A_46 : memref<16384x128xf32, #tpu.memory_space<hbm>>) dst(%dma_wait3A_40 : memref<128x128xf32, #tpu.memory_space<vmem>>)
      %mul3A_47 = arith.constant 128 : i32
      %mul3A_48 = arith.muli %mul3A_23, %mul3A_47 : i32
      %add3A_49 = arith.addi %mul3A_2, %mul3A_48 : i32
      %run_scoped3A = arith.constant 0 : i32
      "tpu.region"() ({
        %run_scoped3A_73 = tpu.sem_alloc : memref<!tpu.dma_semaphore, #tpu.memory_space<semaphore_mem>>
        %dma_start3A_74 = arith.constant 0 : i32
        %dma_start3A_75 = arith.constant 0 : i32
        %dma_start3A_76 = tpu.memref_slice %arg6[%run_scoped3A, %dma_start3A_74, %dma_start3A_75] : memref<2x128x128xf32, #tpu.memory_space<vmem>> -> memref<1x128x128xf32, #tpu.memory_space<vmem>>
        %dma_start3A_77 = tpu.memref_squeeze %dma_start3A_76 : memref<1x128x128xf32, #tpu.memory_space<vmem>> -> memref<128x128xf32, #tpu.memory_space<vmem>>
        %dma_start3A_78 = arith.constant 0 : i32
        %dma_start3A_79 = tpu.memref_slice %arg4[%add3A_49, %dma_start3A_78] : memref<327680x128xf32, #tpu.memory_space<hbm>> -> memref<128x128xf32, #tpu.memory_space<hbm>>
        %dma_start3A_80 = arith.constant 0 : i32
        %dma_start3A_81 = tpu.memref_slice %arg4[%add3A_49, %dma_start3A_80] : memref<327680x128xf32, #tpu.memory_space<hbm>> -> memref<128x128xf32, #tpu.memory_space<hbm>>
        %dma_start3A_82 = arith.constant 0 : i32
        %dma_start3A_83 = arith.constant 0 : i32
        %dma_start3A_84 = tpu.memref_slice %arg6[%run_scoped3A, %dma_start3A_82, %dma_start3A_83] : memref<2x128x128xf32, #tpu.memory_space<vmem>> -> memref<1x128x128xf32, #tpu.memory_space<vmem>>
        %dma_start3A_85 = tpu.memref_squeeze %dma_start3A_84 : memref<1x128x128xf32, #tpu.memory_space<vmem>> -> memref<128x128xf32, #tpu.memory_space<vmem>>
        tpu.enqueue_dma source(%dma_start3A_85 : memref<128x128xf32, #tpu.memory_space<vmem>>) target(%dma_start3A_81 : memref<128x128xf32, #tpu.memory_space<hbm>>) target_semaphore(%run_scoped3A_73 : memref<!tpu.dma_semaphore, #tpu.memory_space<semaphore_mem>>)
        %dma_wait3A_86 = arith.constant 0 : i32
        %dma_wait3A_87 = arith.constant 0 : i32
        %dma_wait3A_88 = tpu.memref_slice %arg6[%run_scoped3A, %dma_wait3A_86, %dma_wait3A_87] : memref<2x128x128xf32, #tpu.memory_space<vmem>> -> memref<1x128x128xf32, #tpu.memory_space<vmem>>
        %dma_wait3A_89 = tpu.memref_squeeze %dma_wait3A_88 : memref<1x128x128xf32, #tpu.memory_space<vmem>> -> memref<128x128xf32, #tpu.memory_space<vmem>>
        %dma_wait3A_90 = arith.constant 0 : i32
        %dma_wait3A_91 = tpu.memref_slice %arg4[%add3A_49, %dma_wait3A_90] : memref<327680x128xf32, #tpu.memory_space<hbm>> -> memref<128x128xf32, #tpu.memory_space<hbm>>
        %dma_wait3A_92 = arith.constant 0 : i32
        %dma_wait3A_93 = tpu.memref_slice %arg4[%add3A_49, %dma_wait3A_92] : memref<327680x128xf32, #tpu.memory_space<hbm>> -> memref<128x128xf32, #tpu.memory_space<hbm>>
        %dma_wait3A_94 = arith.constant 0 : i32
        %dma_wait3A_95 = arith.constant 0 : i32
        %dma_wait3A_96 = tpu.memref_slice %arg6[%run_scoped3A, %dma_wait3A_94, %dma_wait3A_95] : memref<2x128x128xf32, #tpu.memory_space<vmem>> -> memref<1x128x128xf32, #tpu.memory_space<vmem>>
        %dma_wait3A_97 = tpu.memref_squeeze %dma_wait3A_96 : memref<1x128x128xf32, #tpu.memory_space<vmem>> -> memref<128x128xf32, #tpu.memory_space<vmem>>
        tpu.wait_dma2 semaphore(%run_scoped3A_73 : memref<!tpu.dma_semaphore, #tpu.memory_space<semaphore_mem>>) src(%dma_wait3A_97 : memref<128x128xf32, #tpu.memory_space<vmem>>) dst(%dma_wait3A_93 : memref<128x128xf32, #tpu.memory_space<hbm>>)
        tpu.yield
      }) : () -> ()
      %add3A_50 = arith.constant 2 : i32
      %add3A_51 = arith.addi %mul3A_23, %add3A_50 : i32
      %lt3A = arith.constant 80 : i32
      %lt3A_52 = arith.cmpi slt, %add3A_51, %lt3A : i32
      %convert_element_type3A = arith.extui %lt3A_52 : i1 to i32
      %cond3A = arith.constant 0 : i32
      %cond3A_53 = arith.cmpi ne, %convert_element_type3A, %cond3A : i32
      scf.if %cond3A_53 {
        %add3A_73 = arith.constant 2 : i32
        %add3A_74 = arith.addi %mul3A_23, %add3A_73 : i32
        %dma_start3A_75 = arith.constant 0 : i32
        %dma_start3A_76 = arith.constant 0 : i32
        %dma_start3A_77 = arith.constant 0 : i32
        %dma_start3A_78 = tpu.memref_slice %arg6[%dma_start3A_75, %dma_start3A_76, %dma_start3A_77] : memref<2x128x128xf32, #tpu.memory_space<vmem>> -> memref<1x128x128xf32, #tpu.memory_space<vmem>>
        %dma_start3A_79 = tpu.memref_squeeze %dma_start3A_78 : memref<1x128x128xf32, #tpu.memory_space<vmem>> -> memref<128x128xf32, #tpu.memory_space<vmem>>
        %dma_start3A_80 = arith.constant 0 : i32
        %dma_start3A_81 = tpu.memref_slice %arg5[%add3A_74, %dma_start3A_80] : memref<80x128xi32, #tpu.memory_space<vmem>> -> memref<1x128xi32, #tpu.memory_space<vmem>>
        %dma_start3A_82 = tpu.memref_squeeze %dma_start3A_81 : memref<1x128xi32, #tpu.memory_space<vmem>> -> memref<128xi32, #tpu.memory_space<vmem>>
        %dma_start3A_83 = arith.constant 0 : i32
        %dma_start3A_84 = arith.constant 0 : i32
        %dma_start3A_85 = tpu.memref_slice %arg2[%dma_start3A_83, %dma_start3A_84] : memref<16384x128xf32, #tpu.memory_space<hbm>> -> memref<16384x128xf32, #tpu.memory_space<hbm>>
        tpu.enqueue_indirect_dma source(%dma_start3A_85 : memref<16384x128xf32, #tpu.memory_space<hbm>>) target(%dma_start3A_79 : memref<128x128xf32, #tpu.memory_space<vmem>>) offsets(%dma_start3A_82 : memref<128xi32, #tpu.memory_space<vmem>>) semaphore(%arg7 : memref<!tpu.dma_semaphore, #tpu.memory_space<semaphore_mem>>)
      } else {
      }
      %add3A_54 = arith.constant 1 : i32
      %add3A_55 = arith.addi %mul3A_23, %add3A_54 : i32
      %dma_wait3A_56 = arith.constant 1 : i32
      %dma_wait3A_57 = arith.constant 0 : i32
      %dma_wait3A_58 = arith.constant 0 : i32
      %dma_wait3A_59 = tpu.memref_slice %arg6[%dma_wait3A_56, %dma_wait3A_57, %dma_wait3A_58] : memref<2x128x128xf32, #tpu.memory_space<vmem>> -> memref<1x128x128xf32, #tpu.memory_space<vmem>>
      %dma_wait3A_60 = tpu.memref_squeeze %dma_wait3A_59 : memref<1x128x128xf32, #tpu.memory_space<vmem>> -> memref<128x128xf32, #tpu.memory_space<vmem>>
      %dma_wait3A_61 = arith.constant 0 : i32
      %dma_wait3A_62 = tpu.memref_slice %arg5[%add3A_55, %dma_wait3A_61] : memref<80x128xi32, #tpu.memory_space<vmem>> -> memref<1x128xi32, #tpu.memory_space<vmem>>
      %dma_wait3A_63 = tpu.memref_squeeze %dma_wait3A_62 : memref<1x128xi32, #tpu.memory_space<vmem>> -> memref<128xi32, #tpu.memory_space<vmem>>
      %dma_wait3A_64 = arith.constant 0 : i32
      %dma_wait3A_65 = arith.constant 0 : i32
      %dma_wait3A_66 = tpu.memref_slice %arg2[%dma_wait3A_64, %dma_wait3A_65] : memref<16384x128xf32, #tpu.memory_space<hbm>> -> memref<16384x128xf32, #tpu.memory_space<hbm>>
      tpu.wait_indirect_dma semaphore(%arg8 : memref<!tpu.dma_semaphore, #tpu.memory_space<semaphore_mem>>) src(%dma_wait3A_66 : memref<16384x128xf32, #tpu.memory_space<hbm>>) dst(%dma_wait3A_60 : memref<128x128xf32, #tpu.memory_space<vmem>>)
      %add3A_67 = arith.constant 1 : i32
      %add3A_68 = arith.addi %mul3A_23, %add3A_67 : i32
      %mul3A_69 = arith.constant 128 : i32
      %mul3A_70 = arith.muli %add3A_68, %mul3A_69 : i32
      %add3A_71 = arith.addi %mul3A_2, %mul3A_70 : i32
      %run_scoped3A_72 = arith.constant 1 : i32
      "tpu.region"() ({
        %run_scoped3A_73 = tpu.sem_alloc : memref<!tpu.dma_semaphore, #tpu.memory_space<semaphore_mem>>
        %dma_start3A_74 = arith.constant 0 : i32
        %dma_start3A_75 = arith.constant 0 : i32
        %dma_start3A_76 = tpu.memref_slice %arg6[%run_scoped3A_72, %dma_start3A_74, %dma_start3A_75] : memref<2x128x128xf32, #tpu.memory_space<vmem>> -> memref<1x128x128xf32, #tpu.memory_space<vmem>>
        %dma_start3A_77 = tpu.memref_squeeze %dma_start3A_76 : memref<1x128x128xf32, #tpu.memory_space<vmem>> -> memref<128x128xf32, #tpu.memory_space<vmem>>
        %dma_start3A_78 = arith.constant 0 : i32
        %dma_start3A_79 = tpu.memref_slice %arg4[%add3A_71, %dma_start3A_78] : memref<327680x128xf32, #tpu.memory_space<hbm>> -> memref<128x128xf32, #tpu.memory_space<hbm>>
        %dma_start3A_80 = arith.constant 0 : i32
        %dma_start3A_81 = tpu.memref_slice %arg4[%add3A_71, %dma_start3A_80] : memref<327680x128xf32, #tpu.memory_space<hbm>> -> memref<128x128xf32, #tpu.memory_space<hbm>>
        %dma_start3A_82 = arith.constant 0 : i32
        %dma_start3A_83 = arith.constant 0 : i32
        %dma_start3A_84 = tpu.memref_slice %arg6[%run_scoped3A_72, %dma_start3A_82, %dma_start3A_83] : memref<2x128x128xf32, #tpu.memory_space<vmem>> -> memref<1x128x128xf32, #tpu.memory_space<vmem>>
        %dma_start3A_85 = tpu.memref_squeeze %dma_start3A_84 : memref<1x128x128xf32, #tpu.memory_space<vmem>> -> memref<128x128xf32, #tpu.memory_space<vmem>>
        tpu.enqueue_dma source(%dma_start3A_85 : memref<128x128xf32, #tpu.memory_space<vmem>>) target(%dma_start3A_81 : memref<128x128xf32, #tpu.memory_space<hbm>>) target_semaphore(%run_scoped3A_73 : memref<!tpu.dma_semaphore, #tpu.memory_space<semaphore_mem>>)
        %dma_wait3A_86 = arith.constant 0 : i32
        %dma_wait3A_87 = arith.constant 0 : i32
        %dma_wait3A_88 = tpu.memref_slice %arg6[%run_scoped3A_72, %dma_wait3A_86, %dma_wait3A_87] : memref<2x128x128xf32, #tpu.memory_space<vmem>> -> memref<1x128x128xf32, #tpu.memory_space<vmem>>
        %dma_wait3A_89 = tpu.memref_squeeze %dma_wait3A_88 : memref<1x128x128xf32, #tpu.memory_space<vmem>> -> memref<128x128xf32, #tpu.memory_space<vmem>>
        %dma_wait3A_90 = arith.constant 0 : i32
        %dma_wait3A_91 = tpu.memref_slice %arg4[%add3A_71, %dma_wait3A_90] : memref<327680x128xf32, #tpu.memory_space<hbm>> -> memref<128x128xf32, #tpu.memory_space<hbm>>
        %dma_wait3A_92 = arith.constant 0 : i32
        %dma_wait3A_93 = tpu.memref_slice %arg4[%add3A_71, %dma_wait3A_92] : memref<327680x128xf32, #tpu.memory_space<hbm>> -> memref<128x128xf32, #tpu.memory_space<hbm>>
        %dma_wait3A_94 = arith.constant 0 : i32
        %dma_wait3A_95 = arith.constant 0 : i32
        %dma_wait3A_96 = tpu.memref_slice %arg6[%run_scoped3A_72, %dma_wait3A_94, %dma_wait3A_95] : memref<2x128x128xf32, #tpu.memory_space<vmem>> -> memref<1x128x128xf32, #tpu.memory_space<vmem>>
        %dma_wait3A_97 = tpu.memref_squeeze %dma_wait3A_96 : memref<1x128x128xf32, #tpu.memory_space<vmem>> -> memref<128x128xf32, #tpu.memory_space<vmem>>
        tpu.wait_dma2 semaphore(%run_scoped3A_73 : memref<!tpu.dma_semaphore, #tpu.memory_space<semaphore_mem>>) src(%dma_wait3A_97 : memref<128x128xf32, #tpu.memory_space<vmem>>) dst(%dma_wait3A_93 : memref<128x128xf32, #tpu.memory_space<hbm>>)
        tpu.yield
      }) : () -> ()
    }
    %scan3A_20 = arith.constant 40 : i32
    return
  }
}

#map = affine_map<(d0, d1) -> (0, 0)>
module attributes {stable_mosaic.version = 14 : i64} {
  func.func @k(%arg0: i32, %arg1: i32, %arg2: memref<16384x128xf32, #tpu.memory_space<hbm>>, %arg3: memref<2560x128xi32, #tpu.memory_space<hbm>>, %arg4: memref<327680x128xf32, #tpu.memory_space<hbm>>, %arg5: memref<80x128xi32, #tpu.memory_space<vmem>>, %arg6: memref<2x128x128xf32, #tpu.memory_space<vmem>>, %arg7: memref<!tpu.dma_semaphore, #tpu.memory_space<semaphore_mem>>, %arg8: memref<!tpu.dma_semaphore, #tpu.memory_space<semaphore_mem>>) attributes {dimension_semantics = [#tpu.dimension_semantics<core_parallel>, #tpu.dimension_semantics<subcore_parallel>], iteration_bounds = array<i64: 2, 16>, scalar_prefetch = 0 : i64, scratch_operands = 4 : i64, tpu.core_type = #tpu.core_type<sc_vector_subcore>, window_params = [{transform_indices = #map}, {transform_indices = #map}, {transform_indices = #map}]} {
    %mul3A = arith.constant 2 : i32
    %mul3A_0 = arith.muli %arg1, %mul3A : i32
    %add3A = arith.addi %mul3A_0, %arg0 : i32
    %mul3A_1 = arith.constant 10240 : i32
    %mul3A_2 = arith.muli %add3A, %mul3A_1 : i32
    %mul3A_3 = arith.constant 80 : i32
    %mul3A_4 = arith.muli %add3A, %mul3A_3 : i32
    "tpu.region"() ({
      %run_scoped3A = tpu.sem_alloc : memref<!tpu.dma_semaphore, #tpu.memory_space<semaphore_mem>>
      %dma_start3A_21 = arith.constant 0 : i32
      %dma_start3A_22 = tpu.memref_slice %arg3[%mul3A_4, %dma_start3A_21] : memref<2560x128xi32, #tpu.memory_space<hbm>> -> memref<80x128xi32, #tpu.memory_space<hbm>>
      %dma_start3A_23 = arith.constant 0 : i32
      %dma_start3A_24 = tpu.memref_slice %arg3[%mul3A_4, %dma_start3A_23] : memref<2560x128xi32, #tpu.memory_space<hbm>> -> memref<80x128xi32, #tpu.memory_space<hbm>>
      tpu.enqueue_dma source(%dma_start3A_24 : memref<80x128xi32, #tpu.memory_space<hbm>>) target(%arg5 : memref<80x128xi32, #tpu.memory_space<vmem>>) target_semaphore(%run_scoped3A : memref<!tpu.dma_semaphore, #tpu.memory_space<semaphore_mem>>)
      %dma_wait3A = arith.constant 0 : i32
      %dma_wait3A_25 = tpu.memref_slice %arg3[%mul3A_4, %dma_wait3A] : memref<2560x128xi32, #tpu.memory_space<hbm>> -> memref<80x128xi32, #tpu.memory_space<hbm>>
      %dma_wait3A_26 = arith.constant 0 : i32
      %dma_wait3A_27 = tpu.memref_slice %arg3[%mul3A_4, %dma_wait3A_26] : memref<2560x128xi32, #tpu.memory_space<hbm>> -> memref<80x128xi32, #tpu.memory_space<hbm>>
      tpu.wait_dma2 semaphore(%run_scoped3A : memref<!tpu.dma_semaphore, #tpu.memory_space<semaphore_mem>>) src(%dma_wait3A_27 : memref<80x128xi32, #tpu.memory_space<hbm>>) dst(%arg5 : memref<80x128xi32, #tpu.memory_space<vmem>>)
      tpu.yield
    }) : () -> ()
    %dma_start3A = arith.constant 0 : i32
    %dma_start3A_5 = arith.constant 0 : i32
    %dma_start3A_6 = arith.constant 0 : i32
    %dma_start3A_7 = arith.constant 0 : i32
    %dma_start3A_8 = tpu.memref_slice %arg6[%dma_start3A_5, %dma_start3A_6, %dma_start3A_7] : memref<2x128x128xf32, #tpu.memory_space<vmem>> -> memref<1x128x128xf32, #tpu.memory_space<vmem>>
    %dma_start3A_9 = tpu.memref_squeeze %dma_start3A_8 : memref<1x128x128xf32, #tpu.memory_space<vmem>> -> memref<128x128xf32, #tpu.memory_space<vmem>>
    %dma_start3A_10 = arith.constant 0 : i32
    %dma_start3A_11 = tpu.memref_slice %arg5[%dma_start3A, %dma_start3A_10] : memref<80x128xi32, #tpu.memory_space<vmem>> -> memref<1x128xi32, #tpu.memory_space<vmem>>
    %dma_start3A_12 = tpu.memref_squeeze %dma_start3A_11 : memref<1x128xi32, #tpu.memory_space<vmem>> -> memref<128xi32, #tpu.memory_space<vmem>>
    %dma_start3A_13 = arith.constant 0 : i32
    %dma_start3A_14 = arith.constant 0 : i32
    %dma_start3A_15 = tpu.memref_slice %arg2[%dma_start3A_13, %dma_start3A_14] : memref<16384x128xf32, #tpu.memory_space<hbm>> -> memref<16384x128xf32, #tpu.memory_space<hbm>>
    tpu.enqueue_indirect_dma source(%dma_start3A_15 : memref<16384x128xf32, #tpu.memory_space<hbm>>) target(%dma_start3A_9 : memref<128x128xf32, #tpu.memory_space<vmem>>) offsets(%dma_start3A_12 : memref<128xi32, #tpu.memory_space<vmem>>) semaphore(%arg7 : memref<!tpu.dma_semaphore, #tpu.memory_space<semaphore_mem>>)
    %scan3A = arith.constant 0 : i32
    %scan3A_16 = arith.constant 0 : i32
    %scan3A_17 = arith.constant 40 : i32
    %scan3A_18 = arith.addi %scan3A_16, %scan3A_17 : i32
    %scan3A_19 = arith.constant 1 : i32
    scf.for %scan3A_21 = %scan3A_16 to %scan3A_18 step %scan3A_19  : i32 {
      %mul3A_22 = arith.constant 2 : i32
      %mul3A_23 = arith.muli %scan3A_21, %mul3A_22 : i32
      %add3A_24 = arith.constant 1 : i32
      %add3A_25 = arith.addi %mul3A_23, %add3A_24 : i32
      %dma_start3A_26 = arith.constant 1 : i32
      %dma_start3A_27 = arith.constant 0 : i32
      %dma_start3A_28 = arith.constant 0 : i32
      %dma_start3A_29 = tpu.memref_slice %arg6[%dma_start3A_26, %dma_start3A_27, %dma_start3A_28] : memref<2x128x128xf32, #tpu.memory_space<vmem>> -> memref<1x128x128xf32, #tpu.memory_space<vmem>>
      %dma_start3A_30 = tpu.memref_squeeze %dma_start3A_29 : memref<1x128x128xf32, #tpu.memory_space<vmem>> -> memref<128x128xf32, #tpu.memory_space<vmem>>
      %dma_start3A_31 = arith.constant 0 : i32
      %dma_start3A_32 = tpu.memref_slice %arg5[%add3A_25, %dma_start3A_31] : memref<80x128xi32, #tpu.memory_space<vmem>> -> memref<1x128xi32, #tpu.memory_space<vmem>>
      %dma_start3A_33 = tpu.memref_squeeze %dma_start3A_32 : memref<1x128xi32, #tpu.memory_space<vmem>> -> memref<128xi32, #tpu.memory_space<vmem>>
      %dma_start3A_34 = arith.constant 0 : i32
      %dma_start3A_35 = arith.constant 0 : i32
      %dma_start3A_36 = tpu.memref_slice %arg2[%dma_start3A_34, %dma_start3A_35] : memref<16384x128xf32, #tpu.memory_space<hbm>> -> memref<16384x128xf32, #tpu.memory_space<hbm>>
      tpu.enqueue_indirect_dma source(%dma_start3A_36 : memref<16384x128xf32, #tpu.memory_space<hbm>>) target(%dma_start3A_30 : memref<128x128xf32, #tpu.memory_space<vmem>>) offsets(%dma_start3A_33 : memref<128xi32, #tpu.memory_space<vmem>>) semaphore(%arg8 : memref<!tpu.dma_semaphore, #tpu.memory_space<semaphore_mem>>)
      %dma_wait3A = arith.constant 0 : i32
      %dma_wait3A_37 = arith.constant 0 : i32
      %dma_wait3A_38 = arith.constant 0 : i32
      %dma_wait3A_39 = tpu.memref_slice %arg6[%dma_wait3A, %dma_wait3A_37, %dma_wait3A_38] : memref<2x128x128xf32, #tpu.memory_space<vmem>> -> memref<1x128x128xf32, #tpu.memory_space<vmem>>
      %dma_wait3A_40 = tpu.memref_squeeze %dma_wait3A_39 : memref<1x128x128xf32, #tpu.memory_space<vmem>> -> memref<128x128xf32, #tpu.memory_space<vmem>>
      %dma_wait3A_41 = arith.constant 0 : i32
      %dma_wait3A_42 = tpu.memref_slice %arg5[%mul3A_23, %dma_wait3A_41] : memref<80x128xi32, #tpu.memory_space<vmem>> -> memref<1x128xi32, #tpu.memory_space<vmem>>
      %dma_wait3A_43 = tpu.memref_squeeze %dma_wait3A_42 : memref<1x128xi32, #tpu.memory_space<vmem>> -> memref<128xi32, #tpu.memory_space<vmem>>
      %dma_wait3A_44 = arith.constant 0 : i32
      %dma_wait3A_45 = arith.constant 0 : i32
      %dma_wait3A_46 = tpu.memref_slice %arg2[%dma_wait3A_44, %dma_wait3A_45] : memref<16384x128xf32, #tpu.memory_space<hbm>> -> memref<16384x128xf32, #tpu.memory_space<hbm>>
      tpu.wait_indirect_dma semaphore(%arg7 : memref<!tpu.dma_semaphore, #tpu.memory_space<semaphore_mem>>) src(%dma_wait3A_46 : memref<16384x128xf32, #tpu.memory_space<hbm>>) dst(%dma_wait3A_40 : memref<128x128xf32, #tpu.memory_space<vmem>>)
      %mul3A_47 = arith.constant 128 : i32
      %mul3A_48 = arith.muli %mul3A_23, %mul3A_47 : i32
      %add3A_49 = arith.addi %mul3A_2, %mul3A_48 : i32
      %run_scoped3A = arith.constant 0 : i32
      "tpu.region"() ({
        %run_scoped3A_73 = tpu.sem_alloc : memref<!tpu.dma_semaphore, #tpu.memory_space<semaphore_mem>>
        %dma_start3A_74 = arith.constant 0 : i32
        %dma_start3A_75 = arith.constant 0 : i32
        %dma_start3A_76 = tpu.memref_slice %arg6[%run_scoped3A, %dma_start3A_74, %dma_start3A_75] : memref<2x128x128xf32, #tpu.memory_space<vmem>> -> memref<1x128x128xf32, #tpu.memory_space<vmem>>
        %dma_start3A_77 = tpu.memref_squeeze %dma_start3A_76 : memref<1x128x128xf32, #tpu.memory_space<vmem>> -> memref<128x128xf32, #tpu.memory_space<vmem>>
        %dma_start3A_78 = arith.constant 0 : i32
        %dma_start3A_79 = tpu.memref_slice %arg4[%add3A_49, %dma_start3A_78] : memref<327680x128xf32, #tpu.memory_space<hbm>> -> memref<128x128xf32, #tpu.memory_space<hbm>>
        %dma_start3A_80 = arith.constant 0 : i32
        %dma_start3A_81 = tpu.memref_slice %arg4[%add3A_49, %dma_start3A_80] : memref<327680x128xf32, #tpu.memory_space<hbm>> -> memref<128x128xf32, #tpu.memory_space<hbm>>
        %dma_start3A_82 = arith.constant 0 : i32
        %dma_start3A_83 = arith.constant 0 : i32
        %dma_start3A_84 = tpu.memref_slice %arg6[%run_scoped3A, %dma_start3A_82, %dma_start3A_83] : memref<2x128x128xf32, #tpu.memory_space<vmem>> -> memref<1x128x128xf32, #tpu.memory_space<vmem>>
        %dma_start3A_85 = tpu.memref_squeeze %dma_start3A_84 : memref<1x128x128xf32, #tpu.memory_space<vmem>> -> memref<128x128xf32, #tpu.memory_space<vmem>>
        tpu.enqueue_dma source(%dma_start3A_85 : memref<128x128xf32, #tpu.memory_space<vmem>>) target(%dma_start3A_81 : memref<128x128xf32, #tpu.memory_space<hbm>>) target_semaphore(%run_scoped3A_73 : memref<!tpu.dma_semaphore, #tpu.memory_space<semaphore_mem>>)
        %dma_wait3A_86 = arith.constant 0 : i32
        %dma_wait3A_87 = arith.constant 0 : i32
        %dma_wait3A_88 = tpu.memref_slice %arg6[%run_scoped3A, %dma_wait3A_86, %dma_wait3A_87] : memref<2x128x128xf32, #tpu.memory_space<vmem>> -> memref<1x128x128xf32, #tpu.memory_space<vmem>>
        %dma_wait3A_89 = tpu.memref_squeeze %dma_wait3A_88 : memref<1x128x128xf32, #tpu.memory_space<vmem>> -> memref<128x128xf32, #tpu.memory_space<vmem>>
        %dma_wait3A_90 = arith.constant 0 : i32
        %dma_wait3A_91 = tpu.memref_slice %arg4[%add3A_49, %dma_wait3A_90] : memref<327680x128xf32, #tpu.memory_space<hbm>> -> memref<128x128xf32, #tpu.memory_space<hbm>>
        %dma_wait3A_92 = arith.constant 0 : i32
        %dma_wait3A_93 = tpu.memref_slice %arg4[%add3A_49, %dma_wait3A_92] : memref<327680x128xf32, #tpu.memory_space<hbm>> -> memref<128x128xf32, #tpu.memory_space<hbm>>
        %dma_wait3A_94 = arith.constant 0 : i32
        %dma_wait3A_95 = arith.constant 0 : i32
        %dma_wait3A_96 = tpu.memref_slice %arg6[%run_scoped3A, %dma_wait3A_94, %dma_wait3A_95] : memref<2x128x128xf32, #tpu.memory_space<vmem>> -> memref<1x128x128xf32, #tpu.memory_space<vmem>>
        %dma_wait3A_97 = tpu.memref_squeeze %dma_wait3A_96 : memref<1x128x128xf32, #tpu.memory_space<vmem>> -> memref<128x128xf32, #tpu.memory_space<vmem>>
        tpu.wait_dma2 semaphore(%run_scoped3A_73 : memref<!tpu.dma_semaphore, #tpu.memory_space<semaphore_mem>>) src(%dma_wait3A_97 : memref<128x128xf32, #tpu.memory_space<vmem>>) dst(%dma_wait3A_93 : memref<128x128xf32, #tpu.memory_space<hbm>>)
        tpu.yield
      }) : () -> ()
      %add3A_50 = arith.constant 2 : i32
      %add3A_51 = arith.addi %mul3A_23, %add3A_50 : i32
      %lt3A = arith.constant 80 : i32
      %lt3A_52 = arith.cmpi slt, %add3A_51, %lt3A : i32
      %convert_element_type3A = arith.extui %lt3A_52 : i1 to i32
      %cond3A = arith.constant 0 : i32
      %cond3A_53 = arith.cmpi ne, %convert_element_type3A, %cond3A : i32
      scf.if %cond3A_53 {
        %add3A_73 = arith.constant 2 : i32
        %add3A_74 = arith.addi %mul3A_23, %add3A_73 : i32
        %dma_start3A_75 = arith.constant 0 : i32
        %dma_start3A_76 = arith.constant 0 : i32
        %dma_start3A_77 = arith.constant 0 : i32
        %dma_start3A_78 = tpu.memref_slice %arg6[%dma_start3A_75, %dma_start3A_76, %dma_start3A_77] : memref<2x128x128xf32, #tpu.memory_space<vmem>> -> memref<1x128x128xf32, #tpu.memory_space<vmem>>
        %dma_start3A_79 = tpu.memref_squeeze %dma_start3A_78 : memref<1x128x128xf32, #tpu.memory_space<vmem>> -> memref<128x128xf32, #tpu.memory_space<vmem>>
        %dma_start3A_80 = arith.constant 0 : i32
        %dma_start3A_81 = tpu.memref_slice %arg5[%add3A_74, %dma_start3A_80] : memref<80x128xi32, #tpu.memory_space<vmem>> -> memref<1x128xi32, #tpu.memory_space<vmem>>
        %dma_start3A_82 = tpu.memref_squeeze %dma_start3A_81 : memref<1x128xi32, #tpu.memory_space<vmem>> -> memref<128xi32, #tpu.memory_space<vmem>>
        %dma_start3A_83 = arith.constant 0 : i32
        %dma_start3A_84 = arith.constant 0 : i32
        %dma_start3A_85 = tpu.memref_slice %arg2[%dma_start3A_83, %dma_start3A_84] : memref<16384x128xf32, #tpu.memory_space<hbm>> -> memref<16384x128xf32, #tpu.memory_space<hbm>>
        tpu.enqueue_indirect_dma source(%dma_start3A_85 : memref<16384x128xf32, #tpu.memory_space<hbm>>) target(%dma_start3A_79 : memref<128x128xf32, #tpu.memory_space<vmem>>) offsets(%dma_start3A_82 : memref<128xi32, #tpu.memory_space<vmem>>) semaphore(%arg7 : memref<!tpu.dma_semaphore, #tpu.memory_space<semaphore_mem>>)
      } else {
      }
      %add3A_54 = arith.constant 1 : i32
      %add3A_55 = arith.addi %mul3A_23, %add3A_54 : i32
      %dma_wait3A_56 = arith.constant 1 : i32
      %dma_wait3A_57 = arith.constant 0 : i32
      %dma_wait3A_58 = arith.constant 0 : i32
      %dma_wait3A_59 = tpu.memref_slice %arg6[%dma_wait3A_56, %dma_wait3A_57, %dma_wait3A_58] : memref<2x128x128xf32, #tpu.memory_space<vmem>> -> memref<1x128x128xf32, #tpu.memory_space<vmem>>
      %dma_wait3A_60 = tpu.memref_squeeze %dma_wait3A_59 : memref<1x128x128xf32, #tpu.memory_space<vmem>> -> memref<128x128xf32, #tpu.memory_space<vmem>>
      %dma_wait3A_61 = arith.constant 0 : i32
      %dma_wait3A_62 = tpu.memref_slice %arg5[%add3A_55, %dma_wait3A_61] : memref<80x128xi32, #tpu.memory_space<vmem>> -> memref<1x128xi32, #tpu.memory_space<vmem>>
      %dma_wait3A_63 = tpu.memref_squeeze %dma_wait3A_62 : memref<1x128xi32, #tpu.memory_space<vmem>> -> memref<128xi32, #tpu.memory_space<vmem>>
      %dma_wait3A_64 = arith.constant 0 : i32
      %dma_wait3A_65 = arith.constant 0 : i32
      %dma_wait3A_66 = tpu.memref_slice %arg2[%dma_wait3A_64, %dma_wait3A_65] : memref<16384x128xf32, #tpu.memory_space<hbm>> -> memref<16384x128xf32, #tpu.memory_space<hbm>>
      tpu.wait_indirect_dma semaphore(%arg8 : memref<!tpu.dma_semaphore, #tpu.memory_space<semaphore_mem>>) src(%dma_wait3A_66 : memref<16384x128xf32, #tpu.memory_space<hbm>>) dst(%dma_wait3A_60 : memref<128x128xf32, #tpu.memory_space<vmem>>)
      %add3A_67 = arith.constant 1 : i32
      %add3A_68 = arith.addi %mul3A_23, %add3A_67 : i32
      %mul3A_69 = arith.constant 128 : i32
      %mul3A_70 = arith.muli %add3A_68, %mul3A_69 : i32
      %add3A_71 = arith.addi %mul3A_2, %mul3A_70 : i32
      %run_scoped3A_72 = arith.constant 1 : i32
      "tpu.region"() ({
        %run_scoped3A_73 = tpu.sem_alloc : memref<!tpu.dma_semaphore, #tpu.memory_space<semaphore_mem>>
        %dma_start3A_74 = arith.constant 0 : i32
        %dma_start3A_75 = arith.constant 0 : i32
        %dma_start3A_76 = tpu.memref_slice %arg6[%run_scoped3A_72, %dma_start3A_74, %dma_start3A_75] : memref<2x128x128xf32, #tpu.memory_space<vmem>> -> memref<1x128x128xf32, #tpu.memory_space<vmem>>
        %dma_start3A_77 = tpu.memref_squeeze %dma_start3A_76 : memref<1x128x128xf32, #tpu.memory_space<vmem>> -> memref<128x128xf32, #tpu.memory_space<vmem>>
        %dma_start3A_78 = arith.constant 0 : i32
        %dma_start3A_79 = tpu.memref_slice %arg4[%add3A_71, %dma_start3A_78] : memref<327680x128xf32, #tpu.memory_space<hbm>> -> memref<128x128xf32, #tpu.memory_space<hbm>>
        %dma_start3A_80 = arith.constant 0 : i32
        %dma_start3A_81 = tpu.memref_slice %arg4[%add3A_71, %dma_start3A_80] : memref<327680x128xf32, #tpu.memory_space<hbm>> -> memref<128x128xf32, #tpu.memory_space<hbm>>
        %dma_start3A_82 = arith.constant 0 : i32
        %dma_start3A_83 = arith.constant 0 : i32
        %dma_start3A_84 = tpu.memref_slice %arg6[%run_scoped3A_72, %dma_start3A_82, %dma_start3A_83] : memref<2x128x128xf32, #tpu.memory_space<vmem>> -> memref<1x128x128xf32, #tpu.memory_space<vmem>>
        %dma_start3A_85 = tpu.memref_squeeze %dma_start3A_84 : memref<1x128x128xf32, #tpu.memory_space<vmem>> -> memref<128x128xf32, #tpu.memory_space<vmem>>
        tpu.enqueue_dma source(%dma_start3A_85 : memref<128x128xf32, #tpu.memory_space<vmem>>) target(%dma_start3A_81 : memref<128x128xf32, #tpu.memory_space<hbm>>) target_semaphore(%run_scoped3A_73 : memref<!tpu.dma_semaphore, #tpu.memory_space<semaphore_mem>>)
        %dma_wait3A_86 = arith.constant 0 : i32
        %dma_wait3A_87 = arith.constant 0 : i32
        %dma_wait3A_88 = tpu.memref_slice %arg6[%run_scoped3A_72, %dma_wait3A_86, %dma_wait3A_87] : memref<2x128x128xf32, #tpu.memory_space<vmem>> -> memref<1x128x128xf32, #tpu.memory_space<vmem>>
        %dma_wait3A_89 = tpu.memref_squeeze %dma_wait3A_88 : memref<1x128x128xf32, #tpu.memory_space<vmem>> -> memref<128x128xf32, #tpu.memory_space<vmem>>
        %dma_wait3A_90 = arith.constant 0 : i32
        %dma_wait3A_91 = tpu.memref_slice %arg4[%add3A_71, %dma_wait3A_90] : memref<327680x128xf32, #tpu.memory_space<hbm>> -> memref<128x128xf32, #tpu.memory_space<hbm>>
        %dma_wait3A_92 = arith.constant 0 : i32
        %dma_wait3A_93 = tpu.memref_slice %arg4[%add3A_71, %dma_wait3A_92] : memref<327680x128xf32, #tpu.memory_space<hbm>> -> memref<128x128xf32, #tpu.memory_space<hbm>>
        %dma_wait3A_94 = arith.constant 0 : i32
        %dma_wait3A_95 = arith.constant 0 : i32
        %dma_wait3A_96 = tpu.memref_slice %arg6[%run_scoped3A_72, %dma_wait3A_94, %dma_wait3A_95] : memref<2x128x128xf32, #tpu.memory_space<vmem>> -> memref<1x128x128xf32, #tpu.memory_space<vmem>>
        %dma_wait3A_97 = tpu.memref_squeeze %dma_wait3A_96 : memref<1x128x128xf32, #tpu.memory_space<vmem>> -> memref<128x128xf32, #tpu.memory_space<vmem>>
        tpu.wait_dma2 semaphore(%run_scoped3A_73 : memref<!tpu.dma_semaphore, #tpu.memory_space<semaphore_mem>>) src(%dma_wait3A_97 : memref<128x128xf32, #tpu.memory_space<vmem>>) dst(%dma_wait3A_93 : memref<128x128xf32, #tpu.memory_space<hbm>>)
        tpu.yield
      }) : () -> ()
    }
    %scan3A_20 = arith.constant 40 : i32
    return
  }
}

#map = affine_map<(d0, d1) -> (0, 0)>
module attributes {stable_mosaic.version = 14 : i64} {
  func.func @k(%arg0: i32, %arg1: i32, %arg2: memref<16384x128xf32, #tpu.memory_space<hbm>>, %arg3: memref<2560x128xi32, #tpu.memory_space<hbm>>, %arg4: memref<327680x128xf32, #tpu.memory_space<hbm>>, %arg5: memref<80x128xi32, #tpu.memory_space<vmem>>, %arg6: memref<2x128x128xf32, #tpu.memory_space<vmem>>, %arg7: memref<!tpu.dma_semaphore, #tpu.memory_space<semaphore_mem>>, %arg8: memref<!tpu.dma_semaphore, #tpu.memory_space<semaphore_mem>>) attributes {dimension_semantics = [#tpu.dimension_semantics<core_parallel>, #tpu.dimension_semantics<subcore_parallel>], iteration_bounds = array<i64: 2, 16>, scalar_prefetch = 0 : i64, scratch_operands = 4 : i64, tpu.core_type = #tpu.core_type<sc_vector_subcore>, window_params = [{transform_indices = #map}, {transform_indices = #map}, {transform_indices = #map}]} {
    %mul3A = arith.constant 2 : i32
    %mul3A_0 = arith.muli %arg1, %mul3A : i32
    %add3A = arith.addi %mul3A_0, %arg0 : i32
    %mul3A_1 = arith.constant 10240 : i32
    %mul3A_2 = arith.muli %add3A, %mul3A_1 : i32
    %mul3A_3 = arith.constant 80 : i32
    %mul3A_4 = arith.muli %add3A, %mul3A_3 : i32
    "tpu.region"() ({
      %run_scoped3A = tpu.sem_alloc : memref<!tpu.dma_semaphore, #tpu.memory_space<semaphore_mem>>
      %dma_start3A_21 = arith.constant 0 : i32
      %dma_start3A_22 = tpu.memref_slice %arg3[%mul3A_4, %dma_start3A_21] : memref<2560x128xi32, #tpu.memory_space<hbm>> -> memref<80x128xi32, #tpu.memory_space<hbm>>
      %dma_start3A_23 = arith.constant 0 : i32
      %dma_start3A_24 = tpu.memref_slice %arg3[%mul3A_4, %dma_start3A_23] : memref<2560x128xi32, #tpu.memory_space<hbm>> -> memref<80x128xi32, #tpu.memory_space<hbm>>
      tpu.enqueue_dma source(%dma_start3A_24 : memref<80x128xi32, #tpu.memory_space<hbm>>) target(%arg5 : memref<80x128xi32, #tpu.memory_space<vmem>>) target_semaphore(%run_scoped3A : memref<!tpu.dma_semaphore, #tpu.memory_space<semaphore_mem>>)
      %dma_wait3A = arith.constant 0 : i32
      %dma_wait3A_25 = tpu.memref_slice %arg3[%mul3A_4, %dma_wait3A] : memref<2560x128xi32, #tpu.memory_space<hbm>> -> memref<80x128xi32, #tpu.memory_space<hbm>>
      %dma_wait3A_26 = arith.constant 0 : i32
      %dma_wait3A_27 = tpu.memref_slice %arg3[%mul3A_4, %dma_wait3A_26] : memref<2560x128xi32, #tpu.memory_space<hbm>> -> memref<80x128xi32, #tpu.memory_space<hbm>>
      tpu.wait_dma2 semaphore(%run_scoped3A : memref<!tpu.dma_semaphore, #tpu.memory_space<semaphore_mem>>) src(%dma_wait3A_27 : memref<80x128xi32, #tpu.memory_space<hbm>>) dst(%arg5 : memref<80x128xi32, #tpu.memory_space<vmem>>)
      tpu.yield
    }) : () -> ()
    %dma_start3A = arith.constant 0 : i32
    %dma_start3A_5 = arith.constant 0 : i32
    %dma_start3A_6 = arith.constant 0 : i32
    %dma_start3A_7 = arith.constant 0 : i32
    %dma_start3A_8 = tpu.memref_slice %arg6[%dma_start3A_5, %dma_start3A_6, %dma_start3A_7] : memref<2x128x128xf32, #tpu.memory_space<vmem>> -> memref<1x128x128xf32, #tpu.memory_space<vmem>>
    %dma_start3A_9 = tpu.memref_squeeze %dma_start3A_8 : memref<1x128x128xf32, #tpu.memory_space<vmem>> -> memref<128x128xf32, #tpu.memory_space<vmem>>
    %dma_start3A_10 = arith.constant 0 : i32
    %dma_start3A_11 = tpu.memref_slice %arg5[%dma_start3A, %dma_start3A_10] : memref<80x128xi32, #tpu.memory_space<vmem>> -> memref<1x128xi32, #tpu.memory_space<vmem>>
    %dma_start3A_12 = tpu.memref_squeeze %dma_start3A_11 : memref<1x128xi32, #tpu.memory_space<vmem>> -> memref<128xi32, #tpu.memory_space<vmem>>
    %dma_start3A_13 = arith.constant 0 : i32
    %dma_start3A_14 = arith.constant 0 : i32
    %dma_start3A_15 = tpu.memref_slice %arg2[%dma_start3A_13, %dma_start3A_14] : memref<16384x128xf32, #tpu.memory_space<hbm>> -> memref<16384x128xf32, #tpu.memory_space<hbm>>
    tpu.enqueue_indirect_dma source(%dma_start3A_15 : memref<16384x128xf32, #tpu.memory_space<hbm>>) target(%dma_start3A_9 : memref<128x128xf32, #tpu.memory_space<vmem>>) offsets(%dma_start3A_12 : memref<128xi32, #tpu.memory_space<vmem>>) semaphore(%arg7 : memref<!tpu.dma_semaphore, #tpu.memory_space<semaphore_mem>>)
    %scan3A = arith.constant 0 : i32
    %scan3A_16 = arith.constant 0 : i32
    %scan3A_17 = arith.constant 40 : i32
    %scan3A_18 = arith.addi %scan3A_16, %scan3A_17 : i32
    %scan3A_19 = arith.constant 1 : i32
    scf.for %scan3A_21 = %scan3A_16 to %scan3A_18 step %scan3A_19  : i32 {
      %mul3A_22 = arith.constant 2 : i32
      %mul3A_23 = arith.muli %scan3A_21, %mul3A_22 : i32
      %add3A_24 = arith.constant 1 : i32
      %add3A_25 = arith.addi %mul3A_23, %add3A_24 : i32
      %dma_start3A_26 = arith.constant 1 : i32
      %dma_start3A_27 = arith.constant 0 : i32
      %dma_start3A_28 = arith.constant 0 : i32
      %dma_start3A_29 = tpu.memref_slice %arg6[%dma_start3A_26, %dma_start3A_27, %dma_start3A_28] : memref<2x128x128xf32, #tpu.memory_space<vmem>> -> memref<1x128x128xf32, #tpu.memory_space<vmem>>
      %dma_start3A_30 = tpu.memref_squeeze %dma_start3A_29 : memref<1x128x128xf32, #tpu.memory_space<vmem>> -> memref<128x128xf32, #tpu.memory_space<vmem>>
      %dma_start3A_31 = arith.constant 0 : i32
      %dma_start3A_32 = tpu.memref_slice %arg5[%add3A_25, %dma_start3A_31] : memref<80x128xi32, #tpu.memory_space<vmem>> -> memref<1x128xi32, #tpu.memory_space<vmem>>
      %dma_start3A_33 = tpu.memref_squeeze %dma_start3A_32 : memref<1x128xi32, #tpu.memory_space<vmem>> -> memref<128xi32, #tpu.memory_space<vmem>>
      %dma_start3A_34 = arith.constant 0 : i32
      %dma_start3A_35 = arith.constant 0 : i32
      %dma_start3A_36 = tpu.memref_slice %arg2[%dma_start3A_34, %dma_start3A_35] : memref<16384x128xf32, #tpu.memory_space<hbm>> -> memref<16384x128xf32, #tpu.memory_space<hbm>>
      tpu.enqueue_indirect_dma source(%dma_start3A_36 : memref<16384x128xf32, #tpu.memory_space<hbm>>) target(%dma_start3A_30 : memref<128x128xf32, #tpu.memory_space<vmem>>) offsets(%dma_start3A_33 : memref<128xi32, #tpu.memory_space<vmem>>) semaphore(%arg8 : memref<!tpu.dma_semaphore, #tpu.memory_space<semaphore_mem>>)
      %dma_wait3A = arith.constant 0 : i32
      %dma_wait3A_37 = arith.constant 0 : i32
      %dma_wait3A_38 = arith.constant 0 : i32
      %dma_wait3A_39 = tpu.memref_slice %arg6[%dma_wait3A, %dma_wait3A_37, %dma_wait3A_38] : memref<2x128x128xf32, #tpu.memory_space<vmem>> -> memref<1x128x128xf32, #tpu.memory_space<vmem>>
      %dma_wait3A_40 = tpu.memref_squeeze %dma_wait3A_39 : memref<1x128x128xf32, #tpu.memory_space<vmem>> -> memref<128x128xf32, #tpu.memory_space<vmem>>
      %dma_wait3A_41 = arith.constant 0 : i32
      %dma_wait3A_42 = tpu.memref_slice %arg5[%mul3A_23, %dma_wait3A_41] : memref<80x128xi32, #tpu.memory_space<vmem>> -> memref<1x128xi32, #tpu.memory_space<vmem>>
      %dma_wait3A_43 = tpu.memref_squeeze %dma_wait3A_42 : memref<1x128xi32, #tpu.memory_space<vmem>> -> memref<128xi32, #tpu.memory_space<vmem>>
      %dma_wait3A_44 = arith.constant 0 : i32
      %dma_wait3A_45 = arith.constant 0 : i32
      %dma_wait3A_46 = tpu.memref_slice %arg2[%dma_wait3A_44, %dma_wait3A_45] : memref<16384x128xf32, #tpu.memory_space<hbm>> -> memref<16384x128xf32, #tpu.memory_space<hbm>>
      tpu.wait_indirect_dma semaphore(%arg7 : memref<!tpu.dma_semaphore, #tpu.memory_space<semaphore_mem>>) src(%dma_wait3A_46 : memref<16384x128xf32, #tpu.memory_space<hbm>>) dst(%dma_wait3A_40 : memref<128x128xf32, #tpu.memory_space<vmem>>)
      %mul3A_47 = arith.constant 128 : i32
      %mul3A_48 = arith.muli %mul3A_23, %mul3A_47 : i32
      %add3A_49 = arith.addi %mul3A_2, %mul3A_48 : i32
      %run_scoped3A = arith.constant 0 : i32
      "tpu.region"() ({
        %run_scoped3A_73 = tpu.sem_alloc : memref<!tpu.dma_semaphore, #tpu.memory_space<semaphore_mem>>
        %dma_start3A_74 = arith.constant 0 : i32
        %dma_start3A_75 = arith.constant 0 : i32
        %dma_start3A_76 = tpu.memref_slice %arg6[%run_scoped3A, %dma_start3A_74, %dma_start3A_75] : memref<2x128x128xf32, #tpu.memory_space<vmem>> -> memref<1x128x128xf32, #tpu.memory_space<vmem>>
        %dma_start3A_77 = tpu.memref_squeeze %dma_start3A_76 : memref<1x128x128xf32, #tpu.memory_space<vmem>> -> memref<128x128xf32, #tpu.memory_space<vmem>>
        %dma_start3A_78 = arith.constant 0 : i32
        %dma_start3A_79 = tpu.memref_slice %arg4[%add3A_49, %dma_start3A_78] : memref<327680x128xf32, #tpu.memory_space<hbm>> -> memref<128x128xf32, #tpu.memory_space<hbm>>
        %dma_start3A_80 = arith.constant 0 : i32
        %dma_start3A_81 = tpu.memref_slice %arg4[%add3A_49, %dma_start3A_80] : memref<327680x128xf32, #tpu.memory_space<hbm>> -> memref<128x128xf32, #tpu.memory_space<hbm>>
        %dma_start3A_82 = arith.constant 0 : i32
        %dma_start3A_83 = arith.constant 0 : i32
        %dma_start3A_84 = tpu.memref_slice %arg6[%run_scoped3A, %dma_start3A_82, %dma_start3A_83] : memref<2x128x128xf32, #tpu.memory_space<vmem>> -> memref<1x128x128xf32, #tpu.memory_space<vmem>>
        %dma_start3A_85 = tpu.memref_squeeze %dma_start3A_84 : memref<1x128x128xf32, #tpu.memory_space<vmem>> -> memref<128x128xf32, #tpu.memory_space<vmem>>
        tpu.enqueue_dma source(%dma_start3A_85 : memref<128x128xf32, #tpu.memory_space<vmem>>) target(%dma_start3A_81 : memref<128x128xf32, #tpu.memory_space<hbm>>) target_semaphore(%run_scoped3A_73 : memref<!tpu.dma_semaphore, #tpu.memory_space<semaphore_mem>>)
        %dma_wait3A_86 = arith.constant 0 : i32
        %dma_wait3A_87 = arith.constant 0 : i32
        %dma_wait3A_88 = tpu.memref_slice %arg6[%run_scoped3A, %dma_wait3A_86, %dma_wait3A_87] : memref<2x128x128xf32, #tpu.memory_space<vmem>> -> memref<1x128x128xf32, #tpu.memory_space<vmem>>
        %dma_wait3A_89 = tpu.memref_squeeze %dma_wait3A_88 : memref<1x128x128xf32, #tpu.memory_space<vmem>> -> memref<128x128xf32, #tpu.memory_space<vmem>>
        %dma_wait3A_90 = arith.constant 0 : i32
        %dma_wait3A_91 = tpu.memref_slice %arg4[%add3A_49, %dma_wait3A_90] : memref<327680x128xf32, #tpu.memory_space<hbm>> -> memref<128x128xf32, #tpu.memory_space<hbm>>
        %dma_wait3A_92 = arith.constant 0 : i32
        %dma_wait3A_93 = tpu.memref_slice %arg4[%add3A_49, %dma_wait3A_92] : memref<327680x128xf32, #tpu.memory_space<hbm>> -> memref<128x128xf32, #tpu.memory_space<hbm>>
        %dma_wait3A_94 = arith.constant 0 : i32
        %dma_wait3A_95 = arith.constant 0 : i32
        %dma_wait3A_96 = tpu.memref_slice %arg6[%run_scoped3A, %dma_wait3A_94, %dma_wait3A_95] : memref<2x128x128xf32, #tpu.memory_space<vmem>> -> memref<1x128x128xf32, #tpu.memory_space<vmem>>
        %dma_wait3A_97 = tpu.memref_squeeze %dma_wait3A_96 : memref<1x128x128xf32, #tpu.memory_space<vmem>> -> memref<128x128xf32, #tpu.memory_space<vmem>>
        tpu.wait_dma2 semaphore(%run_scoped3A_73 : memref<!tpu.dma_semaphore, #tpu.memory_space<semaphore_mem>>) src(%dma_wait3A_97 : memref<128x128xf32, #tpu.memory_space<vmem>>) dst(%dma_wait3A_93 : memref<128x128xf32, #tpu.memory_space<hbm>>)
        tpu.yield
      }) : () -> ()
      %add3A_50 = arith.constant 2 : i32
      %add3A_51 = arith.addi %mul3A_23, %add3A_50 : i32
      %lt3A = arith.constant 80 : i32
      %lt3A_52 = arith.cmpi slt, %add3A_51, %lt3A : i32
      %convert_element_type3A = arith.extui %lt3A_52 : i1 to i32
      %cond3A = arith.constant 0 : i32
      %cond3A_53 = arith.cmpi ne, %convert_element_type3A, %cond3A : i32
      scf.if %cond3A_53 {
        %add3A_73 = arith.constant 2 : i32
        %add3A_74 = arith.addi %mul3A_23, %add3A_73 : i32
        %dma_start3A_75 = arith.constant 0 : i32
        %dma_start3A_76 = arith.constant 0 : i32
        %dma_start3A_77 = arith.constant 0 : i32
        %dma_start3A_78 = tpu.memref_slice %arg6[%dma_start3A_75, %dma_start3A_76, %dma_start3A_77] : memref<2x128x128xf32, #tpu.memory_space<vmem>> -> memref<1x128x128xf32, #tpu.memory_space<vmem>>
        %dma_start3A_79 = tpu.memref_squeeze %dma_start3A_78 : memref<1x128x128xf32, #tpu.memory_space<vmem>> -> memref<128x128xf32, #tpu.memory_space<vmem>>
        %dma_start3A_80 = arith.constant 0 : i32
        %dma_start3A_81 = tpu.memref_slice %arg5[%add3A_74, %dma_start3A_80] : memref<80x128xi32, #tpu.memory_space<vmem>> -> memref<1x128xi32, #tpu.memory_space<vmem>>
        %dma_start3A_82 = tpu.memref_squeeze %dma_start3A_81 : memref<1x128xi32, #tpu.memory_space<vmem>> -> memref<128xi32, #tpu.memory_space<vmem>>
        %dma_start3A_83 = arith.constant 0 : i32
        %dma_start3A_84 = arith.constant 0 : i32
        %dma_start3A_85 = tpu.memref_slice %arg2[%dma_start3A_83, %dma_start3A_84] : memref<16384x128xf32, #tpu.memory_space<hbm>> -> memref<16384x128xf32, #tpu.memory_space<hbm>>
        tpu.enqueue_indirect_dma source(%dma_start3A_85 : memref<16384x128xf32, #tpu.memory_space<hbm>>) target(%dma_start3A_79 : memref<128x128xf32, #tpu.memory_space<vmem>>) offsets(%dma_start3A_82 : memref<128xi32, #tpu.memory_space<vmem>>) semaphore(%arg7 : memref<!tpu.dma_semaphore, #tpu.memory_space<semaphore_mem>>)
      } else {
      }
      %add3A_54 = arith.constant 1 : i32
      %add3A_55 = arith.addi %mul3A_23, %add3A_54 : i32
      %dma_wait3A_56 = arith.constant 1 : i32
      %dma_wait3A_57 = arith.constant 0 : i32
      %dma_wait3A_58 = arith.constant 0 : i32
      %dma_wait3A_59 = tpu.memref_slice %arg6[%dma_wait3A_56, %dma_wait3A_57, %dma_wait3A_58] : memref<2x128x128xf32, #tpu.memory_space<vmem>> -> memref<1x128x128xf32, #tpu.memory_space<vmem>>
      %dma_wait3A_60 = tpu.memref_squeeze %dma_wait3A_59 : memref<1x128x128xf32, #tpu.memory_space<vmem>> -> memref<128x128xf32, #tpu.memory_space<vmem>>
      %dma_wait3A_61 = arith.constant 0 : i32
      %dma_wait3A_62 = tpu.memref_slice %arg5[%add3A_55, %dma_wait3A_61] : memref<80x128xi32, #tpu.memory_space<vmem>> -> memref<1x128xi32, #tpu.memory_space<vmem>>
      %dma_wait3A_63 = tpu.memref_squeeze %dma_wait3A_62 : memref<1x128xi32, #tpu.memory_space<vmem>> -> memref<128xi32, #tpu.memory_space<vmem>>
      %dma_wait3A_64 = arith.constant 0 : i32
      %dma_wait3A_65 = arith.constant 0 : i32
      %dma_wait3A_66 = tpu.memref_slice %arg2[%dma_wait3A_64, %dma_wait3A_65] : memref<16384x128xf32, #tpu.memory_space<hbm>> -> memref<16384x128xf32, #tpu.memory_space<hbm>>
      tpu.wait_indirect_dma semaphore(%arg8 : memref<!tpu.dma_semaphore, #tpu.memory_space<semaphore_mem>>) src(%dma_wait3A_66 : memref<16384x128xf32, #tpu.memory_space<hbm>>) dst(%dma_wait3A_60 : memref<128x128xf32, #tpu.memory_space<vmem>>)
      %add3A_67 = arith.constant 1 : i32
      %add3A_68 = arith.addi %mul3A_23, %add3A_67 : i32
      %mul3A_69 = arith.constant 128 : i32
      %mul3A_70 = arith.muli %add3A_68, %mul3A_69 : i32
      %add3A_71 = arith.addi %mul3A_2, %mul3A_70 : i32
      %run_scoped3A_72 = arith.constant 1 : i32
      "tpu.region"() ({
        %run_scoped3A_73 = tpu.sem_alloc : memref<!tpu.dma_semaphore, #tpu.memory_space<semaphore_mem>>
        %dma_start3A_74 = arith.constant 0 : i32
        %dma_start3A_75 = arith.constant 0 : i32
        %dma_start3A_76 = tpu.memref_slice %arg6[%run_scoped3A_72, %dma_start3A_74, %dma_start3A_75] : memref<2x128x128xf32, #tpu.memory_space<vmem>> -> memref<1x128x128xf32, #tpu.memory_space<vmem>>
        %dma_start3A_77 = tpu.memref_squeeze %dma_start3A_76 : memref<1x128x128xf32, #tpu.memory_space<vmem>> -> memref<128x128xf32, #tpu.memory_space<vmem>>
        %dma_start3A_78 = arith.constant 0 : i32
        %dma_start3A_79 = tpu.memref_slice %arg4[%add3A_71, %dma_start3A_78] : memref<327680x128xf32, #tpu.memory_space<hbm>> -> memref<128x128xf32, #tpu.memory_space<hbm>>
        %dma_start3A_80 = arith.constant 0 : i32
        %dma_start3A_81 = tpu.memref_slice %arg4[%add3A_71, %dma_start3A_80] : memref<327680x128xf32, #tpu.memory_space<hbm>> -> memref<128x128xf32, #tpu.memory_space<hbm>>
        %dma_start3A_82 = arith.constant 0 : i32
        %dma_start3A_83 = arith.constant 0 : i32
        %dma_start3A_84 = tpu.memref_slice %arg6[%run_scoped3A_72, %dma_start3A_82, %dma_start3A_83] : memref<2x128x128xf32, #tpu.memory_space<vmem>> -> memref<1x128x128xf32, #tpu.memory_space<vmem>>
        %dma_start3A_85 = tpu.memref_squeeze %dma_start3A_84 : memref<1x128x128xf32, #tpu.memory_space<vmem>> -> memref<128x128xf32, #tpu.memory_space<vmem>>
        tpu.enqueue_dma source(%dma_start3A_85 : memref<128x128xf32, #tpu.memory_space<vmem>>) target(%dma_start3A_81 : memref<128x128xf32, #tpu.memory_space<hbm>>) target_semaphore(%run_scoped3A_73 : memref<!tpu.dma_semaphore, #tpu.memory_space<semaphore_mem>>)
        %dma_wait3A_86 = arith.constant 0 : i32
        %dma_wait3A_87 = arith.constant 0 : i32
        %dma_wait3A_88 = tpu.memref_slice %arg6[%run_scoped3A_72, %dma_wait3A_86, %dma_wait3A_87] : memref<2x128x128xf32, #tpu.memory_space<vmem>> -> memref<1x128x128xf32, #tpu.memory_space<vmem>>
        %dma_wait3A_89 = tpu.memref_squeeze %dma_wait3A_88 : memref<1x128x128xf32, #tpu.memory_space<vmem>> -> memref<128x128xf32, #tpu.memory_space<vmem>>
        %dma_wait3A_90 = arith.constant 0 : i32
        %dma_wait3A_91 = tpu.memref_slice %arg4[%add3A_71, %dma_wait3A_90] : memref<327680x128xf32, #tpu.memory_space<hbm>> -> memref<128x128xf32, #tpu.memory_space<hbm>>
        %dma_wait3A_92 = arith.constant 0 : i32
        %dma_wait3A_93 = tpu.memref_slice %arg4[%add3A_71, %dma_wait3A_92] : memref<327680x128xf32, #tpu.memory_space<hbm>> -> memref<128x128xf32, #tpu.memory_space<hbm>>
        %dma_wait3A_94 = arith.constant 0 : i32
        %dma_wait3A_95 = arith.constant 0 : i32
        %dma_wait3A_96 = tpu.memref_slice %arg6[%run_scoped3A_72, %dma_wait3A_94, %dma_wait3A_95] : memref<2x128x128xf32, #tpu.memory_space<vmem>> -> memref<1x128x128xf32, #tpu.memory_space<vmem>>
        %dma_wait3A_97 = tpu.memref_squeeze %dma_wait3A_96 : memref<1x128x128xf32, #tpu.memory_space<vmem>> -> memref<128x128xf32, #tpu.memory_space<vmem>>
        tpu.wait_dma2 semaphore(%run_scoped3A_73 : memref<!tpu.dma_semaphore, #tpu.memory_space<semaphore_mem>>) src(%dma_wait3A_97 : memref<128x128xf32, #tpu.memory_space<vmem>>) dst(%dma_wait3A_93 : memref<128x128xf32, #tpu.memory_space<hbm>>)
        tpu.yield
      }) : () -> ()
    }
    %scan3A_20 = arith.constant 40 : i32
    return
  }
}

#map = affine_map<(d0, d1) -> (0, 0)>
module attributes {stable_mosaic.version = 14 : i64} {
  func.func @k(%arg0: i32, %arg1: i32, %arg2: memref<16384x128xf32, #tpu.memory_space<hbm>>, %arg3: memref<2560x128xi32, #tpu.memory_space<hbm>>, %arg4: memref<327680x128xf32, #tpu.memory_space<hbm>>, %arg5: memref<80x128xi32, #tpu.memory_space<vmem>>, %arg6: memref<2x128x128xf32, #tpu.memory_space<vmem>>, %arg7: memref<!tpu.dma_semaphore, #tpu.memory_space<semaphore_mem>>, %arg8: memref<!tpu.dma_semaphore, #tpu.memory_space<semaphore_mem>>) attributes {dimension_semantics = [#tpu.dimension_semantics<core_parallel>, #tpu.dimension_semantics<subcore_parallel>], iteration_bounds = array<i64: 2, 16>, scalar_prefetch = 0 : i64, scratch_operands = 4 : i64, tpu.core_type = #tpu.core_type<sc_vector_subcore>, window_params = [{transform_indices = #map}, {transform_indices = #map}, {transform_indices = #map}]} {
    %mul3A = arith.constant 2 : i32
    %mul3A_0 = arith.muli %arg1, %mul3A : i32
    %add3A = arith.addi %mul3A_0, %arg0 : i32
    %mul3A_1 = arith.constant 10240 : i32
    %mul3A_2 = arith.muli %add3A, %mul3A_1 : i32
    %mul3A_3 = arith.constant 80 : i32
    %mul3A_4 = arith.muli %add3A, %mul3A_3 : i32
    "tpu.region"() ({
      %run_scoped3A = tpu.sem_alloc : memref<!tpu.dma_semaphore, #tpu.memory_space<semaphore_mem>>
      %dma_start3A_21 = arith.constant 0 : i32
      %dma_start3A_22 = tpu.memref_slice %arg3[%mul3A_4, %dma_start3A_21] : memref<2560x128xi32, #tpu.memory_space<hbm>> -> memref<80x128xi32, #tpu.memory_space<hbm>>
      %dma_start3A_23 = arith.constant 0 : i32
      %dma_start3A_24 = tpu.memref_slice %arg3[%mul3A_4, %dma_start3A_23] : memref<2560x128xi32, #tpu.memory_space<hbm>> -> memref<80x128xi32, #tpu.memory_space<hbm>>
      tpu.enqueue_dma source(%dma_start3A_24 : memref<80x128xi32, #tpu.memory_space<hbm>>) target(%arg5 : memref<80x128xi32, #tpu.memory_space<vmem>>) target_semaphore(%run_scoped3A : memref<!tpu.dma_semaphore, #tpu.memory_space<semaphore_mem>>)
      %dma_wait3A = arith.constant 0 : i32
      %dma_wait3A_25 = tpu.memref_slice %arg3[%mul3A_4, %dma_wait3A] : memref<2560x128xi32, #tpu.memory_space<hbm>> -> memref<80x128xi32, #tpu.memory_space<hbm>>
      %dma_wait3A_26 = arith.constant 0 : i32
      %dma_wait3A_27 = tpu.memref_slice %arg3[%mul3A_4, %dma_wait3A_26] : memref<2560x128xi32, #tpu.memory_space<hbm>> -> memref<80x128xi32, #tpu.memory_space<hbm>>
      tpu.wait_dma2 semaphore(%run_scoped3A : memref<!tpu.dma_semaphore, #tpu.memory_space<semaphore_mem>>) src(%dma_wait3A_27 : memref<80x128xi32, #tpu.memory_space<hbm>>) dst(%arg5 : memref<80x128xi32, #tpu.memory_space<vmem>>)
      tpu.yield
    }) : () -> ()
    %dma_start3A = arith.constant 0 : i32
    %dma_start3A_5 = arith.constant 0 : i32
    %dma_start3A_6 = arith.constant 0 : i32
    %dma_start3A_7 = arith.constant 0 : i32
    %dma_start3A_8 = tpu.memref_slice %arg6[%dma_start3A_5, %dma_start3A_6, %dma_start3A_7] : memref<2x128x128xf32, #tpu.memory_space<vmem>> -> memref<1x128x128xf32, #tpu.memory_space<vmem>>
    %dma_start3A_9 = tpu.memref_squeeze %dma_start3A_8 : memref<1x128x128xf32, #tpu.memory_space<vmem>> -> memref<128x128xf32, #tpu.memory_space<vmem>>
    %dma_start3A_10 = arith.constant 0 : i32
    %dma_start3A_11 = tpu.memref_slice %arg5[%dma_start3A, %dma_start3A_10] : memref<80x128xi32, #tpu.memory_space<vmem>> -> memref<1x128xi32, #tpu.memory_space<vmem>>
    %dma_start3A_12 = tpu.memref_squeeze %dma_start3A_11 : memref<1x128xi32, #tpu.memory_space<vmem>> -> memref<128xi32, #tpu.memory_space<vmem>>
    %dma_start3A_13 = arith.constant 0 : i32
    %dma_start3A_14 = arith.constant 0 : i32
    %dma_start3A_15 = tpu.memref_slice %arg2[%dma_start3A_13, %dma_start3A_14] : memref<16384x128xf32, #tpu.memory_space<hbm>> -> memref<16384x128xf32, #tpu.memory_space<hbm>>
    tpu.enqueue_indirect_dma source(%dma_start3A_15 : memref<16384x128xf32, #tpu.memory_space<hbm>>) target(%dma_start3A_9 : memref<128x128xf32, #tpu.memory_space<vmem>>) offsets(%dma_start3A_12 : memref<128xi32, #tpu.memory_space<vmem>>) semaphore(%arg7 : memref<!tpu.dma_semaphore, #tpu.memory_space<semaphore_mem>>)
    %scan3A = arith.constant 0 : i32
    %scan3A_16 = arith.constant 0 : i32
    %scan3A_17 = arith.constant 40 : i32
    %scan3A_18 = arith.addi %scan3A_16, %scan3A_17 : i32
    %scan3A_19 = arith.constant 1 : i32
    scf.for %scan3A_21 = %scan3A_16 to %scan3A_18 step %scan3A_19  : i32 {
      %mul3A_22 = arith.constant 2 : i32
      %mul3A_23 = arith.muli %scan3A_21, %mul3A_22 : i32
      %add3A_24 = arith.constant 1 : i32
      %add3A_25 = arith.addi %mul3A_23, %add3A_24 : i32
      %dma_start3A_26 = arith.constant 1 : i32
      %dma_start3A_27 = arith.constant 0 : i32
      %dma_start3A_28 = arith.constant 0 : i32
      %dma_start3A_29 = tpu.memref_slice %arg6[%dma_start3A_26, %dma_start3A_27, %dma_start3A_28] : memref<2x128x128xf32, #tpu.memory_space<vmem>> -> memref<1x128x128xf32, #tpu.memory_space<vmem>>
      %dma_start3A_30 = tpu.memref_squeeze %dma_start3A_29 : memref<1x128x128xf32, #tpu.memory_space<vmem>> -> memref<128x128xf32, #tpu.memory_space<vmem>>
      %dma_start3A_31 = arith.constant 0 : i32
      %dma_start3A_32 = tpu.memref_slice %arg5[%add3A_25, %dma_start3A_31] : memref<80x128xi32, #tpu.memory_space<vmem>> -> memref<1x128xi32, #tpu.memory_space<vmem>>
      %dma_start3A_33 = tpu.memref_squeeze %dma_start3A_32 : memref<1x128xi32, #tpu.memory_space<vmem>> -> memref<128xi32, #tpu.memory_space<vmem>>
      %dma_start3A_34 = arith.constant 0 : i32
      %dma_start3A_35 = arith.constant 0 : i32
      %dma_start3A_36 = tpu.memref_slice %arg2[%dma_start3A_34, %dma_start3A_35] : memref<16384x128xf32, #tpu.memory_space<hbm>> -> memref<16384x128xf32, #tpu.memory_space<hbm>>
      tpu.enqueue_indirect_dma source(%dma_start3A_36 : memref<16384x128xf32, #tpu.memory_space<hbm>>) target(%dma_start3A_30 : memref<128x128xf32, #tpu.memory_space<vmem>>) offsets(%dma_start3A_33 : memref<128xi32, #tpu.memory_space<vmem>>) semaphore(%arg8 : memref<!tpu.dma_semaphore, #tpu.memory_space<semaphore_mem>>)
      %dma_wait3A = arith.constant 0 : i32
      %dma_wait3A_37 = arith.constant 0 : i32
      %dma_wait3A_38 = arith.constant 0 : i32
      %dma_wait3A_39 = tpu.memref_slice %arg6[%dma_wait3A, %dma_wait3A_37, %dma_wait3A_38] : memref<2x128x128xf32, #tpu.memory_space<vmem>> -> memref<1x128x128xf32, #tpu.memory_space<vmem>>
      %dma_wait3A_40 = tpu.memref_squeeze %dma_wait3A_39 : memref<1x128x128xf32, #tpu.memory_space<vmem>> -> memref<128x128xf32, #tpu.memory_space<vmem>>
      %dma_wait3A_41 = arith.constant 0 : i32
      %dma_wait3A_42 = tpu.memref_slice %arg5[%mul3A_23, %dma_wait3A_41] : memref<80x128xi32, #tpu.memory_space<vmem>> -> memref<1x128xi32, #tpu.memory_space<vmem>>
      %dma_wait3A_43 = tpu.memref_squeeze %dma_wait3A_42 : memref<1x128xi32, #tpu.memory_space<vmem>> -> memref<128xi32, #tpu.memory_space<vmem>>
      %dma_wait3A_44 = arith.constant 0 : i32
      %dma_wait3A_45 = arith.constant 0 : i32
      %dma_wait3A_46 = tpu.memref_slice %arg2[%dma_wait3A_44, %dma_wait3A_45] : memref<16384x128xf32, #tpu.memory_space<hbm>> -> memref<16384x128xf32, #tpu.memory_space<hbm>>
      tpu.wait_indirect_dma semaphore(%arg7 : memref<!tpu.dma_semaphore, #tpu.memory_space<semaphore_mem>>) src(%dma_wait3A_46 : memref<16384x128xf32, #tpu.memory_space<hbm>>) dst(%dma_wait3A_40 : memref<128x128xf32, #tpu.memory_space<vmem>>)
      %mul3A_47 = arith.constant 128 : i32
      %mul3A_48 = arith.muli %mul3A_23, %mul3A_47 : i32
      %add3A_49 = arith.addi %mul3A_2, %mul3A_48 : i32
      %run_scoped3A = arith.constant 0 : i32
      "tpu.region"() ({
        %run_scoped3A_73 = tpu.sem_alloc : memref<!tpu.dma_semaphore, #tpu.memory_space<semaphore_mem>>
        %dma_start3A_74 = arith.constant 0 : i32
        %dma_start3A_75 = arith.constant 0 : i32
        %dma_start3A_76 = tpu.memref_slice %arg6[%run_scoped3A, %dma_start3A_74, %dma_start3A_75] : memref<2x128x128xf32, #tpu.memory_space<vmem>> -> memref<1x128x128xf32, #tpu.memory_space<vmem>>
        %dma_start3A_77 = tpu.memref_squeeze %dma_start3A_76 : memref<1x128x128xf32, #tpu.memory_space<vmem>> -> memref<128x128xf32, #tpu.memory_space<vmem>>
        %dma_start3A_78 = arith.constant 0 : i32
        %dma_start3A_79 = tpu.memref_slice %arg4[%add3A_49, %dma_start3A_78] : memref<327680x128xf32, #tpu.memory_space<hbm>> -> memref<128x128xf32, #tpu.memory_space<hbm>>
        %dma_start3A_80 = arith.constant 0 : i32
        %dma_start3A_81 = tpu.memref_slice %arg4[%add3A_49, %dma_start3A_80] : memref<327680x128xf32, #tpu.memory_space<hbm>> -> memref<128x128xf32, #tpu.memory_space<hbm>>
        %dma_start3A_82 = arith.constant 0 : i32
        %dma_start3A_83 = arith.constant 0 : i32
        %dma_start3A_84 = tpu.memref_slice %arg6[%run_scoped3A, %dma_start3A_82, %dma_start3A_83] : memref<2x128x128xf32, #tpu.memory_space<vmem>> -> memref<1x128x128xf32, #tpu.memory_space<vmem>>
        %dma_start3A_85 = tpu.memref_squeeze %dma_start3A_84 : memref<1x128x128xf32, #tpu.memory_space<vmem>> -> memref<128x128xf32, #tpu.memory_space<vmem>>
        tpu.enqueue_dma source(%dma_start3A_85 : memref<128x128xf32, #tpu.memory_space<vmem>>) target(%dma_start3A_81 : memref<128x128xf32, #tpu.memory_space<hbm>>) target_semaphore(%run_scoped3A_73 : memref<!tpu.dma_semaphore, #tpu.memory_space<semaphore_mem>>)
        %dma_wait3A_86 = arith.constant 0 : i32
        %dma_wait3A_87 = arith.constant 0 : i32
        %dma_wait3A_88 = tpu.memref_slice %arg6[%run_scoped3A, %dma_wait3A_86, %dma_wait3A_87] : memref<2x128x128xf32, #tpu.memory_space<vmem>> -> memref<1x128x128xf32, #tpu.memory_space<vmem>>
        %dma_wait3A_89 = tpu.memref_squeeze %dma_wait3A_88 : memref<1x128x128xf32, #tpu.memory_space<vmem>> -> memref<128x128xf32, #tpu.memory_space<vmem>>
        %dma_wait3A_90 = arith.constant 0 : i32
        %dma_wait3A_91 = tpu.memref_slice %arg4[%add3A_49, %dma_wait3A_90] : memref<327680x128xf32, #tpu.memory_space<hbm>> -> memref<128x128xf32, #tpu.memory_space<hbm>>
        %dma_wait3A_92 = arith.constant 0 : i32
        %dma_wait3A_93 = tpu.memref_slice %arg4[%add3A_49, %dma_wait3A_92] : memref<327680x128xf32, #tpu.memory_space<hbm>> -> memref<128x128xf32, #tpu.memory_space<hbm>>
        %dma_wait3A_94 = arith.constant 0 : i32
        %dma_wait3A_95 = arith.constant 0 : i32
        %dma_wait3A_96 = tpu.memref_slice %arg6[%run_scoped3A, %dma_wait3A_94, %dma_wait3A_95] : memref<2x128x128xf32, #tpu.memory_space<vmem>> -> memref<1x128x128xf32, #tpu.memory_space<vmem>>
        %dma_wait3A_97 = tpu.memref_squeeze %dma_wait3A_96 : memref<1x128x128xf32, #tpu.memory_space<vmem>> -> memref<128x128xf32, #tpu.memory_space<vmem>>
        tpu.wait_dma2 semaphore(%run_scoped3A_73 : memref<!tpu.dma_semaphore, #tpu.memory_space<semaphore_mem>>) src(%dma_wait3A_97 : memref<128x128xf32, #tpu.memory_space<vmem>>) dst(%dma_wait3A_93 : memref<128x128xf32, #tpu.memory_space<hbm>>)
        tpu.yield
      }) : () -> ()
      %add3A_50 = arith.constant 2 : i32
      %add3A_51 = arith.addi %mul3A_23, %add3A_50 : i32
      %lt3A = arith.constant 80 : i32
      %lt3A_52 = arith.cmpi slt, %add3A_51, %lt3A : i32
      %convert_element_type3A = arith.extui %lt3A_52 : i1 to i32
      %cond3A = arith.constant 0 : i32
      %cond3A_53 = arith.cmpi ne, %convert_element_type3A, %cond3A : i32
      scf.if %cond3A_53 {
        %add3A_73 = arith.constant 2 : i32
        %add3A_74 = arith.addi %mul3A_23, %add3A_73 : i32
        %dma_start3A_75 = arith.constant 0 : i32
        %dma_start3A_76 = arith.constant 0 : i32
        %dma_start3A_77 = arith.constant 0 : i32
        %dma_start3A_78 = tpu.memref_slice %arg6[%dma_start3A_75, %dma_start3A_76, %dma_start3A_77] : memref<2x128x128xf32, #tpu.memory_space<vmem>> -> memref<1x128x128xf32, #tpu.memory_space<vmem>>
        %dma_start3A_79 = tpu.memref_squeeze %dma_start3A_78 : memref<1x128x128xf32, #tpu.memory_space<vmem>> -> memref<128x128xf32, #tpu.memory_space<vmem>>
        %dma_start3A_80 = arith.constant 0 : i32
        %dma_start3A_81 = tpu.memref_slice %arg5[%add3A_74, %dma_start3A_80] : memref<80x128xi32, #tpu.memory_space<vmem>> -> memref<1x128xi32, #tpu.memory_space<vmem>>
        %dma_start3A_82 = tpu.memref_squeeze %dma_start3A_81 : memref<1x128xi32, #tpu.memory_space<vmem>> -> memref<128xi32, #tpu.memory_space<vmem>>
        %dma_start3A_83 = arith.constant 0 : i32
        %dma_start3A_84 = arith.constant 0 : i32
        %dma_start3A_85 = tpu.memref_slice %arg2[%dma_start3A_83, %dma_start3A_84] : memref<16384x128xf32, #tpu.memory_space<hbm>> -> memref<16384x128xf32, #tpu.memory_space<hbm>>
        tpu.enqueue_indirect_dma source(%dma_start3A_85 : memref<16384x128xf32, #tpu.memory_space<hbm>>) target(%dma_start3A_79 : memref<128x128xf32, #tpu.memory_space<vmem>>) offsets(%dma_start3A_82 : memref<128xi32, #tpu.memory_space<vmem>>) semaphore(%arg7 : memref<!tpu.dma_semaphore, #tpu.memory_space<semaphore_mem>>)
      } else {
      }
      %add3A_54 = arith.constant 1 : i32
      %add3A_55 = arith.addi %mul3A_23, %add3A_54 : i32
      %dma_wait3A_56 = arith.constant 1 : i32
      %dma_wait3A_57 = arith.constant 0 : i32
      %dma_wait3A_58 = arith.constant 0 : i32
      %dma_wait3A_59 = tpu.memref_slice %arg6[%dma_wait3A_56, %dma_wait3A_57, %dma_wait3A_58] : memref<2x128x128xf32, #tpu.memory_space<vmem>> -> memref<1x128x128xf32, #tpu.memory_space<vmem>>
      %dma_wait3A_60 = tpu.memref_squeeze %dma_wait3A_59 : memref<1x128x128xf32, #tpu.memory_space<vmem>> -> memref<128x128xf32, #tpu.memory_space<vmem>>
      %dma_wait3A_61 = arith.constant 0 : i32
      %dma_wait3A_62 = tpu.memref_slice %arg5[%add3A_55, %dma_wait3A_61] : memref<80x128xi32, #tpu.memory_space<vmem>> -> memref<1x128xi32, #tpu.memory_space<vmem>>
      %dma_wait3A_63 = tpu.memref_squeeze %dma_wait3A_62 : memref<1x128xi32, #tpu.memory_space<vmem>> -> memref<128xi32, #tpu.memory_space<vmem>>
      %dma_wait3A_64 = arith.constant 0 : i32
      %dma_wait3A_65 = arith.constant 0 : i32
      %dma_wait3A_66 = tpu.memref_slice %arg2[%dma_wait3A_64, %dma_wait3A_65] : memref<16384x128xf32, #tpu.memory_space<hbm>> -> memref<16384x128xf32, #tpu.memory_space<hbm>>
      tpu.wait_indirect_dma semaphore(%arg8 : memref<!tpu.dma_semaphore, #tpu.memory_space<semaphore_mem>>) src(%dma_wait3A_66 : memref<16384x128xf32, #tpu.memory_space<hbm>>) dst(%dma_wait3A_60 : memref<128x128xf32, #tpu.memory_space<vmem>>)
      %add3A_67 = arith.constant 1 : i32
      %add3A_68 = arith.addi %mul3A_23, %add3A_67 : i32
      %mul3A_69 = arith.constant 128 : i32
      %mul3A_70 = arith.muli %add3A_68, %mul3A_69 : i32
      %add3A_71 = arith.addi %mul3A_2, %mul3A_70 : i32
      %run_scoped3A_72 = arith.constant 1 : i32
      "tpu.region"() ({
        %run_scoped3A_73 = tpu.sem_alloc : memref<!tpu.dma_semaphore, #tpu.memory_space<semaphore_mem>>
        %dma_start3A_74 = arith.constant 0 : i32
        %dma_start3A_75 = arith.constant 0 : i32
        %dma_start3A_76 = tpu.memref_slice %arg6[%run_scoped3A_72, %dma_start3A_74, %dma_start3A_75] : memref<2x128x128xf32, #tpu.memory_space<vmem>> -> memref<1x128x128xf32, #tpu.memory_space<vmem>>
        %dma_start3A_77 = tpu.memref_squeeze %dma_start3A_76 : memref<1x128x128xf32, #tpu.memory_space<vmem>> -> memref<128x128xf32, #tpu.memory_space<vmem>>
        %dma_start3A_78 = arith.constant 0 : i32
        %dma_start3A_79 = tpu.memref_slice %arg4[%add3A_71, %dma_start3A_78] : memref<327680x128xf32, #tpu.memory_space<hbm>> -> memref<128x128xf32, #tpu.memory_space<hbm>>
        %dma_start3A_80 = arith.constant 0 : i32
        %dma_start3A_81 = tpu.memref_slice %arg4[%add3A_71, %dma_start3A_80] : memref<327680x128xf32, #tpu.memory_space<hbm>> -> memref<128x128xf32, #tpu.memory_space<hbm>>
        %dma_start3A_82 = arith.constant 0 : i32
        %dma_start3A_83 = arith.constant 0 : i32
        %dma_start3A_84 = tpu.memref_slice %arg6[%run_scoped3A_72, %dma_start3A_82, %dma_start3A_83] : memref<2x128x128xf32, #tpu.memory_space<vmem>> -> memref<1x128x128xf32, #tpu.memory_space<vmem>>
        %dma_start3A_85 = tpu.memref_squeeze %dma_start3A_84 : memref<1x128x128xf32, #tpu.memory_space<vmem>> -> memref<128x128xf32, #tpu.memory_space<vmem>>
        tpu.enqueue_dma source(%dma_start3A_85 : memref<128x128xf32, #tpu.memory_space<vmem>>) target(%dma_start3A_81 : memref<128x128xf32, #tpu.memory_space<hbm>>) target_semaphore(%run_scoped3A_73 : memref<!tpu.dma_semaphore, #tpu.memory_space<semaphore_mem>>)
        %dma_wait3A_86 = arith.constant 0 : i32
        %dma_wait3A_87 = arith.constant 0 : i32
        %dma_wait3A_88 = tpu.memref_slice %arg6[%run_scoped3A_72, %dma_wait3A_86, %dma_wait3A_87] : memref<2x128x128xf32, #tpu.memory_space<vmem>> -> memref<1x128x128xf32, #tpu.memory_space<vmem>>
        %dma_wait3A_89 = tpu.memref_squeeze %dma_wait3A_88 : memref<1x128x128xf32, #tpu.memory_space<vmem>> -> memref<128x128xf32, #tpu.memory_space<vmem>>
        %dma_wait3A_90 = arith.constant 0 : i32
        %dma_wait3A_91 = tpu.memref_slice %arg4[%add3A_71, %dma_wait3A_90] : memref<327680x128xf32, #tpu.memory_space<hbm>> -> memref<128x128xf32, #tpu.memory_space<hbm>>
        %dma_wait3A_92 = arith.constant 0 : i32
        %dma_wait3A_93 = tpu.memref_slice %arg4[%add3A_71, %dma_wait3A_92] : memref<327680x128xf32, #tpu.memory_space<hbm>> -> memref<128x128xf32, #tpu.memory_space<hbm>>
        %dma_wait3A_94 = arith.constant 0 : i32
        %dma_wait3A_95 = arith.constant 0 : i32
        %dma_wait3A_96 = tpu.memref_slice %arg6[%run_scoped3A_72, %dma_wait3A_94, %dma_wait3A_95] : memref<2x128x128xf32, #tpu.memory_space<vmem>> -> memref<1x128x128xf32, #tpu.memory_space<vmem>>
        %dma_wait3A_97 = tpu.memref_squeeze %dma_wait3A_96 : memref<1x128x128xf32, #tpu.memory_space<vmem>> -> memref<128x128xf32, #tpu.memory_space<vmem>>
        tpu.wait_dma2 semaphore(%run_scoped3A_73 : memref<!tpu.dma_semaphore, #tpu.memory_space<semaphore_mem>>) src(%dma_wait3A_97 : memref<128x128xf32, #tpu.memory_space<vmem>>) dst(%dma_wait3A_93 : memref<128x128xf32, #tpu.memory_space<hbm>>)
        tpu.yield
      }) : () -> ()
    }
    %scan3A_20 = arith.constant 40 : i32
    return
  }
}

module attributes {stable_mosaic.version = 14 : i64} {
  func.func @_topk_body(%arg0: i32, %arg1: memref<1x1024x128xf32, #tpu.memory_space<vmem>>, %arg2: memref<1x1024x32xi32, #tpu.memory_space<vmem>>) attributes {dimension_semantics = [#tpu.dimension_semantics<arbitrary>], iteration_bounds = array<i64: 16>, scalar_prefetch = 0 : i64, scratch_operands = 0 : i64, tpu.core_type = #tpu.core_type<tc>, window_params = [{transform_indices = @transform_0, window_bounds = array<i64: 1, 1024, 128>}, {transform_indices = @transform_1, window_bounds = array<i64: 1, 1024, 32>}]} {
    %get3A = arith.constant 0 : index
    %get3A_0 = arith.constant 0 : index
    %get3A_1 = arith.constant 0 : index
    %get3A_2 = vector.load %arg1[%get3A, %get3A_0, %get3A_1] : memref<1x1024x128xf32, #tpu.memory_space<vmem>>, vector<1x1024x128xf32>
    %get3A_3 = vector.shape_cast %get3A_2 : vector<1x1024x128xf32> to vector<1024x128xf32>
    %convert_element_type3A = arith.truncf %get3A_3 : vector<1024x128xf32> to vector<1024x128xbf16>
    %dot_general3A = arith.constant dense<0.000000e+00> : vector<1024x1024xf32>
    %dot_general3A_4 = tpu.matmul %convert_element_type3A, %convert_element_type3A, %dot_general3A {dimension_numbers = #tpu.dot_dimension_numbers<[1], [1], [0], [0], [0, 0, 1, 0], [], []>, transpose_lhs_hint = false} : vector<1024x128xbf16>, vector<1024x128xbf16>, vector<1024x1024xf32> -> vector<1024x1024xf32>
    %mul3A = arith.constant -2.000000e+00 : f32
    %mul3A_5 = vector.broadcast %mul3A : f32 to vector<1024x1024xf32>
    %mul3A_6 = arith.mulf %mul3A_5, %dot_general3A_4 : vector<1024x1024xf32>
    %mul3A_7 = arith.mulf %get3A_3, %get3A_3 : vector<1024x128xf32>
    %reduce_sum3A = arith.constant dense<0.000000e+00> : vector<1024xf32>
    %reduce_sum3A_8 = vector.multi_reduction <add>, %mul3A_7, %reduce_sum3A [1] : vector<1024x128xf32> to vector<1024xf32>
    %broadcast_in_dim3A = vector.shape_cast %reduce_sum3A_8 : vector<1024xf32> to vector<1024x1xf32>
    %add3A = vector.broadcast %broadcast_in_dim3A : vector<1024x1xf32> to vector<1024x1024xf32>
    %add3A_9 = arith.addf %add3A, %mul3A_6 : vector<1024x1024xf32>
    %broadcast_in_dim3A_10 = vector.shape_cast %reduce_sum3A_8 : vector<1024xf32> to vector<1x1024xf32>
    %add3A_11 = vector.broadcast %broadcast_in_dim3A_10 : vector<1x1024xf32> to vector<1024x1024xf32>
    %add3A_12 = arith.addf %add3A_9, %add3A_11 : vector<1024x1024xf32>
    %iota3A = tpu.iota {dimensions = array<i32: 1>} : vector<1024x1024xi32>
    %convert_element_type3A_13 = arith.sitofp %iota3A : vector<1024x1024xi32> to vector<1024x1024xf32>
    %iota3A_14 = tpu.iota {dimensions = array<i32: 1>} : vector<1024x32xi32>
    %mul3A_15 = arith.constant 1024 : i32
    %mul3A_16 = arith.muli %arg0, %mul3A_15 : i32
    %broadcast_in_dim3A_17 = arith.constant 0 : i32
    %broadcast_in_dim3A_18 = vector.broadcast %broadcast_in_dim3A_17 : i32 to vector<1024x32xi32>
    %scan3A = arith.constant 0 : i32
    %scan3A_19 = arith.constant 20 : i32
    %scan3A_20 = arith.addi %scan3A, %scan3A_19 : i32
    %scan3A_21 = arith.constant 1 : i32
    %scan3A_22:2 = scf.for %scan3A_29 = %scan3A to %scan3A_20 step %scan3A_21 iter_args(%scan3A_30 = %add3A_12, %scan3A_31 = %broadcast_in_dim3A_18) -> (vector<1024x1024xf32>, vector<1024x32xi32>)  : i32 {
      %reduce_min3A = arith.constant dense<0x7F800000> : vector<1024xf32>
      %reduce_min3A_32 = vector.multi_reduction <minimumf>, %scan3A_30, %reduce_min3A [1] : vector<1024x1024xf32> to vector<1024xf32>
      %broadcast_in_dim3A_33 = vector.shape_cast %reduce_min3A_32 : vector<1024xf32> to vector<1024x1xf32>
      %eq3A = vector.broadcast %broadcast_in_dim3A_33 : vector<1024x1xf32> to vector<1024x1024xf32>
      %eq3A_34 = arith.cmpf oeq, %scan3A_30, %eq3A : vector<1024x1024xf32>
      %jit3A = arith.constant 3.000000e+38 : f32
      %broadcast_in_dim3A_35 = vector.broadcast %jit3A : f32 to vector<1024x1024xf32>
      %select_n3A = arith.select %eq3A_34, %convert_element_type3A_13, %broadcast_in_dim3A_35 : vector<1024x1024xi1>, vector<1024x1024xf32>
      %reduce_min3A_36 = arith.constant dense<0x7F800000> : vector<1024xf32>
      %reduce_min3A_37 = vector.multi_reduction <minimumf>, %select_n3A, %reduce_min3A_36 [1] : vector<1024x1024xf32> to vector<1024xf32>
      %broadcast_in_dim3A_38 = vector.shape_cast %reduce_min3A_37 : vector<1024xf32> to vector<1024x1xf32>
      %eq3A_39 = vector.broadcast %broadcast_in_dim3A_38 : vector<1024x1xf32> to vector<1024x1024xf32>
      %eq3A_40 = arith.cmpf oeq, %convert_element_type3A_13, %eq3A_39 : vector<1024x1024xf32>
      %jit3A_41 = arith.constant 3.000000e+38 : f32
      %broadcast_in_dim3A_42 = vector.broadcast %jit3A_41 : f32 to vector<1024x1024xf32>
      %select_n3A_43 = arith.select %eq3A_40, %broadcast_in_dim3A_42, %scan3A_30 : vector<1024x1024xi1>, vector<1024x1024xf32>
      %convert_element_type3A_44 = arith.fptosi %broadcast_in_dim3A_38 : vector<1024x1xf32> to vector<1024x1xi32>
      %add3A_45 = vector.broadcast %mul3A_16 : i32 to vector<1024x1xi32>
      %add3A_46 = arith.addi %convert_element_type3A_44, %add3A_45 : vector<1024x1xi32>
      %eq3A_47 = vector.broadcast %scan3A_29 : i32 to vector<1024x32xi32>
      %eq3A_48 = arith.cmpi eq, %iota3A_14, %eq3A_47 : vector<1024x32xi32>
      %jit3A_49 = arith.constant 0 : i32
      %broadcast_in_dim3A_50 = vector.shape_cast %add3A_46 : vector<1024x1xi32> to vector<1024x1xi32>
      %broadcast_in_dim3A_51 = vector.broadcast %broadcast_in_dim3A_50 : vector<1024x1xi32> to vector<1024x32xi32>
      %broadcast_in_dim3A_52 = vector.broadcast %jit3A_49 : i32 to vector<1024x32xi32>
      %select_n3A_53 = arith.select %eq3A_48, %broadcast_in_dim3A_51, %broadcast_in_dim3A_52 : vector<1024x32xi1>, vector<1024x32xi32>
      %add3A_54 = arith.addi %scan3A_31, %select_n3A_53 : vector<1024x32xi32>
      scf.yield %select_n3A_43, %add3A_54 : vector<1024x1024xf32>, vector<1024x32xi32>
    }
    %scan3A_23 = arith.constant 20 : i32
    %swap3A = arith.constant 0 : index
    %swap3A_24 = arith.constant 0 : index
    %swap3A_25 = arith.constant 0 : index
    %swap3A_26 = vector.load %arg2[%swap3A, %swap3A_24, %swap3A_25] : memref<1x1024x32xi32, #tpu.memory_space<vmem>>, vector<1x1024x32xi32>
    %swap3A_27 = vector.shape_cast %swap3A_26 : vector<1x1024x32xi32> to vector<1024x32xi32>
    %swap3A_28 = vector.shape_cast %scan3A_22#1 : vector<1024x32xi32> to vector<1x1024x32xi32>
    tpu.vector_store %arg2[%swap3A, %swap3A_24, %swap3A_25], %swap3A_28 {strides = array<i32>} : memref<1x1024x32xi32, #tpu.memory_space<vmem>>, vector<1x1024x32xi32>,
    return
  }
  func.func @transform_0(%arg0: i32) -> (i32, i32, i32) {
    %c0_i32 = arith.constant 0 : i32
    %c0_i32_0 = arith.constant 0 : i32
    %c0_i32_1 = arith.constant 0 : i32
    return %arg0, %c0_i32, %c0_i32_0 : i32, i32, i32
  }
  func.func @transform_1(%arg0: i32) -> (i32, i32, i32) {
    %c0_i32 = arith.constant 0 : i32
    %c0_i32_0 = arith.constant 0 : i32
    %c0_i32_1 = arith.constant 0 : i32
    return %arg0, %c0_i32, %c0_i32_0 : i32, i32, i32
  }
}

module attributes {stable_mosaic.version = 14 : i64} {
  func.func @_conv_body(%arg0: i32, %arg1: memref<1x1024x128xf32, #tpu.memory_space<vmem>>, %arg2: memref<20x1x1024x128xf32, #tpu.memory_space<vmem>>, %arg3: memref<256x64xbf16, #tpu.memory_space<vmem>>, %arg4: memref<1x1024x64xf32, #tpu.memory_space<vmem>>, %arg5: memref<1x1x64xf32, #tpu.memory_space<vmem>>, %arg6: memref<1x1x64xf32, #tpu.memory_space<vmem>>) attributes {dimension_semantics = [#tpu.dimension_semantics<arbitrary>], iteration_bounds = array<i64: 16>, scalar_prefetch = 0 : i64, scratch_operands = 0 : i64, tpu.core_type = #tpu.core_type<tc>, window_params = [{transform_indices = @transform_0, window_bounds = array<i64: 1, 1024, 128>}, {transform_indices = @transform_1, window_bounds = array<i64: 20, 1, 1024, 128>}, {pipeline_mode = #tpu.pipeline_mode<synchronous>, transform_indices = @transform_2, window_bounds = array<i64: 256, 64>}, {transform_indices = @transform_3, window_bounds = array<i64: 1, 1024, 64>}, {transform_indices = @transform_4, window_bounds = array<i64: 1, 1, 64>}, {transform_indices = @transform_5, window_bounds = array<i64: 1, 1, 64>}]} {
    %get3A = arith.constant 0 : index
    %get3A_0 = arith.constant 0 : index
    %get3A_1 = arith.constant 0 : index
    %get3A_2 = vector.load %arg1[%get3A, %get3A_0, %get3A_1] : memref<1x1024x128xf32, #tpu.memory_space<vmem>>, vector<1x1024x128xf32>
    %get3A_3 = vector.shape_cast %get3A_2 : vector<1x1024x128xf32> to vector<1024x128xf32>
    %get3A_4 = arith.constant 0 : index
    %get3A_5 = arith.constant 0 : index
    %get3A_6 = vector.load %arg3[%get3A_4, %get3A_5] : memref<256x64xbf16, #tpu.memory_space<vmem>>, vector<256x64xbf16>
    %slice3A = vector.extract_strided_slice %get3A_3 {offsets = [0, 0], sizes = [1024, 3], strides = [1, 1]} : vector<1024x128xf32> to vector<1024x3xf32>
    %broadcast_in_dim3A = arith.constant -3.000000e+38 : f32
    %broadcast_in_dim3A_7 = vector.broadcast %broadcast_in_dim3A : f32 to vector<1024x64xf32>
    %broadcast_in_dim3A_8 = arith.constant 0.000000e+00 : f32
    %broadcast_in_dim3A_9 = vector.broadcast %broadcast_in_dim3A_8 : f32 to vector<1024x64xf32>
    %broadcast_in_dim3A_10 = arith.constant 0.000000e+00 : f32
    %broadcast_in_dim3A_11 = vector.broadcast %broadcast_in_dim3A_10 : f32 to vector<1024x64xf32>
    %get3A_12 = arith.constant 0 : index
    %get3A_13 = arith.constant 0 : index
    %get3A_14 = arith.constant 0 : index
    %get3A_15 = arith.constant 0 : index
    %get3A_16 = vector.load %arg2[%get3A_12, %get3A_13, %get3A_14, %get3A_15] : memref<20x1x1024x128xf32, #tpu.memory_space<vmem>>, vector<1x1x1024x128xf32>
    %get3A_17 = vector.shape_cast %get3A_16 : vector<1x1x1024x128xf32> to vector<1024x128xf32>
    %slice3A_18 = vector.extract_strided_slice %get3A_17 {offsets = [0, 0], sizes = [1024, 3], strides = [1, 1]} : vector<1024x128xf32> to vector<1024x3xf32>
    %sub3A = arith.subf %slice3A_18, %slice3A : vector<1024x3xf32>
    %broadcast_in_dim3A_19 = arith.constant 0.000000e+00 : f32
    %broadcast_in_dim3A_20 = vector.broadcast %broadcast_in_dim3A_19 : f32 to vector<1024x250xf32>
    %concatenate3A = tpu.concatenate %slice3A, %sub3A, %broadcast_in_dim3A_20 in 1 : vector<1024x3xf32>, vector<1024x3xf32>, vector<1024x250xf32> -> vector<1024x256xf32>
    %convert_element_type3A = arith.truncf %concatenate3A : vector<1024x256xf32> to vector<1024x256xbf16>
    %dot_general3A = arith.constant dense<0.000000e+00> : vector<1024x64xf32>
    %dot_general3A_21 = tpu.matmul %convert_element_type3A, %get3A_6, %dot_general3A {dimension_numbers = #tpu.dot_dimension_numbers<[1], [0], [0], [1], [0, 0, 1, 1], [], []>, transpose_lhs_hint = false} : vector<1024x256xbf16>, vector<256x64xbf16>, vector<1024x64xf32> -> vector<1024x64xf32>
    %max3A = arith.maximumf %broadcast_in_dim3A_7, %dot_general3A_21 : vector<1024x64xf32>
    %add3A = arith.addf %broadcast_in_dim3A_9, %dot_general3A_21 : vector<1024x64xf32>
    %mul3A = arith.mulf %dot_general3A_21, %dot_general3A_21 : vector<1024x64xf32>
    %add3A_22 = arith.addf %broadcast_in_dim3A_11, %mul3A : vector<1024x64xf32>
    %get3A_23 = arith.constant 1 : index
    %get3A_24 = arith.constant 0 : index
    %get3A_25 = arith.constant 0 : index
    %get3A_26 = arith.constant 0 : index
    %get3A_27 = vector.load %arg2[%get3A_23, %get3A_24, %get3A_25, %get3A_26] : memref<20x1x1024x128xf32, #tpu.memory_space<vmem>>, vector<1x1x1024x128xf32>
    %get3A_28 = vector.shape_cast %get3A_27 : vector<1x1x1024x128xf32> to vector<1024x128xf32>
    %slice3A_29 = vector.extract_strided_slice %get3A_28 {offsets = [0, 0], sizes = [1024, 3], strides = [1, 1]} : vector<1024x128xf32> to vector<1024x3xf32>
    %sub3A_30 = arith.subf %slice3A_29, %slice3A : vector<1024x3xf32>
    %broadcast_in_dim3A_31 = arith.constant 0.000000e+00 : f32
    %broadcast_in_dim3A_32 = vector.broadcast %broadcast_in_dim3A_31 : f32 to vector<1024x250xf32>
    %concatenate3A_33 = tpu.concatenate %slice3A, %sub3A_30, %broadcast_in_dim3A_32 in 1 : vector<1024x3xf32>, vector<1024x3xf32>, vector<1024x250xf32> -> vector<1024x256xf32>
    %convert_element_type3A_34 = arith.truncf %concatenate3A_33 : vector<1024x256xf32> to vector<1024x256xbf16>
    %dot_general3A_35 = arith.constant dense<0.000000e+00> : vector<1024x64xf32>
    %dot_general3A_36 = tpu.matmul %convert_element_type3A_34, %get3A_6, %dot_general3A_35 {dimension_numbers = #tpu.dot_dimension_numbers<[1], [0], [0], [1], [0, 0, 1, 1], [], []>, transpose_lhs_hint = false} : vector<1024x256xbf16>, vector<256x64xbf16>, vector<1024x64xf32> -> vector<1024x64xf32>
    %max3A_37 = arith.maximumf %max3A, %dot_general3A_36 : vector<1024x64xf32>
    %add3A_38 = arith.addf %add3A, %dot_general3A_36 : vector<1024x64xf32>
    %mul3A_39 = arith.mulf %dot_general3A_36, %dot_general3A_36 : vector<1024x64xf32>
    %add3A_40 = arith.addf %add3A_22, %mul3A_39 : vector<1024x64xf32>
    %get3A_41 = arith.constant 2 : index
    %get3A_42 = arith.constant 0 : index
    %get3A_43 = arith.constant 0 : index
    %get3A_44 = arith.constant 0 : index
    %get3A_45 = vector.load %arg2[%get3A_41, %get3A_42, %get3A_43, %get3A_44] : memref<20x1x1024x128xf32, #tpu.memory_space<vmem>>, vector<1x1x1024x128xf32>
    %get3A_46 = vector.shape_cast %get3A_45 : vector<1x1x1024x128xf32> to vector<1024x128xf32>
    %slice3A_47 = vector.extract_strided_slice %get3A_46 {offsets = [0, 0], sizes = [1024, 3], strides = [1, 1]} : vector<1024x128xf32> to vector<1024x3xf32>
    %sub3A_48 = arith.subf %slice3A_47, %slice3A : vector<1024x3xf32>
    %broadcast_in_dim3A_49 = arith.constant 0.000000e+00 : f32
    %broadcast_in_dim3A_50 = vector.broadcast %broadcast_in_dim3A_49 : f32 to vector<1024x250xf32>
    %concatenate3A_51 = tpu.concatenate %slice3A, %sub3A_48, %broadcast_in_dim3A_50 in 1 : vector<1024x3xf32>, vector<1024x3xf32>, vector<1024x250xf32> -> vector<1024x256xf32>
    %convert_element_type3A_52 = arith.truncf %concatenate3A_51 : vector<1024x256xf32> to vector<1024x256xbf16>
    %dot_general3A_53 = arith.constant dense<0.000000e+00> : vector<1024x64xf32>
    %dot_general3A_54 = tpu.matmul %convert_element_type3A_52, %get3A_6, %dot_general3A_53 {dimension_numbers = #tpu.dot_dimension_numbers<[1], [0], [0], [1], [0, 0, 1, 1], [], []>, transpose_lhs_hint = false} : vector<1024x256xbf16>, vector<256x64xbf16>, vector<1024x64xf32> -> vector<1024x64xf32>
    %max3A_55 = arith.maximumf %max3A_37, %dot_general3A_54 : vector<1024x64xf32>
    %add3A_56 = arith.addf %add3A_38, %dot_general3A_54 : vector<1024x64xf32>
    %mul3A_57 = arith.mulf %dot_general3A_54, %dot_general3A_54 : vector<1024x64xf32>
    %add3A_58 = arith.addf %add3A_40, %mul3A_57 : vector<1024x64xf32>
    %get3A_59 = arith.constant 3 : index
    %get3A_60 = arith.constant 0 : index
    %get3A_61 = arith.constant 0 : index
    %get3A_62 = arith.constant 0 : index
    %get3A_63 = vector.load %arg2[%get3A_59, %get3A_60, %get3A_61, %get3A_62] : memref<20x1x1024x128xf32, #tpu.memory_space<vmem>>, vector<1x1x1024x128xf32>
    %get3A_64 = vector.shape_cast %get3A_63 : vector<1x1x1024x128xf32> to vector<1024x128xf32>
    %slice3A_65 = vector.extract_strided_slice %get3A_64 {offsets = [0, 0], sizes = [1024, 3], strides = [1, 1]} : vector<1024x128xf32> to vector<1024x3xf32>
    %sub3A_66 = arith.subf %slice3A_65, %slice3A : vector<1024x3xf32>
    %broadcast_in_dim3A_67 = arith.constant 0.000000e+00 : f32
    %broadcast_in_dim3A_68 = vector.broadcast %broadcast_in_dim3A_67 : f32 to vector<1024x250xf32>
    %concatenate3A_69 = tpu.concatenate %slice3A, %sub3A_66, %broadcast_in_dim3A_68 in 1 : vector<1024x3xf32>, vector<1024x3xf32>, vector<1024x250xf32> -> vector<1024x256xf32>
    %convert_element_type3A_70 = arith.truncf %concatenate3A_69 : vector<1024x256xf32> to vector<1024x256xbf16>
    %dot_general3A_71 = arith.constant dense<0.000000e+00> : vector<1024x64xf32>
    %dot_general3A_72 = tpu.matmul %convert_element_type3A_70, %get3A_6, %dot_general3A_71 {dimension_numbers = #tpu.dot_dimension_numbers<[1], [0], [0], [1], [0, 0, 1, 1], [], []>, transpose_lhs_hint = false} : vector<1024x256xbf16>, vector<256x64xbf16>, vector<1024x64xf32> -> vector<1024x64xf32>
    %max3A_73 = arith.maximumf %max3A_55, %dot_general3A_72 : vector<1024x64xf32>
    %add3A_74 = arith.addf %add3A_56, %dot_general3A_72 : vector<1024x64xf32>
    %mul3A_75 = arith.mulf %dot_general3A_72, %dot_general3A_72 : vector<1024x64xf32>
    %add3A_76 = arith.addf %add3A_58, %mul3A_75 : vector<1024x64xf32>
    %get3A_77 = arith.constant 4 : index
    %get3A_78 = arith.constant 0 : index
    %get3A_79 = arith.constant 0 : index
    %get3A_80 = arith.constant 0 : index
    %get3A_81 = vector.load %arg2[%get3A_77, %get3A_78, %get3A_79, %get3A_80] : memref<20x1x1024x128xf32, #tpu.memory_space<vmem>>, vector<1x1x1024x128xf32>
    %get3A_82 = vector.shape_cast %get3A_81 : vector<1x1x1024x128xf32> to vector<1024x128xf32>
    %slice3A_83 = vector.extract_strided_slice %get3A_82 {offsets = [0, 0], sizes = [1024, 3], strides = [1, 1]} : vector<1024x128xf32> to vector<1024x3xf32>
    %sub3A_84 = arith.subf %slice3A_83, %slice3A : vector<1024x3xf32>
    %broadcast_in_dim3A_85 = arith.constant 0.000000e+00 : f32
    %broadcast_in_dim3A_86 = vector.broadcast %broadcast_in_dim3A_85 : f32 to vector<1024x250xf32>
    %concatenate3A_87 = tpu.concatenate %slice3A, %sub3A_84, %broadcast_in_dim3A_86 in 1 : vector<1024x3xf32>, vector<1024x3xf32>, vector<1024x250xf32> -> vector<1024x256xf32>
    %convert_element_type3A_88 = arith.truncf %concatenate3A_87 : vector<1024x256xf32> to vector<1024x256xbf16>
    %dot_general3A_89 = arith.constant dense<0.000000e+00> : vector<1024x64xf32>
    %dot_general3A_90 = tpu.matmul %convert_element_type3A_88, %get3A_6, %dot_general3A_89 {dimension_numbers = #tpu.dot_dimension_numbers<[1], [0], [0], [1], [0, 0, 1, 1], [], []>, transpose_lhs_hint = false} : vector<1024x256xbf16>, vector<256x64xbf16>, vector<1024x64xf32> -> vector<1024x64xf32>
    %max3A_91 = arith.maximumf %max3A_73, %dot_general3A_90 : vector<1024x64xf32>
    %add3A_92 = arith.addf %add3A_74, %dot_general3A_90 : vector<1024x64xf32>
    %mul3A_93 = arith.mulf %dot_general3A_90, %dot_general3A_90 : vector<1024x64xf32>
    %add3A_94 = arith.addf %add3A_76, %mul3A_93 : vector<1024x64xf32>
    %get3A_95 = arith.constant 5 : index
    %get3A_96 = arith.constant 0 : index
    %get3A_97 = arith.constant 0 : index
    %get3A_98 = arith.constant 0 : index
    %get3A_99 = vector.load %arg2[%get3A_95, %get3A_96, %get3A_97, %get3A_98] : memref<20x1x1024x128xf32, #tpu.memory_space<vmem>>, vector<1x1x1024x128xf32>
    %get3A_100 = vector.shape_cast %get3A_99 : vector<1x1x1024x128xf32> to vector<1024x128xf32>
    %slice3A_101 = vector.extract_strided_slice %get3A_100 {offsets = [0, 0], sizes = [1024, 3], strides = [1, 1]} : vector<1024x128xf32> to vector<1024x3xf32>
    %sub3A_102 = arith.subf %slice3A_101, %slice3A : vector<1024x3xf32>
    %broadcast_in_dim3A_103 = arith.constant 0.000000e+00 : f32
    %broadcast_in_dim3A_104 = vector.broadcast %broadcast_in_dim3A_103 : f32 to vector<1024x250xf32>
    %concatenate3A_105 = tpu.concatenate %slice3A, %sub3A_102, %broadcast_in_dim3A_104 in 1 : vector<1024x3xf32>, vector<1024x3xf32>, vector<1024x250xf32> -> vector<1024x256xf32>
    %convert_element_type3A_106 = arith.truncf %concatenate3A_105 : vector<1024x256xf32> to vector<1024x256xbf16>
    %dot_general3A_107 = arith.constant dense<0.000000e+00> : vector<1024x64xf32>
    %dot_general3A_108 = tpu.matmul %convert_element_type3A_106, %get3A_6, %dot_general3A_107 {dimension_numbers = #tpu.dot_dimension_numbers<[1], [0], [0], [1], [0, 0, 1, 1], [], []>, transpose_lhs_hint = false} : vector<1024x256xbf16>, vector<256x64xbf16>, vector<1024x64xf32> -> vector<1024x64xf32>
    %max3A_109 = arith.maximumf %max3A_91, %dot_general3A_108 : vector<1024x64xf32>
    %add3A_110 = arith.addf %add3A_92, %dot_general3A_108 : vector<1024x64xf32>
    %mul3A_111 = arith.mulf %dot_general3A_108, %dot_general3A_108 : vector<1024x64xf32>
    %add3A_112 = arith.addf %add3A_94, %mul3A_111 : vector<1024x64xf32>
    %get3A_113 = arith.constant 6 : index
    %get3A_114 = arith.constant 0 : index
    %get3A_115 = arith.constant 0 : index
    %get3A_116 = arith.constant 0 : index
    %get3A_117 = vector.load %arg2[%get3A_113, %get3A_114, %get3A_115, %get3A_116] : memref<20x1x1024x128xf32, #tpu.memory_space<vmem>>, vector<1x1x1024x128xf32>
    %get3A_118 = vector.shape_cast %get3A_117 : vector<1x1x1024x128xf32> to vector<1024x128xf32>
    %slice3A_119 = vector.extract_strided_slice %get3A_118 {offsets = [0, 0], sizes = [1024, 3], strides = [1, 1]} : vector<1024x128xf32> to vector<1024x3xf32>
    %sub3A_120 = arith.subf %slice3A_119, %slice3A : vector<1024x3xf32>
    %broadcast_in_dim3A_121 = arith.constant 0.000000e+00 : f32
    %broadcast_in_dim3A_122 = vector.broadcast %broadcast_in_dim3A_121 : f32 to vector<1024x250xf32>
    %concatenate3A_123 = tpu.concatenate %slice3A, %sub3A_120, %broadcast_in_dim3A_122 in 1 : vector<1024x3xf32>, vector<1024x3xf32>, vector<1024x250xf32> -> vector<1024x256xf32>
    %convert_element_type3A_124 = arith.truncf %concatenate3A_123 : vector<1024x256xf32> to vector<1024x256xbf16>
    %dot_general3A_125 = arith.constant dense<0.000000e+00> : vector<1024x64xf32>
    %dot_general3A_126 = tpu.matmul %convert_element_type3A_124, %get3A_6, %dot_general3A_125 {dimension_numbers = #tpu.dot_dimension_numbers<[1], [0], [0], [1], [0, 0, 1, 1], [], []>, transpose_lhs_hint = false} : vector<1024x256xbf16>, vector<256x64xbf16>, vector<1024x64xf32> -> vector<1024x64xf32>
    %max3A_127 = arith.maximumf %max3A_109, %dot_general3A_126 : vector<1024x64xf32>
    %add3A_128 = arith.addf %add3A_110, %dot_general3A_126 : vector<1024x64xf32>
    %mul3A_129 = arith.mulf %dot_general3A_126, %dot_general3A_126 : vector<1024x64xf32>
    %add3A_130 = arith.addf %add3A_112, %mul3A_129 : vector<1024x64xf32>
    %get3A_131 = arith.constant 7 : index
    %get3A_132 = arith.constant 0 : index
    %get3A_133 = arith.constant 0 : index
    %get3A_134 = arith.constant 0 : index
    %get3A_135 = vector.load %arg2[%get3A_131, %get3A_132, %get3A_133, %get3A_134] : memref<20x1x1024x128xf32, #tpu.memory_space<vmem>>, vector<1x1x1024x128xf32>
    %get3A_136 = vector.shape_cast %get3A_135 : vector<1x1x1024x128xf32> to vector<1024x128xf32>
    %slice3A_137 = vector.extract_strided_slice %get3A_136 {offsets = [0, 0], sizes = [1024, 3], strides = [1, 1]} : vector<1024x128xf32> to vector<1024x3xf32>
    %sub3A_138 = arith.subf %slice3A_137, %slice3A : vector<1024x3xf32>
    %broadcast_in_dim3A_139 = arith.constant 0.000000e+00 : f32
    %broadcast_in_dim3A_140 = vector.broadcast %broadcast_in_dim3A_139 : f32 to vector<1024x250xf32>
    %concatenate3A_141 = tpu.concatenate %slice3A, %sub3A_138, %broadcast_in_dim3A_140 in 1 : vector<1024x3xf32>, vector<1024x3xf32>, vector<1024x250xf32> -> vector<1024x256xf32>
    %convert_element_type3A_142 = arith.truncf %concatenate3A_141 : vector<1024x256xf32> to vector<1024x256xbf16>
    %dot_general3A_143 = arith.constant dense<0.000000e+00> : vector<1024x64xf32>
    %dot_general3A_144 = tpu.matmul %convert_element_type3A_142, %get3A_6, %dot_general3A_143 {dimension_numbers = #tpu.dot_dimension_numbers<[1], [0], [0], [1], [0, 0, 1, 1], [], []>, transpose_lhs_hint = false} : vector<1024x256xbf16>, vector<256x64xbf16>, vector<1024x64xf32> -> vector<1024x64xf32>
    %max3A_145 = arith.maximumf %max3A_127, %dot_general3A_144 : vector<1024x64xf32>
    %add3A_146 = arith.addf %add3A_128, %dot_general3A_144 : vector<1024x64xf32>
    %mul3A_147 = arith.mulf %dot_general3A_144, %dot_general3A_144 : vector<1024x64xf32>
    %add3A_148 = arith.addf %add3A_130, %mul3A_147 : vector<1024x64xf32>
    %get3A_149 = arith.constant 8 : index
    %get3A_150 = arith.constant 0 : index
    %get3A_151 = arith.constant 0 : index
    %get3A_152 = arith.constant 0 : index
    %get3A_153 = vector.load %arg2[%get3A_149, %get3A_150, %get3A_151, %get3A_152] : memref<20x1x1024x128xf32, #tpu.memory_space<vmem>>, vector<1x1x1024x128xf32>
    %get3A_154 = vector.shape_cast %get3A_153 : vector<1x1x1024x128xf32> to vector<1024x128xf32>
    %slice3A_155 = vector.extract_strided_slice %get3A_154 {offsets = [0, 0], sizes = [1024, 3], strides = [1, 1]} : vector<1024x128xf32> to vector<1024x3xf32>
    %sub3A_156 = arith.subf %slice3A_155, %slice3A : vector<1024x3xf32>
    %broadcast_in_dim3A_157 = arith.constant 0.000000e+00 : f32
    %broadcast_in_dim3A_158 = vector.broadcast %broadcast_in_dim3A_157 : f32 to vector<1024x250xf32>
    %concatenate3A_159 = tpu.concatenate %slice3A, %sub3A_156, %broadcast_in_dim3A_158 in 1 : vector<1024x3xf32>, vector<1024x3xf32>, vector<1024x250xf32> -> vector<1024x256xf32>
    %convert_element_type3A_160 = arith.truncf %concatenate3A_159 : vector<1024x256xf32> to vector<1024x256xbf16>
    %dot_general3A_161 = arith.constant dense<0.000000e+00> : vector<1024x64xf32>
    %dot_general3A_162 = tpu.matmul %convert_element_type3A_160, %get3A_6, %dot_general3A_161 {dimension_numbers = #tpu.dot_dimension_numbers<[1], [0], [0], [1], [0, 0, 1, 1], [], []>, transpose_lhs_hint = false} : vector<1024x256xbf16>, vector<256x64xbf16>, vector<1024x64xf32> -> vector<1024x64xf32>
    %max3A_163 = arith.maximumf %max3A_145, %dot_general3A_162 : vector<1024x64xf32>
    %add3A_164 = arith.addf %add3A_146, %dot_general3A_162 : vector<1024x64xf32>
    %mul3A_165 = arith.mulf %dot_general3A_162, %dot_general3A_162 : vector<1024x64xf32>
    %add3A_166 = arith.addf %add3A_148, %mul3A_165 : vector<1024x64xf32>
    %get3A_167 = arith.constant 9 : index
    %get3A_168 = arith.constant 0 : index
    %get3A_169 = arith.constant 0 : index
    %get3A_170 = arith.constant 0 : index
    %get3A_171 = vector.load %arg2[%get3A_167, %get3A_168, %get3A_169, %get3A_170] : memref<20x1x1024x128xf32, #tpu.memory_space<vmem>>, vector<1x1x1024x128xf32>
    %get3A_172 = vector.shape_cast %get3A_171 : vector<1x1x1024x128xf32> to vector<1024x128xf32>
    %slice3A_173 = vector.extract_strided_slice %get3A_172 {offsets = [0, 0], sizes = [1024, 3], strides = [1, 1]} : vector<1024x128xf32> to vector<1024x3xf32>
    %sub3A_174 = arith.subf %slice3A_173, %slice3A : vector<1024x3xf32>
    %broadcast_in_dim3A_175 = arith.constant 0.000000e+00 : f32
    %broadcast_in_dim3A_176 = vector.broadcast %broadcast_in_dim3A_175 : f32 to vector<1024x250xf32>
    %concatenate3A_177 = tpu.concatenate %slice3A, %sub3A_174, %broadcast_in_dim3A_176 in 1 : vector<1024x3xf32>, vector<1024x3xf32>, vector<1024x250xf32> -> vector<1024x256xf32>
    %convert_element_type3A_178 = arith.truncf %concatenate3A_177 : vector<1024x256xf32> to vector<1024x256xbf16>
    %dot_general3A_179 = arith.constant dense<0.000000e+00> : vector<1024x64xf32>
    %dot_general3A_180 = tpu.matmul %convert_element_type3A_178, %get3A_6, %dot_general3A_179 {dimension_numbers = #tpu.dot_dimension_numbers<[1], [0], [0], [1], [0, 0, 1, 1], [], []>, transpose_lhs_hint = false} : vector<1024x256xbf16>, vector<256x64xbf16>, vector<1024x64xf32> -> vector<1024x64xf32>
    %max3A_181 = arith.maximumf %max3A_163, %dot_general3A_180 : vector<1024x64xf32>
    %add3A_182 = arith.addf %add3A_164, %dot_general3A_180 : vector<1024x64xf32>
    %mul3A_183 = arith.mulf %dot_general3A_180, %dot_general3A_180 : vector<1024x64xf32>
    %add3A_184 = arith.addf %add3A_166, %mul3A_183 : vector<1024x64xf32>
    %get3A_185 = arith.constant 10 : index
    %get3A_186 = arith.constant 0 : index
    %get3A_187 = arith.constant 0 : index
    %get3A_188 = arith.constant 0 : index
    %get3A_189 = vector.load %arg2[%get3A_185, %get3A_186, %get3A_187, %get3A_188] : memref<20x1x1024x128xf32, #tpu.memory_space<vmem>>, vector<1x1x1024x128xf32>
    %get3A_190 = vector.shape_cast %get3A_189 : vector<1x1x1024x128xf32> to vector<1024x128xf32>
    %slice3A_191 = vector.extract_strided_slice %get3A_190 {offsets = [0, 0], sizes = [1024, 3], strides = [1, 1]} : vector<1024x128xf32> to vector<1024x3xf32>
    %sub3A_192 = arith.subf %slice3A_191, %slice3A : vector<1024x3xf32>
    %broadcast_in_dim3A_193 = arith.constant 0.000000e+00 : f32
    %broadcast_in_dim3A_194 = vector.broadcast %broadcast_in_dim3A_193 : f32 to vector<1024x250xf32>
    %concatenate3A_195 = tpu.concatenate %slice3A, %sub3A_192, %broadcast_in_dim3A_194 in 1 : vector<1024x3xf32>, vector<1024x3xf32>, vector<1024x250xf32> -> vector<1024x256xf32>
    %convert_element_type3A_196 = arith.truncf %concatenate3A_195 : vector<1024x256xf32> to vector<1024x256xbf16>
    %dot_general3A_197 = arith.constant dense<0.000000e+00> : vector<1024x64xf32>
    %dot_general3A_198 = tpu.matmul %convert_element_type3A_196, %get3A_6, %dot_general3A_197 {dimension_numbers = #tpu.dot_dimension_numbers<[1], [0], [0], [1], [0, 0, 1, 1], [], []>, transpose_lhs_hint = false} : vector<1024x256xbf16>, vector<256x64xbf16>, vector<1024x64xf32> -> vector<1024x64xf32>
    %max3A_199 = arith.maximumf %max3A_181, %dot_general3A_198 : vector<1024x64xf32>
    %add3A_200 = arith.addf %add3A_182, %dot_general3A_198 : vector<1024x64xf32>
    %mul3A_201 = arith.mulf %dot_general3A_198, %dot_general3A_198 : vector<1024x64xf32>
    %add3A_202 = arith.addf %add3A_184, %mul3A_201 : vector<1024x64xf32>
    %get3A_203 = arith.constant 11 : index
    %get3A_204 = arith.constant 0 : index
    %get3A_205 = arith.constant 0 : index
    %get3A_206 = arith.constant 0 : index
    %get3A_207 = vector.load %arg2[%get3A_203, %get3A_204, %get3A_205, %get3A_206] : memref<20x1x1024x128xf32, #tpu.memory_space<vmem>>, vector<1x1x1024x128xf32>
    %get3A_208 = vector.shape_cast %get3A_207 : vector<1x1x1024x128xf32> to vector<1024x128xf32>
    %slice3A_209 = vector.extract_strided_slice %get3A_208 {offsets = [0, 0], sizes = [1024, 3], strides = [1, 1]} : vector<1024x128xf32> to vector<1024x3xf32>
    %sub3A_210 = arith.subf %slice3A_209, %slice3A : vector<1024x3xf32>
    %broadcast_in_dim3A_211 = arith.constant 0.000000e+00 : f32
    %broadcast_in_dim3A_212 = vector.broadcast %broadcast_in_dim3A_211 : f32 to vector<1024x250xf32>
    %concatenate3A_213 = tpu.concatenate %slice3A, %sub3A_210, %broadcast_in_dim3A_212 in 1 : vector<1024x3xf32>, vector<1024x3xf32>, vector<1024x250xf32> -> vector<1024x256xf32>
    %convert_element_type3A_214 = arith.truncf %concatenate3A_213 : vector<1024x256xf32> to vector<1024x256xbf16>
    %dot_general3A_215 = arith.constant dense<0.000000e+00> : vector<1024x64xf32>
    %dot_general3A_216 = tpu.matmul %convert_element_type3A_214, %get3A_6, %dot_general3A_215 {dimension_numbers = #tpu.dot_dimension_numbers<[1], [0], [0], [1], [0, 0, 1, 1], [], []>, transpose_lhs_hint = false} : vector<1024x256xbf16>, vector<256x64xbf16>, vector<1024x64xf32> -> vector<1024x64xf32>
    %max3A_217 = arith.maximumf %max3A_199, %dot_general3A_216 : vector<1024x64xf32>
    %add3A_218 = arith.addf %add3A_200, %dot_general3A_216 : vector<1024x64xf32>
    %mul3A_219 = arith.mulf %dot_general3A_216, %dot_general3A_216 : vector<1024x64xf32>
    %add3A_220 = arith.addf %add3A_202, %mul3A_219 : vector<1024x64xf32>
    %get3A_221 = arith.constant 12 : index
    %get3A_222 = arith.constant 0 : index
    %get3A_223 = arith.constant 0 : index
    %get3A_224 = arith.constant 0 : index
    %get3A_225 = vector.load %arg2[%get3A_221, %get3A_222, %get3A_223, %get3A_224] : memref<20x1x1024x128xf32, #tpu.memory_space<vmem>>, vector<1x1x1024x128xf32>
    %get3A_226 = vector.shape_cast %get3A_225 : vector<1x1x1024x128xf32> to vector<1024x128xf32>
    %slice3A_227 = vector.extract_strided_slice %get3A_226 {offsets = [0, 0], sizes = [1024, 3], strides = [1, 1]} : vector<1024x128xf32> to vector<1024x3xf32>
    %sub3A_228 = arith.subf %slice3A_227, %slice3A : vector<1024x3xf32>
    %broadcast_in_dim3A_229 = arith.constant 0.000000e+00 : f32
    %broadcast_in_dim3A_230 = vector.broadcast %broadcast_in_dim3A_229 : f32 to vector<1024x250xf32>
    %concatenate3A_231 = tpu.concatenate %slice3A, %sub3A_228, %broadcast_in_dim3A_230 in 1 : vector<1024x3xf32>, vector<1024x3xf32>, vector<1024x250xf32> -> vector<1024x256xf32>
    %convert_element_type3A_232 = arith.truncf %concatenate3A_231 : vector<1024x256xf32> to vector<1024x256xbf16>
    %dot_general3A_233 = arith.constant dense<0.000000e+00> : vector<1024x64xf32>
    %dot_general3A_234 = tpu.matmul %convert_element_type3A_232, %get3A_6, %dot_general3A_233 {dimension_numbers = #tpu.dot_dimension_numbers<[1], [0], [0], [1], [0, 0, 1, 1], [], []>, transpose_lhs_hint = false} : vector<1024x256xbf16>, vector<256x64xbf16>, vector<1024x64xf32> -> vector<1024x64xf32>
    %max3A_235 = arith.maximumf %max3A_217, %dot_general3A_234 : vector<1024x64xf32>
    %add3A_236 = arith.addf %add3A_218, %dot_general3A_234 : vector<1024x64xf32>
    %mul3A_237 = arith.mulf %dot_general3A_234, %dot_general3A_234 : vector<1024x64xf32>
    %add3A_238 = arith.addf %add3A_220, %mul3A_237 : vector<1024x64xf32>
    %get3A_239 = arith.constant 13 : index
    %get3A_240 = arith.constant 0 : index
    %get3A_241 = arith.constant 0 : index
    %get3A_242 = arith.constant 0 : index
    %get3A_243 = vector.load %arg2[%get3A_239, %get3A_240, %get3A_241, %get3A_242] : memref<20x1x1024x128xf32, #tpu.memory_space<vmem>>, vector<1x1x1024x128xf32>
    %get3A_244 = vector.shape_cast %get3A_243 : vector<1x1x1024x128xf32> to vector<1024x128xf32>
    %slice3A_245 = vector.extract_strided_slice %get3A_244 {offsets = [0, 0], sizes = [1024, 3], strides = [1, 1]} : vector<1024x128xf32> to vector<1024x3xf32>
    %sub3A_246 = arith.subf %slice3A_245, %slice3A : vector<1024x3xf32>
    %broadcast_in_dim3A_247 = arith.constant 0.000000e+00 : f32
    %broadcast_in_dim3A_248 = vector.broadcast %broadcast_in_dim3A_247 : f32 to vector<1024x250xf32>
    %concatenate3A_249 = tpu.concatenate %slice3A, %sub3A_246, %broadcast_in_dim3A_248 in 1 : vector<1024x3xf32>, vector<1024x3xf32>, vector<1024x250xf32> -> vector<1024x256xf32>
    %convert_element_type3A_250 = arith.truncf %concatenate3A_249 : vector<1024x256xf32> to vector<1024x256xbf16>
    %dot_general3A_251 = arith.constant dense<0.000000e+00> : vector<1024x64xf32>
    %dot_general3A_252 = tpu.matmul %convert_element_type3A_250, %get3A_6, %dot_general3A_251 {dimension_numbers = #tpu.dot_dimension_numbers<[1], [0], [0], [1], [0, 0, 1, 1], [], []>, transpose_lhs_hint = false} : vector<1024x256xbf16>, vector<256x64xbf16>, vector<1024x64xf32> -> vector<1024x64xf32>
    %max3A_253 = arith.maximumf %max3A_235, %dot_general3A_252 : vector<1024x64xf32>
    %add3A_254 = arith.addf %add3A_236, %dot_general3A_252 : vector<1024x64xf32>
    %mul3A_255 = arith.mulf %dot_general3A_252, %dot_general3A_252 : vector<1024x64xf32>
    %add3A_256 = arith.addf %add3A_238, %mul3A_255 : vector<1024x64xf32>
    %get3A_257 = arith.constant 14 : index
    %get3A_258 = arith.constant 0 : index
    %get3A_259 = arith.constant 0 : index
    %get3A_260 = arith.constant 0 : index
    %get3A_261 = vector.load %arg2[%get3A_257, %get3A_258, %get3A_259, %get3A_260] : memref<20x1x1024x128xf32, #tpu.memory_space<vmem>>, vector<1x1x1024x128xf32>
    %get3A_262 = vector.shape_cast %get3A_261 : vector<1x1x1024x128xf32> to vector<1024x128xf32>
    %slice3A_263 = vector.extract_strided_slice %get3A_262 {offsets = [0, 0], sizes = [1024, 3], strides = [1, 1]} : vector<1024x128xf32> to vector<1024x3xf32>
    %sub3A_264 = arith.subf %slice3A_263, %slice3A : vector<1024x3xf32>
    %broadcast_in_dim3A_265 = arith.constant 0.000000e+00 : f32
    %broadcast_in_dim3A_266 = vector.broadcast %broadcast_in_dim3A_265 : f32 to vector<1024x250xf32>
    %concatenate3A_267 = tpu.concatenate %slice3A, %sub3A_264, %broadcast_in_dim3A_266 in 1 : vector<1024x3xf32>, vector<1024x3xf32>, vector<1024x250xf32> -> vector<1024x256xf32>
    %convert_element_type3A_268 = arith.truncf %concatenate3A_267 : vector<1024x256xf32> to vector<1024x256xbf16>
    %dot_general3A_269 = arith.constant dense<0.000000e+00> : vector<1024x64xf32>
    %dot_general3A_270 = tpu.matmul %convert_element_type3A_268, %get3A_6, %dot_general3A_269 {dimension_numbers = #tpu.dot_dimension_numbers<[1], [0], [0], [1], [0, 0, 1, 1], [], []>, transpose_lhs_hint = false} : vector<1024x256xbf16>, vector<256x64xbf16>, vector<1024x64xf32> -> vector<1024x64xf32>
    %max3A_271 = arith.maximumf %max3A_253, %dot_general3A_270 : vector<1024x64xf32>
    %add3A_272 = arith.addf %add3A_254, %dot_general3A_270 : vector<1024x64xf32>
    %mul3A_273 = arith.mulf %dot_general3A_270, %dot_general3A_270 : vector<1024x64xf32>
    %add3A_274 = arith.addf %add3A_256, %mul3A_273 : vector<1024x64xf32>
    %get3A_275 = arith.constant 15 : index
    %get3A_276 = arith.constant 0 : index
    %get3A_277 = arith.constant 0 : index
    %get3A_278 = arith.constant 0 : index
    %get3A_279 = vector.load %arg2[%get3A_275, %get3A_276, %get3A_277, %get3A_278] : memref<20x1x1024x128xf32, #tpu.memory_space<vmem>>, vector<1x1x1024x128xf32>
    %get3A_280 = vector.shape_cast %get3A_279 : vector<1x1x1024x128xf32> to vector<1024x128xf32>
    %slice3A_281 = vector.extract_strided_slice %get3A_280 {offsets = [0, 0], sizes = [1024, 3], strides = [1, 1]} : vector<1024x128xf32> to vector<1024x3xf32>
    %sub3A_282 = arith.subf %slice3A_281, %slice3A : vector<1024x3xf32>
    %broadcast_in_dim3A_283 = arith.constant 0.000000e+00 : f32
    %broadcast_in_dim3A_284 = vector.broadcast %broadcast_in_dim3A_283 : f32 to vector<1024x250xf32>
    %concatenate3A_285 = tpu.concatenate %slice3A, %sub3A_282, %broadcast_in_dim3A_284 in 1 : vector<1024x3xf32>, vector<1024x3xf32>, vector<1024x250xf32> -> vector<1024x256xf32>
    %convert_element_type3A_286 = arith.truncf %concatenate3A_285 : vector<1024x256xf32> to vector<1024x256xbf16>
    %dot_general3A_287 = arith.constant dense<0.000000e+00> : vector<1024x64xf32>
    %dot_general3A_288 = tpu.matmul %convert_element_type3A_286, %get3A_6, %dot_general3A_287 {dimension_numbers = #tpu.dot_dimension_numbers<[1], [0], [0], [1], [0, 0, 1, 1], [], []>, transpose_lhs_hint = false} : vector<1024x256xbf16>, vector<256x64xbf16>, vector<1024x64xf32> -> vector<1024x64xf32>
    %max3A_289 = arith.maximumf %max3A_271, %dot_general3A_288 : vector<1024x64xf32>
    %add3A_290 = arith.addf %add3A_272, %dot_general3A_288 : vector<1024x64xf32>
    %mul3A_291 = arith.mulf %dot_general3A_288, %dot_general3A_288 : vector<1024x64xf32>
    %add3A_292 = arith.addf %add3A_274, %mul3A_291 : vector<1024x64xf32>
    %get3A_293 = arith.constant 16 : index
    %get3A_294 = arith.constant 0 : index
    %get3A_295 = arith.constant 0 : index
    %get3A_296 = arith.constant 0 : index
    %get3A_297 = vector.load %arg2[%get3A_293, %get3A_294, %get3A_295, %get3A_296] : memref<20x1x1024x128xf32, #tpu.memory_space<vmem>>, vector<1x1x1024x128xf32>
    %get3A_298 = vector.shape_cast %get3A_297 : vector<1x1x1024x128xf32> to vector<1024x128xf32>
    %slice3A_299 = vector.extract_strided_slice %get3A_298 {offsets = [0, 0], sizes = [1024, 3], strides = [1, 1]} : vector<1024x128xf32> to vector<1024x3xf32>
    %sub3A_300 = arith.subf %slice3A_299, %slice3A : vector<1024x3xf32>
    %broadcast_in_dim3A_301 = arith.constant 0.000000e+00 : f32
    %broadcast_in_dim3A_302 = vector.broadcast %broadcast_in_dim3A_301 : f32 to vector<1024x250xf32>
    %concatenate3A_303 = tpu.concatenate %slice3A, %sub3A_300, %broadcast_in_dim3A_302 in 1 : vector<1024x3xf32>, vector<1024x3xf32>, vector<1024x250xf32> -> vector<1024x256xf32>
    %convert_element_type3A_304 = arith.truncf %concatenate3A_303 : vector<1024x256xf32> to vector<1024x256xbf16>
    %dot_general3A_305 = arith.constant dense<0.000000e+00> : vector<1024x64xf32>
    %dot_general3A_306 = tpu.matmul %convert_element_type3A_304, %get3A_6, %dot_general3A_305 {dimension_numbers = #tpu.dot_dimension_numbers<[1], [0], [0], [1], [0, 0, 1, 1], [], []>, transpose_lhs_hint = false} : vector<1024x256xbf16>, vector<256x64xbf16>, vector<1024x64xf32> -> vector<1024x64xf32>
    %max3A_307 = arith.maximumf %max3A_289, %dot_general3A_306 : vector<1024x64xf32>
    %add3A_308 = arith.addf %add3A_290, %dot_general3A_306 : vector<1024x64xf32>
    %mul3A_309 = arith.mulf %dot_general3A_306, %dot_general3A_306 : vector<1024x64xf32>
    %add3A_310 = arith.addf %add3A_292, %mul3A_309 : vector<1024x64xf32>
    %get3A_311 = arith.constant 17 : index
    %get3A_312 = arith.constant 0 : index
    %get3A_313 = arith.constant 0 : index
    %get3A_314 = arith.constant 0 : index
    %get3A_315 = vector.load %arg2[%get3A_311, %get3A_312, %get3A_313, %get3A_314] : memref<20x1x1024x128xf32, #tpu.memory_space<vmem>>, vector<1x1x1024x128xf32>
    %get3A_316 = vector.shape_cast %get3A_315 : vector<1x1x1024x128xf32> to vector<1024x128xf32>
    %slice3A_317 = vector.extract_strided_slice %get3A_316 {offsets = [0, 0], sizes = [1024, 3], strides = [1, 1]} : vector<1024x128xf32> to vector<1024x3xf32>
    %sub3A_318 = arith.subf %slice3A_317, %slice3A : vector<1024x3xf32>
    %broadcast_in_dim3A_319 = arith.constant 0.000000e+00 : f32
    %broadcast_in_dim3A_320 = vector.broadcast %broadcast_in_dim3A_319 : f32 to vector<1024x250xf32>
    %concatenate3A_321 = tpu.concatenate %slice3A, %sub3A_318, %broadcast_in_dim3A_320 in 1 : vector<1024x3xf32>, vector<1024x3xf32>, vector<1024x250xf32> -> vector<1024x256xf32>
    %convert_element_type3A_322 = arith.truncf %concatenate3A_321 : vector<1024x256xf32> to vector<1024x256xbf16>
    %dot_general3A_323 = arith.constant dense<0.000000e+00> : vector<1024x64xf32>
    %dot_general3A_324 = tpu.matmul %convert_element_type3A_322, %get3A_6, %dot_general3A_323 {dimension_numbers = #tpu.dot_dimension_numbers<[1], [0], [0], [1], [0, 0, 1, 1], [], []>, transpose_lhs_hint = false} : vector<1024x256xbf16>, vector<256x64xbf16>, vector<1024x64xf32> -> vector<1024x64xf32>
    %max3A_325 = arith.maximumf %max3A_307, %dot_general3A_324 : vector<1024x64xf32>
    %add3A_326 = arith.addf %add3A_308, %dot_general3A_324 : vector<1024x64xf32>
    %mul3A_327 = arith.mulf %dot_general3A_324, %dot_general3A_324 : vector<1024x64xf32>
    %add3A_328 = arith.addf %add3A_310, %mul3A_327 : vector<1024x64xf32>
    %get3A_329 = arith.constant 18 : index
    %get3A_330 = arith.constant 0 : index
    %get3A_331 = arith.constant 0 : index
    %get3A_332 = arith.constant 0 : index
    %get3A_333 = vector.load %arg2[%get3A_329, %get3A_330, %get3A_331, %get3A_332] : memref<20x1x1024x128xf32, #tpu.memory_space<vmem>>, vector<1x1x1024x128xf32>
    %get3A_334 = vector.shape_cast %get3A_333 : vector<1x1x1024x128xf32> to vector<1024x128xf32>
    %slice3A_335 = vector.extract_strided_slice %get3A_334 {offsets = [0, 0], sizes = [1024, 3], strides = [1, 1]} : vector<1024x128xf32> to vector<1024x3xf32>
    %sub3A_336 = arith.subf %slice3A_335, %slice3A : vector<1024x3xf32>
    %broadcast_in_dim3A_337 = arith.constant 0.000000e+00 : f32
    %broadcast_in_dim3A_338 = vector.broadcast %broadcast_in_dim3A_337 : f32 to vector<1024x250xf32>
    %concatenate3A_339 = tpu.concatenate %slice3A, %sub3A_336, %broadcast_in_dim3A_338 in 1 : vector<1024x3xf32>, vector<1024x3xf32>, vector<1024x250xf32> -> vector<1024x256xf32>
    %convert_element_type3A_340 = arith.truncf %concatenate3A_339 : vector<1024x256xf32> to vector<1024x256xbf16>
    %dot_general3A_341 = arith.constant dense<0.000000e+00> : vector<1024x64xf32>
    %dot_general3A_342 = tpu.matmul %convert_element_type3A_340, %get3A_6, %dot_general3A_341 {dimension_numbers = #tpu.dot_dimension_numbers<[1], [0], [0], [1], [0, 0, 1, 1], [], []>, transpose_lhs_hint = false} : vector<1024x256xbf16>, vector<256x64xbf16>, vector<1024x64xf32> -> vector<1024x64xf32>
    %max3A_343 = arith.maximumf %max3A_325, %dot_general3A_342 : vector<1024x64xf32>
    %add3A_344 = arith.addf %add3A_326, %dot_general3A_342 : vector<1024x64xf32>
    %mul3A_345 = arith.mulf %dot_general3A_342, %dot_general3A_342 : vector<1024x64xf32>
    %add3A_346 = arith.addf %add3A_328, %mul3A_345 : vector<1024x64xf32>
    %get3A_347 = arith.constant 19 : index
    %get3A_348 = arith.constant 0 : index
    %get3A_349 = arith.constant 0 : index
    %get3A_350 = arith.constant 0 : index
    %get3A_351 = vector.load %arg2[%get3A_347, %get3A_348, %get3A_349, %get3A_350] : memref<20x1x1024x128xf32, #tpu.memory_space<vmem>>, vector<1x1x1024x128xf32>
    %get3A_352 = vector.shape_cast %get3A_351 : vector<1x1x1024x128xf32> to vector<1024x128xf32>
    %slice3A_353 = vector.extract_strided_slice %get3A_352 {offsets = [0, 0], sizes = [1024, 3], strides = [1, 1]} : vector<1024x128xf32> to vector<1024x3xf32>
    %sub3A_354 = arith.subf %slice3A_353, %slice3A : vector<1024x3xf32>
    %broadcast_in_dim3A_355 = arith.constant 0.000000e+00 : f32
    %broadcast_in_dim3A_356 = vector.broadcast %broadcast_in_dim3A_355 : f32 to vector<1024x250xf32>
    %concatenate3A_357 = tpu.concatenate %slice3A, %sub3A_354, %broadcast_in_dim3A_356 in 1 : vector<1024x3xf32>, vector<1024x3xf32>, vector<1024x250xf32> -> vector<1024x256xf32>
    %convert_element_type3A_358 = arith.truncf %concatenate3A_357 : vector<1024x256xf32> to vector<1024x256xbf16>
    %dot_general3A_359 = arith.constant dense<0.000000e+00> : vector<1024x64xf32>
    %dot_general3A_360 = tpu.matmul %convert_element_type3A_358, %get3A_6, %dot_general3A_359 {dimension_numbers = #tpu.dot_dimension_numbers<[1], [0], [0], [1], [0, 0, 1, 1], [], []>, transpose_lhs_hint = false} : vector<1024x256xbf16>, vector<256x64xbf16>, vector<1024x64xf32> -> vector<1024x64xf32>
    %max3A_361 = arith.maximumf %max3A_343, %dot_general3A_360 : vector<1024x64xf32>
    %add3A_362 = arith.addf %add3A_344, %dot_general3A_360 : vector<1024x64xf32>
    %mul3A_363 = arith.mulf %dot_general3A_360, %dot_general3A_360 : vector<1024x64xf32>
    %add3A_364 = arith.addf %add3A_346, %mul3A_363 : vector<1024x64xf32>
    %swap3A = arith.constant 0 : index
    %swap3A_365 = arith.constant 0 : index
    %swap3A_366 = arith.constant 0 : index
    %swap3A_367 = vector.load %arg4[%swap3A, %swap3A_365, %swap3A_366] : memref<1x1024x64xf32, #tpu.memory_space<vmem>>, vector<1x1024x64xf32>
    %swap3A_368 = vector.shape_cast %swap3A_367 : vector<1x1024x64xf32> to vector<1024x64xf32>
    %swap3A_369 = vector.shape_cast %max3A_361 : vector<1024x64xf32> to vector<1x1024x64xf32>
    tpu.vector_store %arg4[%swap3A, %swap3A_365, %swap3A_366], %swap3A_369 {strides = array<i32>} : memref<1x1024x64xf32, #tpu.memory_space<vmem>>, vector<1x1024x64xf32>,
    %reduce_sum3A = arith.constant dense<0.000000e+00> : vector<64xf32>
    %reduce_sum3A_370 = vector.multi_reduction <add>, %add3A_362, %reduce_sum3A [0] : vector<1024x64xf32> to vector<64xf32>
    %swap3A_371 = arith.constant 0 : index
    %swap3A_372 = arith.constant 0 : index
    %swap3A_373 = arith.constant 0 : index
    %swap3A_374 = vector.load %arg5[%swap3A_371, %swap3A_372, %swap3A_373] : memref<1x1x64xf32, #tpu.memory_space<vmem>>, vector<1x1x64xf32>
    %swap3A_375 = vector.shape_cast %swap3A_374 : vector<1x1x64xf32> to vector<64xf32>
    %swap3A_376 = vector.shape_cast %reduce_sum3A_370 : vector<64xf32> to vector<1x1x64xf32>
    tpu.vector_store %arg5[%swap3A_371, %swap3A_372, %swap3A_373], %swap3A_376 {strides = array<i32>} : memref<1x1x64xf32, #tpu.memory_space<vmem>>, vector<1x1x64xf32>,
    %reduce_sum3A_377 = arith.constant dense<0.000000e+00> : vector<64xf32>
    %reduce_sum3A_378 = vector.multi_reduction <add>, %add3A_364, %reduce_sum3A_377 [0] : vector<1024x64xf32> to vector<64xf32>
    %swap3A_379 = arith.constant 0 : index
    %swap3A_380 = arith.constant 0 : index
    %swap3A_381 = arith.constant 0 : index
    %swap3A_382 = vector.load %arg6[%swap3A_379, %swap3A_380, %swap3A_381] : memref<1x1x64xf32, #tpu.memory_space<vmem>>, vector<1x1x64xf32>
    %swap3A_383 = vector.shape_cast %swap3A_382 : vector<1x1x64xf32> to vector<64xf32>
    %swap3A_384 = vector.shape_cast %reduce_sum3A_378 : vector<64xf32> to vector<1x1x64xf32>
    tpu.vector_store %arg6[%swap3A_379, %swap3A_380, %swap3A_381], %swap3A_384 {strides = array<i32>} : memref<1x1x64xf32, #tpu.memory_space<vmem>>, vector<1x1x64xf32>,
    return
  }
  func.func @transform_0(%arg0: i32) -> (i32, i32, i32) {
    %c0_i32 = arith.constant 0 : i32
    %c0_i32_0 = arith.constant 0 : i32
    %c0_i32_1 = arith.constant 0 : i32
    return %arg0, %c0_i32, %c0_i32_0 : i32, i32, i32
  }
  func.func @transform_1(%arg0: i32) -> (i32, i32, i32, i32) {
    %c0_i32 = arith.constant 0 : i32
    %c0_i32_0 = arith.constant 0 : i32
    %c0_i32_1 = arith.constant 0 : i32
    %c0_i32_2 = arith.constant 0 : i32
    return %c0_i32, %arg0, %c0_i32_0, %c0_i32_1 : i32, i32, i32, i32
  }
  func.func @transform_2(%arg0: i32) -> (i32, i32) {
    %c0_i32 = arith.constant 0 : i32
    %c0_i32_0 = arith.constant 0 : i32
    %c0_i32_1 = arith.constant 0 : i32
    return %c0_i32, %c0_i32_0 : i32, i32
  }
  func.func @transform_3(%arg0: i32) -> (i32, i32, i32) {
    %c0_i32 = arith.constant 0 : i32
    %c0_i32_0 = arith.constant 0 : i32
    %c0_i32_1 = arith.constant 0 : i32
    return %arg0, %c0_i32, %c0_i32_0 : i32, i32, i32
  }
  func.func @transform_4(%arg0: i32) -> (i32, i32, i32) {
    %c0_i32 = arith.constant 0 : i32
    %c0_i32_0 = arith.constant 0 : i32
    %c0_i32_1 = arith.constant 0 : i32
    return %arg0, %c0_i32, %c0_i32_0 : i32, i32, i32
  }
  func.func @transform_5(%arg0: i32) -> (i32, i32, i32) {
    %c0_i32 = arith.constant 0 : i32
    %c0_i32_0 = arith.constant 0 : i32
    %c0_i32_1 = arith.constant 0 : i32
    return %arg0, %c0_i32, %c0_i32_0 : i32, i32, i32
  }
}

module attributes {stable_mosaic.version = 14 : i64} {
  func.func @_finalize_body(%arg0: memref<16x1024x64xf32, #tpu.memory_space<vmem>>, %arg1: memref<16x1x64xf32, #tpu.memory_space<vmem>>, %arg2: memref<16x1x64xf32, #tpu.memory_space<vmem>>, %arg3: memref<1x1x64xf32, #tpu.memory_space<vmem>>, %arg4: memref<1x1x64xf32, #tpu.memory_space<vmem>>, %arg5: memref<16x1024x64xf32, #tpu.memory_space<vmem>>) attributes {dimension_semantics = [], scalar_prefetch = 0 : i64, scratch_operands = 0 : i64, tpu.core_type = #tpu.core_type<tc>} {
    %get3A = arith.constant 0 : index
    %get3A_0 = arith.constant 0 : index
    %get3A_1 = arith.constant 0 : index
    %get3A_2 = vector.load %arg1[%get3A, %get3A_0, %get3A_1] : memref<16x1x64xf32, #tpu.memory_space<vmem>>, vector<16x1x64xf32>
    %reduce_sum3A = arith.constant dense<0.000000e+00> : vector<64xf32>
    %reduce_sum3A_3 = vector.multi_reduction <add>, %get3A_2, %reduce_sum3A [0, 1] : vector<16x1x64xf32> to vector<64xf32>
    %get3A_4 = arith.constant 0 : index
    %get3A_5 = arith.constant 0 : index
    %get3A_6 = arith.constant 0 : index
    %get3A_7 = vector.load %arg2[%get3A_4, %get3A_5, %get3A_6] : memref<16x1x64xf32, #tpu.memory_space<vmem>>, vector<16x1x64xf32>
    %reduce_sum3A_8 = arith.constant dense<0.000000e+00> : vector<64xf32>
    %reduce_sum3A_9 = vector.multi_reduction <add>, %get3A_7, %reduce_sum3A_8 [0, 1] : vector<16x1x64xf32> to vector<64xf32>
    %div3A = arith.constant 3.276800e+05 : f32
    %div3A_10 = vector.broadcast %div3A : f32 to vector<64xf32>
    %div3A_11 = arith.divf %reduce_sum3A_3, %div3A_10 : vector<64xf32>
    %div3A_12 = arith.constant 3.276800e+05 : f32
    %div3A_13 = vector.broadcast %div3A_12 : f32 to vector<64xf32>
    %div3A_14 = arith.divf %reduce_sum3A_9, %div3A_13 : vector<64xf32>
    %mul3A = arith.mulf %div3A_11, %div3A_11 : vector<64xf32>
    %sub3A = arith.subf %div3A_14, %mul3A : vector<64xf32>
    %add3A = arith.constant 9.99999974E-6 : f32
    %add3A_15 = vector.broadcast %add3A : f32 to vector<64xf32>
    %add3A_16 = arith.addf %sub3A, %add3A_15 : vector<64xf32>
    %sqrt3A = math.sqrt %add3A_16 : vector<64xf32>
    %get3A_17 = arith.constant 0 : index
    %get3A_18 = arith.constant 0 : index
    %get3A_19 = arith.constant 0 : index
    %get3A_20 = vector.load %arg0[%get3A_17, %get3A_18, %get3A_19] : memref<16x1024x64xf32, #tpu.memory_space<vmem>>, vector<16x1024x64xf32>
    %broadcast_in_dim3A = vector.shape_cast %div3A_11 : vector<64xf32> to vector<1x1x64xf32>
    %sub3A_21 = vector.broadcast %broadcast_in_dim3A : vector<1x1x64xf32> to vector<16x1024x64xf32>
    %sub3A_22 = arith.subf %get3A_20, %sub3A_21 : vector<16x1024x64xf32>
    %broadcast_in_dim3A_23 = vector.shape_cast %sqrt3A : vector<64xf32> to vector<1x1x64xf32>
    %div3A_24 = vector.broadcast %broadcast_in_dim3A_23 : vector<1x1x64xf32> to vector<16x1024x64xf32>
    %div3A_25 = arith.divf %sub3A_22, %div3A_24 : vector<16x1024x64xf32>
    %get3A_26 = arith.constant 0 : index
    %get3A_27 = arith.constant 0 : index
    %get3A_28 = arith.constant 0 : index
    %get3A_29 = vector.load %arg3[%get3A_26, %get3A_27, %get3A_28] : memref<1x1x64xf32, #tpu.memory_space<vmem>>, vector<1x1x64xf32>
    %get3A_30 = vector.shape_cast %get3A_29 : vector<1x1x64xf32> to vector<64xf32>
    %broadcast_in_dim3A_31 = vector.shape_cast %get3A_30 : vector<64xf32> to vector<1x1x64xf32>
    %mul3A_32 = vector.broadcast %broadcast_in_dim3A_31 : vector<1x1x64xf32> to vector<16x1024x64xf32>
    %mul3A_33 = arith.mulf %div3A_25, %mul3A_32 : vector<16x1024x64xf32>
    %get3A_34 = arith.constant 0 : index
    %get3A_35 = arith.constant 0 : index
    %get3A_36 = arith.constant 0 : index
    %get3A_37 = vector.load %arg4[%get3A_34, %get3A_35, %get3A_36] : memref<1x1x64xf32, #tpu.memory_space<vmem>>, vector<1x1x64xf32>
    %get3A_38 = vector.shape_cast %get3A_37 : vector<1x1x64xf32> to vector<64xf32>
    %broadcast_in_dim3A_39 = vector.shape_cast %get3A_38 : vector<64xf32> to vector<1x1x64xf32>
    %add3A_40 = vector.broadcast %broadcast_in_dim3A_39 : vector<1x1x64xf32> to vector<16x1024x64xf32>
    %add3A_41 = arith.addf %mul3A_33, %add3A_40 : vector<16x1024x64xf32>
    %ge3A = arith.constant 0.000000e+00 : f32
    %ge3A_42 = vector.broadcast %ge3A : f32 to vector<16x1024x64xf32>
    %ge3A_43 = arith.cmpf oge, %add3A_41, %ge3A_42 : vector<16x1024x64xf32>
    %mul3A_44 = arith.constant 2.000000e-01 : f32
    %mul3A_45 = vector.broadcast %mul3A_44 : f32 to vector<16x1024x64xf32>
    %mul3A_46 = arith.mulf %mul3A_45, %add3A_41 : vector<16x1024x64xf32>
    %select_n3A = arith.select %ge3A_43, %add3A_41, %mul3A_46 : vector<16x1024x64xi1>, vector<16x1024x64xf32>
    %swap3A = arith.constant 0 : index
    %swap3A_47 = arith.constant 0 : index
    %swap3A_48 = arith.constant 0 : index
    %swap3A_49 = vector.load %arg5[%swap3A, %swap3A_47, %swap3A_48] : memref<16x1024x64xf32, #tpu.memory_space<vmem>>, vector<16x1024x64xf32>
    tpu.vector_store %arg5[%swap3A, %swap3A_47, %swap3A_48], %select_n3A {strides = array<i32>} : memref<16x1024x64xf32, #tpu.memory_space<vmem>>, vector<16x1024x64xf32>,
    return
  }
}

module attributes {stable_mosaic.version = 14 : i64} {
  func.func @_conv_body(%arg0: i32, %arg1: memref<1x1024x128xf32, #tpu.memory_space<vmem>>, %arg2: memref<20x1x1024x128xf32, #tpu.memory_space<vmem>>, %arg3: memref<256x64xbf16, #tpu.memory_space<vmem>>, %arg4: memref<1x1024x64xf32, #tpu.memory_space<vmem>>, %arg5: memref<1x1x64xf32, #tpu.memory_space<vmem>>, %arg6: memref<1x1x64xf32, #tpu.memory_space<vmem>>) attributes {dimension_semantics = [#tpu.dimension_semantics<arbitrary>], iteration_bounds = array<i64: 16>, scalar_prefetch = 0 : i64, scratch_operands = 0 : i64, tpu.core_type = #tpu.core_type<tc>, window_params = [{transform_indices = @transform_0, window_bounds = array<i64: 1, 1024, 128>}, {transform_indices = @transform_1, window_bounds = array<i64: 20, 1, 1024, 128>}, {pipeline_mode = #tpu.pipeline_mode<synchronous>, transform_indices = @transform_2, window_bounds = array<i64: 256, 64>}, {transform_indices = @transform_3, window_bounds = array<i64: 1, 1024, 64>}, {transform_indices = @transform_4, window_bounds = array<i64: 1, 1, 64>}, {transform_indices = @transform_5, window_bounds = array<i64: 1, 1, 64>}]} {
    %get3A = arith.constant 0 : index
    %get3A_0 = arith.constant 0 : index
    %get3A_1 = arith.constant 0 : index
    %get3A_2 = vector.load %arg1[%get3A, %get3A_0, %get3A_1] : memref<1x1024x128xf32, #tpu.memory_space<vmem>>, vector<1x1024x128xf32>
    %get3A_3 = vector.shape_cast %get3A_2 : vector<1x1024x128xf32> to vector<1024x128xf32>
    %get3A_4 = arith.constant 0 : index
    %get3A_5 = arith.constant 0 : index
    %get3A_6 = vector.load %arg3[%get3A_4, %get3A_5] : memref<256x64xbf16, #tpu.memory_space<vmem>>, vector<256x64xbf16>
    %slice3A = vector.extract_strided_slice %get3A_3 {offsets = [0, 0], sizes = [1024, 64], strides = [1, 1]} : vector<1024x128xf32> to vector<1024x64xf32>
    %broadcast_in_dim3A = arith.constant -3.000000e+38 : f32
    %broadcast_in_dim3A_7 = vector.broadcast %broadcast_in_dim3A : f32 to vector<1024x64xf32>
    %broadcast_in_dim3A_8 = arith.constant 0.000000e+00 : f32
    %broadcast_in_dim3A_9 = vector.broadcast %broadcast_in_dim3A_8 : f32 to vector<1024x64xf32>
    %broadcast_in_dim3A_10 = arith.constant 0.000000e+00 : f32
    %broadcast_in_dim3A_11 = vector.broadcast %broadcast_in_dim3A_10 : f32 to vector<1024x64xf32>
    %get3A_12 = arith.constant 0 : index
    %get3A_13 = arith.constant 0 : index
    %get3A_14 = arith.constant 0 : index
    %get3A_15 = arith.constant 0 : index
    %get3A_16 = vector.load %arg2[%get3A_12, %get3A_13, %get3A_14, %get3A_15] : memref<20x1x1024x128xf32, #tpu.memory_space<vmem>>, vector<1x1x1024x128xf32>
    %get3A_17 = vector.shape_cast %get3A_16 : vector<1x1x1024x128xf32> to vector<1024x128xf32>
    %slice3A_18 = vector.extract_strided_slice %get3A_17 {offsets = [0, 0], sizes = [1024, 64], strides = [1, 1]} : vector<1024x128xf32> to vector<1024x64xf32>
    %sub3A = arith.subf %slice3A_18, %slice3A : vector<1024x64xf32>
    %broadcast_in_dim3A_19 = arith.constant 0.000000e+00 : f32
    %broadcast_in_dim3A_20 = vector.broadcast %broadcast_in_dim3A_19 : f32 to vector<1024x128xf32>
    %concatenate3A = tpu.concatenate %slice3A, %sub3A, %broadcast_in_dim3A_20 in 1 : vector<1024x64xf32>, vector<1024x64xf32>, vector<1024x128xf32> -> vector<1024x256xf32>
    %convert_element_type3A = arith.truncf %concatenate3A : vector<1024x256xf32> to vector<1024x256xbf16>
    %dot_general3A = arith.constant dense<0.000000e+00> : vector<1024x64xf32>
    %dot_general3A_21 = tpu.matmul %convert_element_type3A, %get3A_6, %dot_general3A {dimension_numbers = #tpu.dot_dimension_numbers<[1], [0], [0], [1], [0, 0, 1, 1], [], []>, transpose_lhs_hint = false} : vector<1024x256xbf16>, vector<256x64xbf16>, vector<1024x64xf32> -> vector<1024x64xf32>
    %max3A = arith.maximumf %broadcast_in_dim3A_7, %dot_general3A_21 : vector<1024x64xf32>
    %add3A = arith.addf %broadcast_in_dim3A_9, %dot_general3A_21 : vector<1024x64xf32>
    %mul3A = arith.mulf %dot_general3A_21, %dot_general3A_21 : vector<1024x64xf32>
    %add3A_22 = arith.addf %broadcast_in_dim3A_11, %mul3A : vector<1024x64xf32>
    %get3A_23 = arith.constant 1 : index
    %get3A_24 = arith.constant 0 : index
    %get3A_25 = arith.constant 0 : index
    %get3A_26 = arith.constant 0 : index
    %get3A_27 = vector.load %arg2[%get3A_23, %get3A_24, %get3A_25, %get3A_26] : memref<20x1x1024x128xf32, #tpu.memory_space<vmem>>, vector<1x1x1024x128xf32>
    %get3A_28 = vector.shape_cast %get3A_27 : vector<1x1x1024x128xf32> to vector<1024x128xf32>
    %slice3A_29 = vector.extract_strided_slice %get3A_28 {offsets = [0, 0], sizes = [1024, 64], strides = [1, 1]} : vector<1024x128xf32> to vector<1024x64xf32>
    %sub3A_30 = arith.subf %slice3A_29, %slice3A : vector<1024x64xf32>
    %broadcast_in_dim3A_31 = arith.constant 0.000000e+00 : f32
    %broadcast_in_dim3A_32 = vector.broadcast %broadcast_in_dim3A_31 : f32 to vector<1024x128xf32>
    %concatenate3A_33 = tpu.concatenate %slice3A, %sub3A_30, %broadcast_in_dim3A_32 in 1 : vector<1024x64xf32>, vector<1024x64xf32>, vector<1024x128xf32> -> vector<1024x256xf32>
    %convert_element_type3A_34 = arith.truncf %concatenate3A_33 : vector<1024x256xf32> to vector<1024x256xbf16>
    %dot_general3A_35 = arith.constant dense<0.000000e+00> : vector<1024x64xf32>
    %dot_general3A_36 = tpu.matmul %convert_element_type3A_34, %get3A_6, %dot_general3A_35 {dimension_numbers = #tpu.dot_dimension_numbers<[1], [0], [0], [1], [0, 0, 1, 1], [], []>, transpose_lhs_hint = false} : vector<1024x256xbf16>, vector<256x64xbf16>, vector<1024x64xf32> -> vector<1024x64xf32>
    %max3A_37 = arith.maximumf %max3A, %dot_general3A_36 : vector<1024x64xf32>
    %add3A_38 = arith.addf %add3A, %dot_general3A_36 : vector<1024x64xf32>
    %mul3A_39 = arith.mulf %dot_general3A_36, %dot_general3A_36 : vector<1024x64xf32>
    %add3A_40 = arith.addf %add3A_22, %mul3A_39 : vector<1024x64xf32>
    %get3A_41 = arith.constant 2 : index
    %get3A_42 = arith.constant 0 : index
    %get3A_43 = arith.constant 0 : index
    %get3A_44 = arith.constant 0 : index
    %get3A_45 = vector.load %arg2[%get3A_41, %get3A_42, %get3A_43, %get3A_44] : memref<20x1x1024x128xf32, #tpu.memory_space<vmem>>, vector<1x1x1024x128xf32>
    %get3A_46 = vector.shape_cast %get3A_45 : vector<1x1x1024x128xf32> to vector<1024x128xf32>
    %slice3A_47 = vector.extract_strided_slice %get3A_46 {offsets = [0, 0], sizes = [1024, 64], strides = [1, 1]} : vector<1024x128xf32> to vector<1024x64xf32>
    %sub3A_48 = arith.subf %slice3A_47, %slice3A : vector<1024x64xf32>
    %broadcast_in_dim3A_49 = arith.constant 0.000000e+00 : f32
    %broadcast_in_dim3A_50 = vector.broadcast %broadcast_in_dim3A_49 : f32 to vector<1024x128xf32>
    %concatenate3A_51 = tpu.concatenate %slice3A, %sub3A_48, %broadcast_in_dim3A_50 in 1 : vector<1024x64xf32>, vector<1024x64xf32>, vector<1024x128xf32> -> vector<1024x256xf32>
    %convert_element_type3A_52 = arith.truncf %concatenate3A_51 : vector<1024x256xf32> to vector<1024x256xbf16>
    %dot_general3A_53 = arith.constant dense<0.000000e+00> : vector<1024x64xf32>
    %dot_general3A_54 = tpu.matmul %convert_element_type3A_52, %get3A_6, %dot_general3A_53 {dimension_numbers = #tpu.dot_dimension_numbers<[1], [0], [0], [1], [0, 0, 1, 1], [], []>, transpose_lhs_hint = false} : vector<1024x256xbf16>, vector<256x64xbf16>, vector<1024x64xf32> -> vector<1024x64xf32>
    %max3A_55 = arith.maximumf %max3A_37, %dot_general3A_54 : vector<1024x64xf32>
    %add3A_56 = arith.addf %add3A_38, %dot_general3A_54 : vector<1024x64xf32>
    %mul3A_57 = arith.mulf %dot_general3A_54, %dot_general3A_54 : vector<1024x64xf32>
    %add3A_58 = arith.addf %add3A_40, %mul3A_57 : vector<1024x64xf32>
    %get3A_59 = arith.constant 3 : index
    %get3A_60 = arith.constant 0 : index
    %get3A_61 = arith.constant 0 : index
    %get3A_62 = arith.constant 0 : index
    %get3A_63 = vector.load %arg2[%get3A_59, %get3A_60, %get3A_61, %get3A_62] : memref<20x1x1024x128xf32, #tpu.memory_space<vmem>>, vector<1x1x1024x128xf32>
    %get3A_64 = vector.shape_cast %get3A_63 : vector<1x1x1024x128xf32> to vector<1024x128xf32>
    %slice3A_65 = vector.extract_strided_slice %get3A_64 {offsets = [0, 0], sizes = [1024, 64], strides = [1, 1]} : vector<1024x128xf32> to vector<1024x64xf32>
    %sub3A_66 = arith.subf %slice3A_65, %slice3A : vector<1024x64xf32>
    %broadcast_in_dim3A_67 = arith.constant 0.000000e+00 : f32
    %broadcast_in_dim3A_68 = vector.broadcast %broadcast_in_dim3A_67 : f32 to vector<1024x128xf32>
    %concatenate3A_69 = tpu.concatenate %slice3A, %sub3A_66, %broadcast_in_dim3A_68 in 1 : vector<1024x64xf32>, vector<1024x64xf32>, vector<1024x128xf32> -> vector<1024x256xf32>
    %convert_element_type3A_70 = arith.truncf %concatenate3A_69 : vector<1024x256xf32> to vector<1024x256xbf16>
    %dot_general3A_71 = arith.constant dense<0.000000e+00> : vector<1024x64xf32>
    %dot_general3A_72 = tpu.matmul %convert_element_type3A_70, %get3A_6, %dot_general3A_71 {dimension_numbers = #tpu.dot_dimension_numbers<[1], [0], [0], [1], [0, 0, 1, 1], [], []>, transpose_lhs_hint = false} : vector<1024x256xbf16>, vector<256x64xbf16>, vector<1024x64xf32> -> vector<1024x64xf32>
    %max3A_73 = arith.maximumf %max3A_55, %dot_general3A_72 : vector<1024x64xf32>
    %add3A_74 = arith.addf %add3A_56, %dot_general3A_72 : vector<1024x64xf32>
    %mul3A_75 = arith.mulf %dot_general3A_72, %dot_general3A_72 : vector<1024x64xf32>
    %add3A_76 = arith.addf %add3A_58, %mul3A_75 : vector<1024x64xf32>
    %get3A_77 = arith.constant 4 : index
    %get3A_78 = arith.constant 0 : index
    %get3A_79 = arith.constant 0 : index
    %get3A_80 = arith.constant 0 : index
    %get3A_81 = vector.load %arg2[%get3A_77, %get3A_78, %get3A_79, %get3A_80] : memref<20x1x1024x128xf32, #tpu.memory_space<vmem>>, vector<1x1x1024x128xf32>
    %get3A_82 = vector.shape_cast %get3A_81 : vector<1x1x1024x128xf32> to vector<1024x128xf32>
    %slice3A_83 = vector.extract_strided_slice %get3A_82 {offsets = [0, 0], sizes = [1024, 64], strides = [1, 1]} : vector<1024x128xf32> to vector<1024x64xf32>
    %sub3A_84 = arith.subf %slice3A_83, %slice3A : vector<1024x64xf32>
    %broadcast_in_dim3A_85 = arith.constant 0.000000e+00 : f32
    %broadcast_in_dim3A_86 = vector.broadcast %broadcast_in_dim3A_85 : f32 to vector<1024x128xf32>
    %concatenate3A_87 = tpu.concatenate %slice3A, %sub3A_84, %broadcast_in_dim3A_86 in 1 : vector<1024x64xf32>, vector<1024x64xf32>, vector<1024x128xf32> -> vector<1024x256xf32>
    %convert_element_type3A_88 = arith.truncf %concatenate3A_87 : vector<1024x256xf32> to vector<1024x256xbf16>
    %dot_general3A_89 = arith.constant dense<0.000000e+00> : vector<1024x64xf32>
    %dot_general3A_90 = tpu.matmul %convert_element_type3A_88, %get3A_6, %dot_general3A_89 {dimension_numbers = #tpu.dot_dimension_numbers<[1], [0], [0], [1], [0, 0, 1, 1], [], []>, transpose_lhs_hint = false} : vector<1024x256xbf16>, vector<256x64xbf16>, vector<1024x64xf32> -> vector<1024x64xf32>
    %max3A_91 = arith.maximumf %max3A_73, %dot_general3A_90 : vector<1024x64xf32>
    %add3A_92 = arith.addf %add3A_74, %dot_general3A_90 : vector<1024x64xf32>
    %mul3A_93 = arith.mulf %dot_general3A_90, %dot_general3A_90 : vector<1024x64xf32>
    %add3A_94 = arith.addf %add3A_76, %mul3A_93 : vector<1024x64xf32>
    %get3A_95 = arith.constant 5 : index
    %get3A_96 = arith.constant 0 : index
    %get3A_97 = arith.constant 0 : index
    %get3A_98 = arith.constant 0 : index
    %get3A_99 = vector.load %arg2[%get3A_95, %get3A_96, %get3A_97, %get3A_98] : memref<20x1x1024x128xf32, #tpu.memory_space<vmem>>, vector<1x1x1024x128xf32>
    %get3A_100 = vector.shape_cast %get3A_99 : vector<1x1x1024x128xf32> to vector<1024x128xf32>
    %slice3A_101 = vector.extract_strided_slice %get3A_100 {offsets = [0, 0], sizes = [1024, 64], strides = [1, 1]} : vector<1024x128xf32> to vector<1024x64xf32>
    %sub3A_102 = arith.subf %slice3A_101, %slice3A : vector<1024x64xf32>
    %broadcast_in_dim3A_103 = arith.constant 0.000000e+00 : f32
    %broadcast_in_dim3A_104 = vector.broadcast %broadcast_in_dim3A_103 : f32 to vector<1024x128xf32>
    %concatenate3A_105 = tpu.concatenate %slice3A, %sub3A_102, %broadcast_in_dim3A_104 in 1 : vector<1024x64xf32>, vector<1024x64xf32>, vector<1024x128xf32> -> vector<1024x256xf32>
    %convert_element_type3A_106 = arith.truncf %concatenate3A_105 : vector<1024x256xf32> to vector<1024x256xbf16>
    %dot_general3A_107 = arith.constant dense<0.000000e+00> : vector<1024x64xf32>
    %dot_general3A_108 = tpu.matmul %convert_element_type3A_106, %get3A_6, %dot_general3A_107 {dimension_numbers = #tpu.dot_dimension_numbers<[1], [0], [0], [1], [0, 0, 1, 1], [], []>, transpose_lhs_hint = false} : vector<1024x256xbf16>, vector<256x64xbf16>, vector<1024x64xf32> -> vector<1024x64xf32>
    %max3A_109 = arith.maximumf %max3A_91, %dot_general3A_108 : vector<1024x64xf32>
    %add3A_110 = arith.addf %add3A_92, %dot_general3A_108 : vector<1024x64xf32>
    %mul3A_111 = arith.mulf %dot_general3A_108, %dot_general3A_108 : vector<1024x64xf32>
    %add3A_112 = arith.addf %add3A_94, %mul3A_111 : vector<1024x64xf32>
    %get3A_113 = arith.constant 6 : index
    %get3A_114 = arith.constant 0 : index
    %get3A_115 = arith.constant 0 : index
    %get3A_116 = arith.constant 0 : index
    %get3A_117 = vector.load %arg2[%get3A_113, %get3A_114, %get3A_115, %get3A_116] : memref<20x1x1024x128xf32, #tpu.memory_space<vmem>>, vector<1x1x1024x128xf32>
    %get3A_118 = vector.shape_cast %get3A_117 : vector<1x1x1024x128xf32> to vector<1024x128xf32>
    %slice3A_119 = vector.extract_strided_slice %get3A_118 {offsets = [0, 0], sizes = [1024, 64], strides = [1, 1]} : vector<1024x128xf32> to vector<1024x64xf32>
    %sub3A_120 = arith.subf %slice3A_119, %slice3A : vector<1024x64xf32>
    %broadcast_in_dim3A_121 = arith.constant 0.000000e+00 : f32
    %broadcast_in_dim3A_122 = vector.broadcast %broadcast_in_dim3A_121 : f32 to vector<1024x128xf32>
    %concatenate3A_123 = tpu.concatenate %slice3A, %sub3A_120, %broadcast_in_dim3A_122 in 1 : vector<1024x64xf32>, vector<1024x64xf32>, vector<1024x128xf32> -> vector<1024x256xf32>
    %convert_element_type3A_124 = arith.truncf %concatenate3A_123 : vector<1024x256xf32> to vector<1024x256xbf16>
    %dot_general3A_125 = arith.constant dense<0.000000e+00> : vector<1024x64xf32>
    %dot_general3A_126 = tpu.matmul %convert_element_type3A_124, %get3A_6, %dot_general3A_125 {dimension_numbers = #tpu.dot_dimension_numbers<[1], [0], [0], [1], [0, 0, 1, 1], [], []>, transpose_lhs_hint = false} : vector<1024x256xbf16>, vector<256x64xbf16>, vector<1024x64xf32> -> vector<1024x64xf32>
    %max3A_127 = arith.maximumf %max3A_109, %dot_general3A_126 : vector<1024x64xf32>
    %add3A_128 = arith.addf %add3A_110, %dot_general3A_126 : vector<1024x64xf32>
    %mul3A_129 = arith.mulf %dot_general3A_126, %dot_general3A_126 : vector<1024x64xf32>
    %add3A_130 = arith.addf %add3A_112, %mul3A_129 : vector<1024x64xf32>
    %get3A_131 = arith.constant 7 : index
    %get3A_132 = arith.constant 0 : index
    %get3A_133 = arith.constant 0 : index
    %get3A_134 = arith.constant 0 : index
    %get3A_135 = vector.load %arg2[%get3A_131, %get3A_132, %get3A_133, %get3A_134] : memref<20x1x1024x128xf32, #tpu.memory_space<vmem>>, vector<1x1x1024x128xf32>
    %get3A_136 = vector.shape_cast %get3A_135 : vector<1x1x1024x128xf32> to vector<1024x128xf32>
    %slice3A_137 = vector.extract_strided_slice %get3A_136 {offsets = [0, 0], sizes = [1024, 64], strides = [1, 1]} : vector<1024x128xf32> to vector<1024x64xf32>
    %sub3A_138 = arith.subf %slice3A_137, %slice3A : vector<1024x64xf32>
    %broadcast_in_dim3A_139 = arith.constant 0.000000e+00 : f32
    %broadcast_in_dim3A_140 = vector.broadcast %broadcast_in_dim3A_139 : f32 to vector<1024x128xf32>
    %concatenate3A_141 = tpu.concatenate %slice3A, %sub3A_138, %broadcast_in_dim3A_140 in 1 : vector<1024x64xf32>, vector<1024x64xf32>, vector<1024x128xf32> -> vector<1024x256xf32>
    %convert_element_type3A_142 = arith.truncf %concatenate3A_141 : vector<1024x256xf32> to vector<1024x256xbf16>
    %dot_general3A_143 = arith.constant dense<0.000000e+00> : vector<1024x64xf32>
    %dot_general3A_144 = tpu.matmul %convert_element_type3A_142, %get3A_6, %dot_general3A_143 {dimension_numbers = #tpu.dot_dimension_numbers<[1], [0], [0], [1], [0, 0, 1, 1], [], []>, transpose_lhs_hint = false} : vector<1024x256xbf16>, vector<256x64xbf16>, vector<1024x64xf32> -> vector<1024x64xf32>
    %max3A_145 = arith.maximumf %max3A_127, %dot_general3A_144 : vector<1024x64xf32>
    %add3A_146 = arith.addf %add3A_128, %dot_general3A_144 : vector<1024x64xf32>
    %mul3A_147 = arith.mulf %dot_general3A_144, %dot_general3A_144 : vector<1024x64xf32>
    %add3A_148 = arith.addf %add3A_130, %mul3A_147 : vector<1024x64xf32>
    %get3A_149 = arith.constant 8 : index
    %get3A_150 = arith.constant 0 : index
    %get3A_151 = arith.constant 0 : index
    %get3A_152 = arith.constant 0 : index
    %get3A_153 = vector.load %arg2[%get3A_149, %get3A_150, %get3A_151, %get3A_152] : memref<20x1x1024x128xf32, #tpu.memory_space<vmem>>, vector<1x1x1024x128xf32>
    %get3A_154 = vector.shape_cast %get3A_153 : vector<1x1x1024x128xf32> to vector<1024x128xf32>
    %slice3A_155 = vector.extract_strided_slice %get3A_154 {offsets = [0, 0], sizes = [1024, 64], strides = [1, 1]} : vector<1024x128xf32> to vector<1024x64xf32>
    %sub3A_156 = arith.subf %slice3A_155, %slice3A : vector<1024x64xf32>
    %broadcast_in_dim3A_157 = arith.constant 0.000000e+00 : f32
    %broadcast_in_dim3A_158 = vector.broadcast %broadcast_in_dim3A_157 : f32 to vector<1024x128xf32>
    %concatenate3A_159 = tpu.concatenate %slice3A, %sub3A_156, %broadcast_in_dim3A_158 in 1 : vector<1024x64xf32>, vector<1024x64xf32>, vector<1024x128xf32> -> vector<1024x256xf32>
    %convert_element_type3A_160 = arith.truncf %concatenate3A_159 : vector<1024x256xf32> to vector<1024x256xbf16>
    %dot_general3A_161 = arith.constant dense<0.000000e+00> : vector<1024x64xf32>
    %dot_general3A_162 = tpu.matmul %convert_element_type3A_160, %get3A_6, %dot_general3A_161 {dimension_numbers = #tpu.dot_dimension_numbers<[1], [0], [0], [1], [0, 0, 1, 1], [], []>, transpose_lhs_hint = false} : vector<1024x256xbf16>, vector<256x64xbf16>, vector<1024x64xf32> -> vector<1024x64xf32>
    %max3A_163 = arith.maximumf %max3A_145, %dot_general3A_162 : vector<1024x64xf32>
    %add3A_164 = arith.addf %add3A_146, %dot_general3A_162 : vector<1024x64xf32>
    %mul3A_165 = arith.mulf %dot_general3A_162, %dot_general3A_162 : vector<1024x64xf32>
    %add3A_166 = arith.addf %add3A_148, %mul3A_165 : vector<1024x64xf32>
    %get3A_167 = arith.constant 9 : index
    %get3A_168 = arith.constant 0 : index
    %get3A_169 = arith.constant 0 : index
    %get3A_170 = arith.constant 0 : index
    %get3A_171 = vector.load %arg2[%get3A_167, %get3A_168, %get3A_169, %get3A_170] : memref<20x1x1024x128xf32, #tpu.memory_space<vmem>>, vector<1x1x1024x128xf32>
    %get3A_172 = vector.shape_cast %get3A_171 : vector<1x1x1024x128xf32> to vector<1024x128xf32>
    %slice3A_173 = vector.extract_strided_slice %get3A_172 {offsets = [0, 0], sizes = [1024, 64], strides = [1, 1]} : vector<1024x128xf32> to vector<1024x64xf32>
    %sub3A_174 = arith.subf %slice3A_173, %slice3A : vector<1024x64xf32>
    %broadcast_in_dim3A_175 = arith.constant 0.000000e+00 : f32
    %broadcast_in_dim3A_176 = vector.broadcast %broadcast_in_dim3A_175 : f32 to vector<1024x128xf32>
    %concatenate3A_177 = tpu.concatenate %slice3A, %sub3A_174, %broadcast_in_dim3A_176 in 1 : vector<1024x64xf32>, vector<1024x64xf32>, vector<1024x128xf32> -> vector<1024x256xf32>
    %convert_element_type3A_178 = arith.truncf %concatenate3A_177 : vector<1024x256xf32> to vector<1024x256xbf16>
    %dot_general3A_179 = arith.constant dense<0.000000e+00> : vector<1024x64xf32>
    %dot_general3A_180 = tpu.matmul %convert_element_type3A_178, %get3A_6, %dot_general3A_179 {dimension_numbers = #tpu.dot_dimension_numbers<[1], [0], [0], [1], [0, 0, 1, 1], [], []>, transpose_lhs_hint = false} : vector<1024x256xbf16>, vector<256x64xbf16>, vector<1024x64xf32> -> vector<1024x64xf32>
    %max3A_181 = arith.maximumf %max3A_163, %dot_general3A_180 : vector<1024x64xf32>
    %add3A_182 = arith.addf %add3A_164, %dot_general3A_180 : vector<1024x64xf32>
    %mul3A_183 = arith.mulf %dot_general3A_180, %dot_general3A_180 : vector<1024x64xf32>
    %add3A_184 = arith.addf %add3A_166, %mul3A_183 : vector<1024x64xf32>
    %get3A_185 = arith.constant 10 : index
    %get3A_186 = arith.constant 0 : index
    %get3A_187 = arith.constant 0 : index
    %get3A_188 = arith.constant 0 : index
    %get3A_189 = vector.load %arg2[%get3A_185, %get3A_186, %get3A_187, %get3A_188] : memref<20x1x1024x128xf32, #tpu.memory_space<vmem>>, vector<1x1x1024x128xf32>
    %get3A_190 = vector.shape_cast %get3A_189 : vector<1x1x1024x128xf32> to vector<1024x128xf32>
    %slice3A_191 = vector.extract_strided_slice %get3A_190 {offsets = [0, 0], sizes = [1024, 64], strides = [1, 1]} : vector<1024x128xf32> to vector<1024x64xf32>
    %sub3A_192 = arith.subf %slice3A_191, %slice3A : vector<1024x64xf32>
    %broadcast_in_dim3A_193 = arith.constant 0.000000e+00 : f32
    %broadcast_in_dim3A_194 = vector.broadcast %broadcast_in_dim3A_193 : f32 to vector<1024x128xf32>
    %concatenate3A_195 = tpu.concatenate %slice3A, %sub3A_192, %broadcast_in_dim3A_194 in 1 : vector<1024x64xf32>, vector<1024x64xf32>, vector<1024x128xf32> -> vector<1024x256xf32>
    %convert_element_type3A_196 = arith.truncf %concatenate3A_195 : vector<1024x256xf32> to vector<1024x256xbf16>
    %dot_general3A_197 = arith.constant dense<0.000000e+00> : vector<1024x64xf32>
    %dot_general3A_198 = tpu.matmul %convert_element_type3A_196, %get3A_6, %dot_general3A_197 {dimension_numbers = #tpu.dot_dimension_numbers<[1], [0], [0], [1], [0, 0, 1, 1], [], []>, transpose_lhs_hint = false} : vector<1024x256xbf16>, vector<256x64xbf16>, vector<1024x64xf32> -> vector<1024x64xf32>
    %max3A_199 = arith.maximumf %max3A_181, %dot_general3A_198 : vector<1024x64xf32>
    %add3A_200 = arith.addf %add3A_182, %dot_general3A_198 : vector<1024x64xf32>
    %mul3A_201 = arith.mulf %dot_general3A_198, %dot_general3A_198 : vector<1024x64xf32>
    %add3A_202 = arith.addf %add3A_184, %mul3A_201 : vector<1024x64xf32>
    %get3A_203 = arith.constant 11 : index
    %get3A_204 = arith.constant 0 : index
    %get3A_205 = arith.constant 0 : index
    %get3A_206 = arith.constant 0 : index
    %get3A_207 = vector.load %arg2[%get3A_203, %get3A_204, %get3A_205, %get3A_206] : memref<20x1x1024x128xf32, #tpu.memory_space<vmem>>, vector<1x1x1024x128xf32>
    %get3A_208 = vector.shape_cast %get3A_207 : vector<1x1x1024x128xf32> to vector<1024x128xf32>
    %slice3A_209 = vector.extract_strided_slice %get3A_208 {offsets = [0, 0], sizes = [1024, 64], strides = [1, 1]} : vector<1024x128xf32> to vector<1024x64xf32>
    %sub3A_210 = arith.subf %slice3A_209, %slice3A : vector<1024x64xf32>
    %broadcast_in_dim3A_211 = arith.constant 0.000000e+00 : f32
    %broadcast_in_dim3A_212 = vector.broadcast %broadcast_in_dim3A_211 : f32 to vector<1024x128xf32>
    %concatenate3A_213 = tpu.concatenate %slice3A, %sub3A_210, %broadcast_in_dim3A_212 in 1 : vector<1024x64xf32>, vector<1024x64xf32>, vector<1024x128xf32> -> vector<1024x256xf32>
    %convert_element_type3A_214 = arith.truncf %concatenate3A_213 : vector<1024x256xf32> to vector<1024x256xbf16>
    %dot_general3A_215 = arith.constant dense<0.000000e+00> : vector<1024x64xf32>
    %dot_general3A_216 = tpu.matmul %convert_element_type3A_214, %get3A_6, %dot_general3A_215 {dimension_numbers = #tpu.dot_dimension_numbers<[1], [0], [0], [1], [0, 0, 1, 1], [], []>, transpose_lhs_hint = false} : vector<1024x256xbf16>, vector<256x64xbf16>, vector<1024x64xf32> -> vector<1024x64xf32>
    %max3A_217 = arith.maximumf %max3A_199, %dot_general3A_216 : vector<1024x64xf32>
    %add3A_218 = arith.addf %add3A_200, %dot_general3A_216 : vector<1024x64xf32>
    %mul3A_219 = arith.mulf %dot_general3A_216, %dot_general3A_216 : vector<1024x64xf32>
    %add3A_220 = arith.addf %add3A_202, %mul3A_219 : vector<1024x64xf32>
    %get3A_221 = arith.constant 12 : index
    %get3A_222 = arith.constant 0 : index
    %get3A_223 = arith.constant 0 : index
    %get3A_224 = arith.constant 0 : index
    %get3A_225 = vector.load %arg2[%get3A_221, %get3A_222, %get3A_223, %get3A_224] : memref<20x1x1024x128xf32, #tpu.memory_space<vmem>>, vector<1x1x1024x128xf32>
    %get3A_226 = vector.shape_cast %get3A_225 : vector<1x1x1024x128xf32> to vector<1024x128xf32>
    %slice3A_227 = vector.extract_strided_slice %get3A_226 {offsets = [0, 0], sizes = [1024, 64], strides = [1, 1]} : vector<1024x128xf32> to vector<1024x64xf32>
    %sub3A_228 = arith.subf %slice3A_227, %slice3A : vector<1024x64xf32>
    %broadcast_in_dim3A_229 = arith.constant 0.000000e+00 : f32
    %broadcast_in_dim3A_230 = vector.broadcast %broadcast_in_dim3A_229 : f32 to vector<1024x128xf32>
    %concatenate3A_231 = tpu.concatenate %slice3A, %sub3A_228, %broadcast_in_dim3A_230 in 1 : vector<1024x64xf32>, vector<1024x64xf32>, vector<1024x128xf32> -> vector<1024x256xf32>
    %convert_element_type3A_232 = arith.truncf %concatenate3A_231 : vector<1024x256xf32> to vector<1024x256xbf16>
    %dot_general3A_233 = arith.constant dense<0.000000e+00> : vector<1024x64xf32>
    %dot_general3A_234 = tpu.matmul %convert_element_type3A_232, %get3A_6, %dot_general3A_233 {dimension_numbers = #tpu.dot_dimension_numbers<[1], [0], [0], [1], [0, 0, 1, 1], [], []>, transpose_lhs_hint = false} : vector<1024x256xbf16>, vector<256x64xbf16>, vector<1024x64xf32> -> vector<1024x64xf32>
    %max3A_235 = arith.maximumf %max3A_217, %dot_general3A_234 : vector<1024x64xf32>
    %add3A_236 = arith.addf %add3A_218, %dot_general3A_234 : vector<1024x64xf32>
    %mul3A_237 = arith.mulf %dot_general3A_234, %dot_general3A_234 : vector<1024x64xf32>
    %add3A_238 = arith.addf %add3A_220, %mul3A_237 : vector<1024x64xf32>
    %get3A_239 = arith.constant 13 : index
    %get3A_240 = arith.constant 0 : index
    %get3A_241 = arith.constant 0 : index
    %get3A_242 = arith.constant 0 : index
    %get3A_243 = vector.load %arg2[%get3A_239, %get3A_240, %get3A_241, %get3A_242] : memref<20x1x1024x128xf32, #tpu.memory_space<vmem>>, vector<1x1x1024x128xf32>
    %get3A_244 = vector.shape_cast %get3A_243 : vector<1x1x1024x128xf32> to vector<1024x128xf32>
    %slice3A_245 = vector.extract_strided_slice %get3A_244 {offsets = [0, 0], sizes = [1024, 64], strides = [1, 1]} : vector<1024x128xf32> to vector<1024x64xf32>
    %sub3A_246 = arith.subf %slice3A_245, %slice3A : vector<1024x64xf32>
    %broadcast_in_dim3A_247 = arith.constant 0.000000e+00 : f32
    %broadcast_in_dim3A_248 = vector.broadcast %broadcast_in_dim3A_247 : f32 to vector<1024x128xf32>
    %concatenate3A_249 = tpu.concatenate %slice3A, %sub3A_246, %broadcast_in_dim3A_248 in 1 : vector<1024x64xf32>, vector<1024x64xf32>, vector<1024x128xf32> -> vector<1024x256xf32>
    %convert_element_type3A_250 = arith.truncf %concatenate3A_249 : vector<1024x256xf32> to vector<1024x256xbf16>
    %dot_general3A_251 = arith.constant dense<0.000000e+00> : vector<1024x64xf32>
    %dot_general3A_252 = tpu.matmul %convert_element_type3A_250, %get3A_6, %dot_general3A_251 {dimension_numbers = #tpu.dot_dimension_numbers<[1], [0], [0], [1], [0, 0, 1, 1], [], []>, transpose_lhs_hint = false} : vector<1024x256xbf16>, vector<256x64xbf16>, vector<1024x64xf32> -> vector<1024x64xf32>
    %max3A_253 = arith.maximumf %max3A_235, %dot_general3A_252 : vector<1024x64xf32>
    %add3A_254 = arith.addf %add3A_236, %dot_general3A_252 : vector<1024x64xf32>
    %mul3A_255 = arith.mulf %dot_general3A_252, %dot_general3A_252 : vector<1024x64xf32>
    %add3A_256 = arith.addf %add3A_238, %mul3A_255 : vector<1024x64xf32>
    %get3A_257 = arith.constant 14 : index
    %get3A_258 = arith.constant 0 : index
    %get3A_259 = arith.constant 0 : index
    %get3A_260 = arith.constant 0 : index
    %get3A_261 = vector.load %arg2[%get3A_257, %get3A_258, %get3A_259, %get3A_260] : memref<20x1x1024x128xf32, #tpu.memory_space<vmem>>, vector<1x1x1024x128xf32>
    %get3A_262 = vector.shape_cast %get3A_261 : vector<1x1x1024x128xf32> to vector<1024x128xf32>
    %slice3A_263 = vector.extract_strided_slice %get3A_262 {offsets = [0, 0], sizes = [1024, 64], strides = [1, 1]} : vector<1024x128xf32> to vector<1024x64xf32>
    %sub3A_264 = arith.subf %slice3A_263, %slice3A : vector<1024x64xf32>
    %broadcast_in_dim3A_265 = arith.constant 0.000000e+00 : f32
    %broadcast_in_dim3A_266 = vector.broadcast %broadcast_in_dim3A_265 : f32 to vector<1024x128xf32>
    %concatenate3A_267 = tpu.concatenate %slice3A, %sub3A_264, %broadcast_in_dim3A_266 in 1 : vector<1024x64xf32>, vector<1024x64xf32>, vector<1024x128xf32> -> vector<1024x256xf32>
    %convert_element_type3A_268 = arith.truncf %concatenate3A_267 : vector<1024x256xf32> to vector<1024x256xbf16>
    %dot_general3A_269 = arith.constant dense<0.000000e+00> : vector<1024x64xf32>
    %dot_general3A_270 = tpu.matmul %convert_element_type3A_268, %get3A_6, %dot_general3A_269 {dimension_numbers = #tpu.dot_dimension_numbers<[1], [0], [0], [1], [0, 0, 1, 1], [], []>, transpose_lhs_hint = false} : vector<1024x256xbf16>, vector<256x64xbf16>, vector<1024x64xf32> -> vector<1024x64xf32>
    %max3A_271 = arith.maximumf %max3A_253, %dot_general3A_270 : vector<1024x64xf32>
    %add3A_272 = arith.addf %add3A_254, %dot_general3A_270 : vector<1024x64xf32>
    %mul3A_273 = arith.mulf %dot_general3A_270, %dot_general3A_270 : vector<1024x64xf32>
    %add3A_274 = arith.addf %add3A_256, %mul3A_273 : vector<1024x64xf32>
    %get3A_275 = arith.constant 15 : index
    %get3A_276 = arith.constant 0 : index
    %get3A_277 = arith.constant 0 : index
    %get3A_278 = arith.constant 0 : index
    %get3A_279 = vector.load %arg2[%get3A_275, %get3A_276, %get3A_277, %get3A_278] : memref<20x1x1024x128xf32, #tpu.memory_space<vmem>>, vector<1x1x1024x128xf32>
    %get3A_280 = vector.shape_cast %get3A_279 : vector<1x1x1024x128xf32> to vector<1024x128xf32>
    %slice3A_281 = vector.extract_strided_slice %get3A_280 {offsets = [0, 0], sizes = [1024, 64], strides = [1, 1]} : vector<1024x128xf32> to vector<1024x64xf32>
    %sub3A_282 = arith.subf %slice3A_281, %slice3A : vector<1024x64xf32>
    %broadcast_in_dim3A_283 = arith.constant 0.000000e+00 : f32
    %broadcast_in_dim3A_284 = vector.broadcast %broadcast_in_dim3A_283 : f32 to vector<1024x128xf32>
    %concatenate3A_285 = tpu.concatenate %slice3A, %sub3A_282, %broadcast_in_dim3A_284 in 1 : vector<1024x64xf32>, vector<1024x64xf32>, vector<1024x128xf32> -> vector<1024x256xf32>
    %convert_element_type3A_286 = arith.truncf %concatenate3A_285 : vector<1024x256xf32> to vector<1024x256xbf16>
    %dot_general3A_287 = arith.constant dense<0.000000e+00> : vector<1024x64xf32>
    %dot_general3A_288 = tpu.matmul %convert_element_type3A_286, %get3A_6, %dot_general3A_287 {dimension_numbers = #tpu.dot_dimension_numbers<[1], [0], [0], [1], [0, 0, 1, 1], [], []>, transpose_lhs_hint = false} : vector<1024x256xbf16>, vector<256x64xbf16>, vector<1024x64xf32> -> vector<1024x64xf32>
    %max3A_289 = arith.maximumf %max3A_271, %dot_general3A_288 : vector<1024x64xf32>
    %add3A_290 = arith.addf %add3A_272, %dot_general3A_288 : vector<1024x64xf32>
    %mul3A_291 = arith.mulf %dot_general3A_288, %dot_general3A_288 : vector<1024x64xf32>
    %add3A_292 = arith.addf %add3A_274, %mul3A_291 : vector<1024x64xf32>
    %get3A_293 = arith.constant 16 : index
    %get3A_294 = arith.constant 0 : index
    %get3A_295 = arith.constant 0 : index
    %get3A_296 = arith.constant 0 : index
    %get3A_297 = vector.load %arg2[%get3A_293, %get3A_294, %get3A_295, %get3A_296] : memref<20x1x1024x128xf32, #tpu.memory_space<vmem>>, vector<1x1x1024x128xf32>
    %get3A_298 = vector.shape_cast %get3A_297 : vector<1x1x1024x128xf32> to vector<1024x128xf32>
    %slice3A_299 = vector.extract_strided_slice %get3A_298 {offsets = [0, 0], sizes = [1024, 64], strides = [1, 1]} : vector<1024x128xf32> to vector<1024x64xf32>
    %sub3A_300 = arith.subf %slice3A_299, %slice3A : vector<1024x64xf32>
    %broadcast_in_dim3A_301 = arith.constant 0.000000e+00 : f32
    %broadcast_in_dim3A_302 = vector.broadcast %broadcast_in_dim3A_301 : f32 to vector<1024x128xf32>
    %concatenate3A_303 = tpu.concatenate %slice3A, %sub3A_300, %broadcast_in_dim3A_302 in 1 : vector<1024x64xf32>, vector<1024x64xf32>, vector<1024x128xf32> -> vector<1024x256xf32>
    %convert_element_type3A_304 = arith.truncf %concatenate3A_303 : vector<1024x256xf32> to vector<1024x256xbf16>
    %dot_general3A_305 = arith.constant dense<0.000000e+00> : vector<1024x64xf32>
    %dot_general3A_306 = tpu.matmul %convert_element_type3A_304, %get3A_6, %dot_general3A_305 {dimension_numbers = #tpu.dot_dimension_numbers<[1], [0], [0], [1], [0, 0, 1, 1], [], []>, transpose_lhs_hint = false} : vector<1024x256xbf16>, vector<256x64xbf16>, vector<1024x64xf32> -> vector<1024x64xf32>
    %max3A_307 = arith.maximumf %max3A_289, %dot_general3A_306 : vector<1024x64xf32>
    %add3A_308 = arith.addf %add3A_290, %dot_general3A_306 : vector<1024x64xf32>
    %mul3A_309 = arith.mulf %dot_general3A_306, %dot_general3A_306 : vector<1024x64xf32>
    %add3A_310 = arith.addf %add3A_292, %mul3A_309 : vector<1024x64xf32>
    %get3A_311 = arith.constant 17 : index
    %get3A_312 = arith.constant 0 : index
    %get3A_313 = arith.constant 0 : index
    %get3A_314 = arith.constant 0 : index
    %get3A_315 = vector.load %arg2[%get3A_311, %get3A_312, %get3A_313, %get3A_314] : memref<20x1x1024x128xf32, #tpu.memory_space<vmem>>, vector<1x1x1024x128xf32>
    %get3A_316 = vector.shape_cast %get3A_315 : vector<1x1x1024x128xf32> to vector<1024x128xf32>
    %slice3A_317 = vector.extract_strided_slice %get3A_316 {offsets = [0, 0], sizes = [1024, 64], strides = [1, 1]} : vector<1024x128xf32> to vector<1024x64xf32>
    %sub3A_318 = arith.subf %slice3A_317, %slice3A : vector<1024x64xf32>
    %broadcast_in_dim3A_319 = arith.constant 0.000000e+00 : f32
    %broadcast_in_dim3A_320 = vector.broadcast %broadcast_in_dim3A_319 : f32 to vector<1024x128xf32>
    %concatenate3A_321 = tpu.concatenate %slice3A, %sub3A_318, %broadcast_in_dim3A_320 in 1 : vector<1024x64xf32>, vector<1024x64xf32>, vector<1024x128xf32> -> vector<1024x256xf32>
    %convert_element_type3A_322 = arith.truncf %concatenate3A_321 : vector<1024x256xf32> to vector<1024x256xbf16>
    %dot_general3A_323 = arith.constant dense<0.000000e+00> : vector<1024x64xf32>
    %dot_general3A_324 = tpu.matmul %convert_element_type3A_322, %get3A_6, %dot_general3A_323 {dimension_numbers = #tpu.dot_dimension_numbers<[1], [0], [0], [1], [0, 0, 1, 1], [], []>, transpose_lhs_hint = false} : vector<1024x256xbf16>, vector<256x64xbf16>, vector<1024x64xf32> -> vector<1024x64xf32>
    %max3A_325 = arith.maximumf %max3A_307, %dot_general3A_324 : vector<1024x64xf32>
    %add3A_326 = arith.addf %add3A_308, %dot_general3A_324 : vector<1024x64xf32>
    %mul3A_327 = arith.mulf %dot_general3A_324, %dot_general3A_324 : vector<1024x64xf32>
    %add3A_328 = arith.addf %add3A_310, %mul3A_327 : vector<1024x64xf32>
    %get3A_329 = arith.constant 18 : index
    %get3A_330 = arith.constant 0 : index
    %get3A_331 = arith.constant 0 : index
    %get3A_332 = arith.constant 0 : index
    %get3A_333 = vector.load %arg2[%get3A_329, %get3A_330, %get3A_331, %get3A_332] : memref<20x1x1024x128xf32, #tpu.memory_space<vmem>>, vector<1x1x1024x128xf32>
    %get3A_334 = vector.shape_cast %get3A_333 : vector<1x1x1024x128xf32> to vector<1024x128xf32>
    %slice3A_335 = vector.extract_strided_slice %get3A_334 {offsets = [0, 0], sizes = [1024, 64], strides = [1, 1]} : vector<1024x128xf32> to vector<1024x64xf32>
    %sub3A_336 = arith.subf %slice3A_335, %slice3A : vector<1024x64xf32>
    %broadcast_in_dim3A_337 = arith.constant 0.000000e+00 : f32
    %broadcast_in_dim3A_338 = vector.broadcast %broadcast_in_dim3A_337 : f32 to vector<1024x128xf32>
    %concatenate3A_339 = tpu.concatenate %slice3A, %sub3A_336, %broadcast_in_dim3A_338 in 1 : vector<1024x64xf32>, vector<1024x64xf32>, vector<1024x128xf32> -> vector<1024x256xf32>
    %convert_element_type3A_340 = arith.truncf %concatenate3A_339 : vector<1024x256xf32> to vector<1024x256xbf16>
    %dot_general3A_341 = arith.constant dense<0.000000e+00> : vector<1024x64xf32>
    %dot_general3A_342 = tpu.matmul %convert_element_type3A_340, %get3A_6, %dot_general3A_341 {dimension_numbers = #tpu.dot_dimension_numbers<[1], [0], [0], [1], [0, 0, 1, 1], [], []>, transpose_lhs_hint = false} : vector<1024x256xbf16>, vector<256x64xbf16>, vector<1024x64xf32> -> vector<1024x64xf32>
    %max3A_343 = arith.maximumf %max3A_325, %dot_general3A_342 : vector<1024x64xf32>
    %add3A_344 = arith.addf %add3A_326, %dot_general3A_342 : vector<1024x64xf32>
    %mul3A_345 = arith.mulf %dot_general3A_342, %dot_general3A_342 : vector<1024x64xf32>
    %add3A_346 = arith.addf %add3A_328, %mul3A_345 : vector<1024x64xf32>
    %get3A_347 = arith.constant 19 : index
    %get3A_348 = arith.constant 0 : index
    %get3A_349 = arith.constant 0 : index
    %get3A_350 = arith.constant 0 : index
    %get3A_351 = vector.load %arg2[%get3A_347, %get3A_348, %get3A_349, %get3A_350] : memref<20x1x1024x128xf32, #tpu.memory_space<vmem>>, vector<1x1x1024x128xf32>
    %get3A_352 = vector.shape_cast %get3A_351 : vector<1x1x1024x128xf32> to vector<1024x128xf32>
    %slice3A_353 = vector.extract_strided_slice %get3A_352 {offsets = [0, 0], sizes = [1024, 64], strides = [1, 1]} : vector<1024x128xf32> to vector<1024x64xf32>
    %sub3A_354 = arith.subf %slice3A_353, %slice3A : vector<1024x64xf32>
    %broadcast_in_dim3A_355 = arith.constant 0.000000e+00 : f32
    %broadcast_in_dim3A_356 = vector.broadcast %broadcast_in_dim3A_355 : f32 to vector<1024x128xf32>
    %concatenate3A_357 = tpu.concatenate %slice3A, %sub3A_354, %broadcast_in_dim3A_356 in 1 : vector<1024x64xf32>, vector<1024x64xf32>, vector<1024x128xf32> -> vector<1024x256xf32>
    %convert_element_type3A_358 = arith.truncf %concatenate3A_357 : vector<1024x256xf32> to vector<1024x256xbf16>
    %dot_general3A_359 = arith.constant dense<0.000000e+00> : vector<1024x64xf32>
    %dot_general3A_360 = tpu.matmul %convert_element_type3A_358, %get3A_6, %dot_general3A_359 {dimension_numbers = #tpu.dot_dimension_numbers<[1], [0], [0], [1], [0, 0, 1, 1], [], []>, transpose_lhs_hint = false} : vector<1024x256xbf16>, vector<256x64xbf16>, vector<1024x64xf32> -> vector<1024x64xf32>
    %max3A_361 = arith.maximumf %max3A_343, %dot_general3A_360 : vector<1024x64xf32>
    %add3A_362 = arith.addf %add3A_344, %dot_general3A_360 : vector<1024x64xf32>
    %mul3A_363 = arith.mulf %dot_general3A_360, %dot_general3A_360 : vector<1024x64xf32>
    %add3A_364 = arith.addf %add3A_346, %mul3A_363 : vector<1024x64xf32>
    %swap3A = arith.constant 0 : index
    %swap3A_365 = arith.constant 0 : index
    %swap3A_366 = arith.constant 0 : index
    %swap3A_367 = vector.load %arg4[%swap3A, %swap3A_365, %swap3A_366] : memref<1x1024x64xf32, #tpu.memory_space<vmem>>, vector<1x1024x64xf32>
    %swap3A_368 = vector.shape_cast %swap3A_367 : vector<1x1024x64xf32> to vector<1024x64xf32>
    %swap3A_369 = vector.shape_cast %max3A_361 : vector<1024x64xf32> to vector<1x1024x64xf32>
    tpu.vector_store %arg4[%swap3A, %swap3A_365, %swap3A_366], %swap3A_369 {strides = array<i32>} : memref<1x1024x64xf32, #tpu.memory_space<vmem>>, vector<1x1024x64xf32>,
    %reduce_sum3A = arith.constant dense<0.000000e+00> : vector<64xf32>
    %reduce_sum3A_370 = vector.multi_reduction <add>, %add3A_362, %reduce_sum3A [0] : vector<1024x64xf32> to vector<64xf32>
    %swap3A_371 = arith.constant 0 : index
    %swap3A_372 = arith.constant 0 : index
    %swap3A_373 = arith.constant 0 : index
    %swap3A_374 = vector.load %arg5[%swap3A_371, %swap3A_372, %swap3A_373] : memref<1x1x64xf32, #tpu.memory_space<vmem>>, vector<1x1x64xf32>
    %swap3A_375 = vector.shape_cast %swap3A_374 : vector<1x1x64xf32> to vector<64xf32>
    %swap3A_376 = vector.shape_cast %reduce_sum3A_370 : vector<64xf32> to vector<1x1x64xf32>
    tpu.vector_store %arg5[%swap3A_371, %swap3A_372, %swap3A_373], %swap3A_376 {strides = array<i32>} : memref<1x1x64xf32, #tpu.memory_space<vmem>>, vector<1x1x64xf32>,
    %reduce_sum3A_377 = arith.constant dense<0.000000e+00> : vector<64xf32>
    %reduce_sum3A_378 = vector.multi_reduction <add>, %add3A_364, %reduce_sum3A_377 [0] : vector<1024x64xf32> to vector<64xf32>
    %swap3A_379 = arith.constant 0 : index
    %swap3A_380 = arith.constant 0 : index
    %swap3A_381 = arith.constant 0 : index
    %swap3A_382 = vector.load %arg6[%swap3A_379, %swap3A_380, %swap3A_381] : memref<1x1x64xf32, #tpu.memory_space<vmem>>, vector<1x1x64xf32>
    %swap3A_383 = vector.shape_cast %swap3A_382 : vector<1x1x64xf32> to vector<64xf32>
    %swap3A_384 = vector.shape_cast %reduce_sum3A_378 : vector<64xf32> to vector<1x1x64xf32>
    tpu.vector_store %arg6[%swap3A_379, %swap3A_380, %swap3A_381], %swap3A_384 {strides = array<i32>} : memref<1x1x64xf32, #tpu.memory_space<vmem>>, vector<1x1x64xf32>,
    return
  }
  func.func @transform_0(%arg0: i32) -> (i32, i32, i32) {
    %c0_i32 = arith.constant 0 : i32
    %c0_i32_0 = arith.constant 0 : i32
    %c0_i32_1 = arith.constant 0 : i32
    return %arg0, %c0_i32, %c0_i32_0 : i32, i32, i32
  }
  func.func @transform_1(%arg0: i32) -> (i32, i32, i32, i32) {
    %c0_i32 = arith.constant 0 : i32
    %c0_i32_0 = arith.constant 0 : i32
    %c0_i32_1 = arith.constant 0 : i32
    %c0_i32_2 = arith.constant 0 : i32
    return %c0_i32, %arg0, %c0_i32_0, %c0_i32_1 : i32, i32, i32, i32
  }
  func.func @transform_2(%arg0: i32) -> (i32, i32) {
    %c0_i32 = arith.constant 0 : i32
    %c0_i32_0 = arith.constant 0 : i32
    %c0_i32_1 = arith.constant 0 : i32
    return %c0_i32, %c0_i32_0 : i32, i32
  }
  func.func @transform_3(%arg0: i32) -> (i32, i32, i32) {
    %c0_i32 = arith.constant 0 : i32
    %c0_i32_0 = arith.constant 0 : i32
    %c0_i32_1 = arith.constant 0 : i32
    return %arg0, %c0_i32, %c0_i32_0 : i32, i32, i32
  }
  func.func @transform_4(%arg0: i32) -> (i32, i32, i32) {
    %c0_i32 = arith.constant 0 : i32
    %c0_i32_0 = arith.constant 0 : i32
    %c0_i32_1 = arith.constant 0 : i32
    return %arg0, %c0_i32, %c0_i32_0 : i32, i32, i32
  }
  func.func @transform_5(%arg0: i32) -> (i32, i32, i32) {
    %c0_i32 = arith.constant 0 : i32
    %c0_i32_0 = arith.constant 0 : i32
    %c0_i32_1 = arith.constant 0 : i32
    return %arg0, %c0_i32, %c0_i32_0 : i32, i32, i32
  }
}

module attributes {stable_mosaic.version = 14 : i64} {
  func.func @_conv_body(%arg0: i32, %arg1: memref<1x1024x128xf32, #tpu.memory_space<vmem>>, %arg2: memref<20x1x1024x128xf32, #tpu.memory_space<vmem>>, %arg3: memref<256x128xbf16, #tpu.memory_space<vmem>>, %arg4: memref<1x1024x128xf32, #tpu.memory_space<vmem>>, %arg5: memref<1x1x128xf32, #tpu.memory_space<vmem>>, %arg6: memref<1x1x128xf32, #tpu.memory_space<vmem>>) attributes {dimension_semantics = [#tpu.dimension_semantics<arbitrary>], iteration_bounds = array<i64: 16>, scalar_prefetch = 0 : i64, scratch_operands = 0 : i64, tpu.core_type = #tpu.core_type<tc>, window_params = [{transform_indices = @transform_0, window_bounds = array<i64: 1, 1024, 128>}, {transform_indices = @transform_1, window_bounds = array<i64: 20, 1, 1024, 128>}, {pipeline_mode = #tpu.pipeline_mode<synchronous>, transform_indices = @transform_2, window_bounds = array<i64: 256, 128>}, {transform_indices = @transform_3, window_bounds = array<i64: 1, 1024, 128>}, {transform_indices = @transform_4, window_bounds = array<i64: 1, 1, 128>}, {transform_indices = @transform_5, window_bounds = array<i64: 1, 1, 128>}]} {
    %get3A = arith.constant 0 : index
    %get3A_0 = arith.constant 0 : index
    %get3A_1 = arith.constant 0 : index
    %get3A_2 = vector.load %arg1[%get3A, %get3A_0, %get3A_1] : memref<1x1024x128xf32, #tpu.memory_space<vmem>>, vector<1x1024x128xf32>
    %get3A_3 = vector.shape_cast %get3A_2 : vector<1x1024x128xf32> to vector<1024x128xf32>
    %get3A_4 = arith.constant 0 : index
    %get3A_5 = arith.constant 0 : index
    %get3A_6 = vector.load %arg3[%get3A_4, %get3A_5] : memref<256x128xbf16, #tpu.memory_space<vmem>>, vector<256x128xbf16>
    %slice3A = vector.extract_strided_slice %get3A_3 {offsets = [0, 0], sizes = [1024, 64], strides = [1, 1]} : vector<1024x128xf32> to vector<1024x64xf32>
    %broadcast_in_dim3A = arith.constant -3.000000e+38 : f32
    %broadcast_in_dim3A_7 = vector.broadcast %broadcast_in_dim3A : f32 to vector<1024x128xf32>
    %broadcast_in_dim3A_8 = arith.constant 0.000000e+00 : f32
    %broadcast_in_dim3A_9 = vector.broadcast %broadcast_in_dim3A_8 : f32 to vector<1024x128xf32>
    %broadcast_in_dim3A_10 = arith.constant 0.000000e+00 : f32
    %broadcast_in_dim3A_11 = vector.broadcast %broadcast_in_dim3A_10 : f32 to vector<1024x128xf32>
    %get3A_12 = arith.constant 0 : index
    %get3A_13 = arith.constant 0 : index
    %get3A_14 = arith.constant 0 : index
    %get3A_15 = arith.constant 0 : index
    %get3A_16 = vector.load %arg2[%get3A_12, %get3A_13, %get3A_14, %get3A_15] : memref<20x1x1024x128xf32, #tpu.memory_space<vmem>>, vector<1x1x1024x128xf32>
    %get3A_17 = vector.shape_cast %get3A_16 : vector<1x1x1024x128xf32> to vector<1024x128xf32>
    %slice3A_18 = vector.extract_strided_slice %get3A_17 {offsets = [0, 0], sizes = [1024, 64], strides = [1, 1]} : vector<1024x128xf32> to vector<1024x64xf32>
    %sub3A = arith.subf %slice3A_18, %slice3A : vector<1024x64xf32>
    %broadcast_in_dim3A_19 = arith.constant 0.000000e+00 : f32
    %broadcast_in_dim3A_20 = vector.broadcast %broadcast_in_dim3A_19 : f32 to vector<1024x128xf32>
    %concatenate3A = tpu.concatenate %slice3A, %sub3A, %broadcast_in_dim3A_20 in 1 : vector<1024x64xf32>, vector<1024x64xf32>, vector<1024x128xf32> -> vector<1024x256xf32>
    %convert_element_type3A = arith.truncf %concatenate3A : vector<1024x256xf32> to vector<1024x256xbf16>
    %dot_general3A = arith.constant dense<0.000000e+00> : vector<1024x128xf32>
    %dot_general3A_21 = tpu.matmul %convert_element_type3A, %get3A_6, %dot_general3A {dimension_numbers = #tpu.dot_dimension_numbers<[1], [0], [0], [1], [0, 0, 1, 1], [], []>, transpose_lhs_hint = false} : vector<1024x256xbf16>, vector<256x128xbf16>, vector<1024x128xf32> -> vector<1024x128xf32>
    %max3A = arith.maximumf %broadcast_in_dim3A_7, %dot_general3A_21 : vector<1024x128xf32>
    %add3A = arith.addf %broadcast_in_dim3A_9, %dot_general3A_21 : vector<1024x128xf32>
    %mul3A = arith.mulf %dot_general3A_21, %dot_general3A_21 : vector<1024x128xf32>
    %add3A_22 = arith.addf %broadcast_in_dim3A_11, %mul3A : vector<1024x128xf32>
    %get3A_23 = arith.constant 1 : index
    %get3A_24 = arith.constant 0 : index
    %get3A_25 = arith.constant 0 : index
    %get3A_26 = arith.constant 0 : index
    %get3A_27 = vector.load %arg2[%get3A_23, %get3A_24, %get3A_25, %get3A_26] : memref<20x1x1024x128xf32, #tpu.memory_space<vmem>>, vector<1x1x1024x128xf32>
    %get3A_28 = vector.shape_cast %get3A_27 : vector<1x1x1024x128xf32> to vector<1024x128xf32>
    %slice3A_29 = vector.extract_strided_slice %get3A_28 {offsets = [0, 0], sizes = [1024, 64], strides = [1, 1]} : vector<1024x128xf32> to vector<1024x64xf32>
    %sub3A_30 = arith.subf %slice3A_29, %slice3A : vector<1024x64xf32>
    %broadcast_in_dim3A_31 = arith.constant 0.000000e+00 : f32
    %broadcast_in_dim3A_32 = vector.broadcast %broadcast_in_dim3A_31 : f32 to vector<1024x128xf32>
    %concatenate3A_33 = tpu.concatenate %slice3A, %sub3A_30, %broadcast_in_dim3A_32 in 1 : vector<1024x64xf32>, vector<1024x64xf32>, vector<1024x128xf32> -> vector<1024x256xf32>
    %convert_element_type3A_34 = arith.truncf %concatenate3A_33 : vector<1024x256xf32> to vector<1024x256xbf16>
    %dot_general3A_35 = arith.constant dense<0.000000e+00> : vector<1024x128xf32>
    %dot_general3A_36 = tpu.matmul %convert_element_type3A_34, %get3A_6, %dot_general3A_35 {dimension_numbers = #tpu.dot_dimension_numbers<[1], [0], [0], [1], [0, 0, 1, 1], [], []>, transpose_lhs_hint = false} : vector<1024x256xbf16>, vector<256x128xbf16>, vector<1024x128xf32> -> vector<1024x128xf32>
    %max3A_37 = arith.maximumf %max3A, %dot_general3A_36 : vector<1024x128xf32>
    %add3A_38 = arith.addf %add3A, %dot_general3A_36 : vector<1024x128xf32>
    %mul3A_39 = arith.mulf %dot_general3A_36, %dot_general3A_36 : vector<1024x128xf32>
    %add3A_40 = arith.addf %add3A_22, %mul3A_39 : vector<1024x128xf32>
    %get3A_41 = arith.constant 2 : index
    %get3A_42 = arith.constant 0 : index
    %get3A_43 = arith.constant 0 : index
    %get3A_44 = arith.constant 0 : index
    %get3A_45 = vector.load %arg2[%get3A_41, %get3A_42, %get3A_43, %get3A_44] : memref<20x1x1024x128xf32, #tpu.memory_space<vmem>>, vector<1x1x1024x128xf32>
    %get3A_46 = vector.shape_cast %get3A_45 : vector<1x1x1024x128xf32> to vector<1024x128xf32>
    %slice3A_47 = vector.extract_strided_slice %get3A_46 {offsets = [0, 0], sizes = [1024, 64], strides = [1, 1]} : vector<1024x128xf32> to vector<1024x64xf32>
    %sub3A_48 = arith.subf %slice3A_47, %slice3A : vector<1024x64xf32>
    %broadcast_in_dim3A_49 = arith.constant 0.000000e+00 : f32
    %broadcast_in_dim3A_50 = vector.broadcast %broadcast_in_dim3A_49 : f32 to vector<1024x128xf32>
    %concatenate3A_51 = tpu.concatenate %slice3A, %sub3A_48, %broadcast_in_dim3A_50 in 1 : vector<1024x64xf32>, vector<1024x64xf32>, vector<1024x128xf32> -> vector<1024x256xf32>
    %convert_element_type3A_52 = arith.truncf %concatenate3A_51 : vector<1024x256xf32> to vector<1024x256xbf16>
    %dot_general3A_53 = arith.constant dense<0.000000e+00> : vector<1024x128xf32>
    %dot_general3A_54 = tpu.matmul %convert_element_type3A_52, %get3A_6, %dot_general3A_53 {dimension_numbers = #tpu.dot_dimension_numbers<[1], [0], [0], [1], [0, 0, 1, 1], [], []>, transpose_lhs_hint = false} : vector<1024x256xbf16>, vector<256x128xbf16>, vector<1024x128xf32> -> vector<1024x128xf32>
    %max3A_55 = arith.maximumf %max3A_37, %dot_general3A_54 : vector<1024x128xf32>
    %add3A_56 = arith.addf %add3A_38, %dot_general3A_54 : vector<1024x128xf32>
    %mul3A_57 = arith.mulf %dot_general3A_54, %dot_general3A_54 : vector<1024x128xf32>
    %add3A_58 = arith.addf %add3A_40, %mul3A_57 : vector<1024x128xf32>
    %get3A_59 = arith.constant 3 : index
    %get3A_60 = arith.constant 0 : index
    %get3A_61 = arith.constant 0 : index
    %get3A_62 = arith.constant 0 : index
    %get3A_63 = vector.load %arg2[%get3A_59, %get3A_60, %get3A_61, %get3A_62] : memref<20x1x1024x128xf32, #tpu.memory_space<vmem>>, vector<1x1x1024x128xf32>
    %get3A_64 = vector.shape_cast %get3A_63 : vector<1x1x1024x128xf32> to vector<1024x128xf32>
    %slice3A_65 = vector.extract_strided_slice %get3A_64 {offsets = [0, 0], sizes = [1024, 64], strides = [1, 1]} : vector<1024x128xf32> to vector<1024x64xf32>
    %sub3A_66 = arith.subf %slice3A_65, %slice3A : vector<1024x64xf32>
    %broadcast_in_dim3A_67 = arith.constant 0.000000e+00 : f32
    %broadcast_in_dim3A_68 = vector.broadcast %broadcast_in_dim3A_67 : f32 to vector<1024x128xf32>
    %concatenate3A_69 = tpu.concatenate %slice3A, %sub3A_66, %broadcast_in_dim3A_68 in 1 : vector<1024x64xf32>, vector<1024x64xf32>, vector<1024x128xf32> -> vector<1024x256xf32>
    %convert_element_type3A_70 = arith.truncf %concatenate3A_69 : vector<1024x256xf32> to vector<1024x256xbf16>
    %dot_general3A_71 = arith.constant dense<0.000000e+00> : vector<1024x128xf32>
    %dot_general3A_72 = tpu.matmul %convert_element_type3A_70, %get3A_6, %dot_general3A_71 {dimension_numbers = #tpu.dot_dimension_numbers<[1], [0], [0], [1], [0, 0, 1, 1], [], []>, transpose_lhs_hint = false} : vector<1024x256xbf16>, vector<256x128xbf16>, vector<1024x128xf32> -> vector<1024x128xf32>
    %max3A_73 = arith.maximumf %max3A_55, %dot_general3A_72 : vector<1024x128xf32>
    %add3A_74 = arith.addf %add3A_56, %dot_general3A_72 : vector<1024x128xf32>
    %mul3A_75 = arith.mulf %dot_general3A_72, %dot_general3A_72 : vector<1024x128xf32>
    %add3A_76 = arith.addf %add3A_58, %mul3A_75 : vector<1024x128xf32>
    %get3A_77 = arith.constant 4 : index
    %get3A_78 = arith.constant 0 : index
    %get3A_79 = arith.constant 0 : index
    %get3A_80 = arith.constant 0 : index
    %get3A_81 = vector.load %arg2[%get3A_77, %get3A_78, %get3A_79, %get3A_80] : memref<20x1x1024x128xf32, #tpu.memory_space<vmem>>, vector<1x1x1024x128xf32>
    %get3A_82 = vector.shape_cast %get3A_81 : vector<1x1x1024x128xf32> to vector<1024x128xf32>
    %slice3A_83 = vector.extract_strided_slice %get3A_82 {offsets = [0, 0], sizes = [1024, 64], strides = [1, 1]} : vector<1024x128xf32> to vector<1024x64xf32>
    %sub3A_84 = arith.subf %slice3A_83, %slice3A : vector<1024x64xf32>
    %broadcast_in_dim3A_85 = arith.constant 0.000000e+00 : f32
    %broadcast_in_dim3A_86 = vector.broadcast %broadcast_in_dim3A_85 : f32 to vector<1024x128xf32>
    %concatenate3A_87 = tpu.concatenate %slice3A, %sub3A_84, %broadcast_in_dim3A_86 in 1 : vector<1024x64xf32>, vector<1024x64xf32>, vector<1024x128xf32> -> vector<1024x256xf32>
    %convert_element_type3A_88 = arith.truncf %concatenate3A_87 : vector<1024x256xf32> to vector<1024x256xbf16>
    %dot_general3A_89 = arith.constant dense<0.000000e+00> : vector<1024x128xf32>
    %dot_general3A_90 = tpu.matmul %convert_element_type3A_88, %get3A_6, %dot_general3A_89 {dimension_numbers = #tpu.dot_dimension_numbers<[1], [0], [0], [1], [0, 0, 1, 1], [], []>, transpose_lhs_hint = false} : vector<1024x256xbf16>, vector<256x128xbf16>, vector<1024x128xf32> -> vector<1024x128xf32>
    %max3A_91 = arith.maximumf %max3A_73, %dot_general3A_90 : vector<1024x128xf32>
    %add3A_92 = arith.addf %add3A_74, %dot_general3A_90 : vector<1024x128xf32>
    %mul3A_93 = arith.mulf %dot_general3A_90, %dot_general3A_90 : vector<1024x128xf32>
    %add3A_94 = arith.addf %add3A_76, %mul3A_93 : vector<1024x128xf32>
    %get3A_95 = arith.constant 5 : index
    %get3A_96 = arith.constant 0 : index
    %get3A_97 = arith.constant 0 : index
    %get3A_98 = arith.constant 0 : index
    %get3A_99 = vector.load %arg2[%get3A_95, %get3A_96, %get3A_97, %get3A_98] : memref<20x1x1024x128xf32, #tpu.memory_space<vmem>>, vector<1x1x1024x128xf32>
    %get3A_100 = vector.shape_cast %get3A_99 : vector<1x1x1024x128xf32> to vector<1024x128xf32>
    %slice3A_101 = vector.extract_strided_slice %get3A_100 {offsets = [0, 0], sizes = [1024, 64], strides = [1, 1]} : vector<1024x128xf32> to vector<1024x64xf32>
    %sub3A_102 = arith.subf %slice3A_101, %slice3A : vector<1024x64xf32>
    %broadcast_in_dim3A_103 = arith.constant 0.000000e+00 : f32
    %broadcast_in_dim3A_104 = vector.broadcast %broadcast_in_dim3A_103 : f32 to vector<1024x128xf32>
    %concatenate3A_105 = tpu.concatenate %slice3A, %sub3A_102, %broadcast_in_dim3A_104 in 1 : vector<1024x64xf32>, vector<1024x64xf32>, vector<1024x128xf32> -> vector<1024x256xf32>
    %convert_element_type3A_106 = arith.truncf %concatenate3A_105 : vector<1024x256xf32> to vector<1024x256xbf16>
    %dot_general3A_107 = arith.constant dense<0.000000e+00> : vector<1024x128xf32>
    %dot_general3A_108 = tpu.matmul %convert_element_type3A_106, %get3A_6, %dot_general3A_107 {dimension_numbers = #tpu.dot_dimension_numbers<[1], [0], [0], [1], [0, 0, 1, 1], [], []>, transpose_lhs_hint = false} : vector<1024x256xbf16>, vector<256x128xbf16>, vector<1024x128xf32> -> vector<1024x128xf32>
    %max3A_109 = arith.maximumf %max3A_91, %dot_general3A_108 : vector<1024x128xf32>
    %add3A_110 = arith.addf %add3A_92, %dot_general3A_108 : vector<1024x128xf32>
    %mul3A_111 = arith.mulf %dot_general3A_108, %dot_general3A_108 : vector<1024x128xf32>
    %add3A_112 = arith.addf %add3A_94, %mul3A_111 : vector<1024x128xf32>
    %get3A_113 = arith.constant 6 : index
    %get3A_114 = arith.constant 0 : index
    %get3A_115 = arith.constant 0 : index
    %get3A_116 = arith.constant 0 : index
    %get3A_117 = vector.load %arg2[%get3A_113, %get3A_114, %get3A_115, %get3A_116] : memref<20x1x1024x128xf32, #tpu.memory_space<vmem>>, vector<1x1x1024x128xf32>
    %get3A_118 = vector.shape_cast %get3A_117 : vector<1x1x1024x128xf32> to vector<1024x128xf32>
    %slice3A_119 = vector.extract_strided_slice %get3A_118 {offsets = [0, 0], sizes = [1024, 64], strides = [1, 1]} : vector<1024x128xf32> to vector<1024x64xf32>
    %sub3A_120 = arith.subf %slice3A_119, %slice3A : vector<1024x64xf32>
    %broadcast_in_dim3A_121 = arith.constant 0.000000e+00 : f32
    %broadcast_in_dim3A_122 = vector.broadcast %broadcast_in_dim3A_121 : f32 to vector<1024x128xf32>
    %concatenate3A_123 = tpu.concatenate %slice3A, %sub3A_120, %broadcast_in_dim3A_122 in 1 : vector<1024x64xf32>, vector<1024x64xf32>, vector<1024x128xf32> -> vector<1024x256xf32>
    %convert_element_type3A_124 = arith.truncf %concatenate3A_123 : vector<1024x256xf32> to vector<1024x256xbf16>
    %dot_general3A_125 = arith.constant dense<0.000000e+00> : vector<1024x128xf32>
    %dot_general3A_126 = tpu.matmul %convert_element_type3A_124, %get3A_6, %dot_general3A_125 {dimension_numbers = #tpu.dot_dimension_numbers<[1], [0], [0], [1], [0, 0, 1, 1], [], []>, transpose_lhs_hint = false} : vector<1024x256xbf16>, vector<256x128xbf16>, vector<1024x128xf32> -> vector<1024x128xf32>
    %max3A_127 = arith.maximumf %max3A_109, %dot_general3A_126 : vector<1024x128xf32>
    %add3A_128 = arith.addf %add3A_110, %dot_general3A_126 : vector<1024x128xf32>
    %mul3A_129 = arith.mulf %dot_general3A_126, %dot_general3A_126 : vector<1024x128xf32>
    %add3A_130 = arith.addf %add3A_112, %mul3A_129 : vector<1024x128xf32>
    %get3A_131 = arith.constant 7 : index
    %get3A_132 = arith.constant 0 : index
    %get3A_133 = arith.constant 0 : index
    %get3A_134 = arith.constant 0 : index
    %get3A_135 = vector.load %arg2[%get3A_131, %get3A_132, %get3A_133, %get3A_134] : memref<20x1x1024x128xf32, #tpu.memory_space<vmem>>, vector<1x1x1024x128xf32>
    %get3A_136 = vector.shape_cast %get3A_135 : vector<1x1x1024x128xf32> to vector<1024x128xf32>
    %slice3A_137 = vector.extract_strided_slice %get3A_136 {offsets = [0, 0], sizes = [1024, 64], strides = [1, 1]} : vector<1024x128xf32> to vector<1024x64xf32>
    %sub3A_138 = arith.subf %slice3A_137, %slice3A : vector<1024x64xf32>
    %broadcast_in_dim3A_139 = arith.constant 0.000000e+00 : f32
    %broadcast_in_dim3A_140 = vector.broadcast %broadcast_in_dim3A_139 : f32 to vector<1024x128xf32>
    %concatenate3A_141 = tpu.concatenate %slice3A, %sub3A_138, %broadcast_in_dim3A_140 in 1 : vector<1024x64xf32>, vector<1024x64xf32>, vector<1024x128xf32> -> vector<1024x256xf32>
    %convert_element_type3A_142 = arith.truncf %concatenate3A_141 : vector<1024x256xf32> to vector<1024x256xbf16>
    %dot_general3A_143 = arith.constant dense<0.000000e+00> : vector<1024x128xf32>
    %dot_general3A_144 = tpu.matmul %convert_element_type3A_142, %get3A_6, %dot_general3A_143 {dimension_numbers = #tpu.dot_dimension_numbers<[1], [0], [0], [1], [0, 0, 1, 1], [], []>, transpose_lhs_hint = false} : vector<1024x256xbf16>, vector<256x128xbf16>, vector<1024x128xf32> -> vector<1024x128xf32>
    %max3A_145 = arith.maximumf %max3A_127, %dot_general3A_144 : vector<1024x128xf32>
    %add3A_146 = arith.addf %add3A_128, %dot_general3A_144 : vector<1024x128xf32>
    %mul3A_147 = arith.mulf %dot_general3A_144, %dot_general3A_144 : vector<1024x128xf32>
    %add3A_148 = arith.addf %add3A_130, %mul3A_147 : vector<1024x128xf32>
    %get3A_149 = arith.constant 8 : index
    %get3A_150 = arith.constant 0 : index
    %get3A_151 = arith.constant 0 : index
    %get3A_152 = arith.constant 0 : index
    %get3A_153 = vector.load %arg2[%get3A_149, %get3A_150, %get3A_151, %get3A_152] : memref<20x1x1024x128xf32, #tpu.memory_space<vmem>>, vector<1x1x1024x128xf32>
    %get3A_154 = vector.shape_cast %get3A_153 : vector<1x1x1024x128xf32> to vector<1024x128xf32>
    %slice3A_155 = vector.extract_strided_slice %get3A_154 {offsets = [0, 0], sizes = [1024, 64], strides = [1, 1]} : vector<1024x128xf32> to vector<1024x64xf32>
    %sub3A_156 = arith.subf %slice3A_155, %slice3A : vector<1024x64xf32>
    %broadcast_in_dim3A_157 = arith.constant 0.000000e+00 : f32
    %broadcast_in_dim3A_158 = vector.broadcast %broadcast_in_dim3A_157 : f32 to vector<1024x128xf32>
    %concatenate3A_159 = tpu.concatenate %slice3A, %sub3A_156, %broadcast_in_dim3A_158 in 1 : vector<1024x64xf32>, vector<1024x64xf32>, vector<1024x128xf32> -> vector<1024x256xf32>
    %convert_element_type3A_160 = arith.truncf %concatenate3A_159 : vector<1024x256xf32> to vector<1024x256xbf16>
    %dot_general3A_161 = arith.constant dense<0.000000e+00> : vector<1024x128xf32>
    %dot_general3A_162 = tpu.matmul %convert_element_type3A_160, %get3A_6, %dot_general3A_161 {dimension_numbers = #tpu.dot_dimension_numbers<[1], [0], [0], [1], [0, 0, 1, 1], [], []>, transpose_lhs_hint = false} : vector<1024x256xbf16>, vector<256x128xbf16>, vector<1024x128xf32> -> vector<1024x128xf32>
    %max3A_163 = arith.maximumf %max3A_145, %dot_general3A_162 : vector<1024x128xf32>
    %add3A_164 = arith.addf %add3A_146, %dot_general3A_162 : vector<1024x128xf32>
    %mul3A_165 = arith.mulf %dot_general3A_162, %dot_general3A_162 : vector<1024x128xf32>
    %add3A_166 = arith.addf %add3A_148, %mul3A_165 : vector<1024x128xf32>
    %get3A_167 = arith.constant 9 : index
    %get3A_168 = arith.constant 0 : index
    %get3A_169 = arith.constant 0 : index
    %get3A_170 = arith.constant 0 : index
    %get3A_171 = vector.load %arg2[%get3A_167, %get3A_168, %get3A_169, %get3A_170] : memref<20x1x1024x128xf32, #tpu.memory_space<vmem>>, vector<1x1x1024x128xf32>
    %get3A_172 = vector.shape_cast %get3A_171 : vector<1x1x1024x128xf32> to vector<1024x128xf32>
    %slice3A_173 = vector.extract_strided_slice %get3A_172 {offsets = [0, 0], sizes = [1024, 64], strides = [1, 1]} : vector<1024x128xf32> to vector<1024x64xf32>
    %sub3A_174 = arith.subf %slice3A_173, %slice3A : vector<1024x64xf32>
    %broadcast_in_dim3A_175 = arith.constant 0.000000e+00 : f32
    %broadcast_in_dim3A_176 = vector.broadcast %broadcast_in_dim3A_175 : f32 to vector<1024x128xf32>
    %concatenate3A_177 = tpu.concatenate %slice3A, %sub3A_174, %broadcast_in_dim3A_176 in 1 : vector<1024x64xf32>, vector<1024x64xf32>, vector<1024x128xf32> -> vector<1024x256xf32>
    %convert_element_type3A_178 = arith.truncf %concatenate3A_177 : vector<1024x256xf32> to vector<1024x256xbf16>
    %dot_general3A_179 = arith.constant dense<0.000000e+00> : vector<1024x128xf32>
    %dot_general3A_180 = tpu.matmul %convert_element_type3A_178, %get3A_6, %dot_general3A_179 {dimension_numbers = #tpu.dot_dimension_numbers<[1], [0], [0], [1], [0, 0, 1, 1], [], []>, transpose_lhs_hint = false} : vector<1024x256xbf16>, vector<256x128xbf16>, vector<1024x128xf32> -> vector<1024x128xf32>
    %max3A_181 = arith.maximumf %max3A_163, %dot_general3A_180 : vector<1024x128xf32>
    %add3A_182 = arith.addf %add3A_164, %dot_general3A_180 : vector<1024x128xf32>
    %mul3A_183 = arith.mulf %dot_general3A_180, %dot_general3A_180 : vector<1024x128xf32>
    %add3A_184 = arith.addf %add3A_166, %mul3A_183 : vector<1024x128xf32>
    %get3A_185 = arith.constant 10 : index
    %get3A_186 = arith.constant 0 : index
    %get3A_187 = arith.constant 0 : index
    %get3A_188 = arith.constant 0 : index
    %get3A_189 = vector.load %arg2[%get3A_185, %get3A_186, %get3A_187, %get3A_188] : memref<20x1x1024x128xf32, #tpu.memory_space<vmem>>, vector<1x1x1024x128xf32>
    %get3A_190 = vector.shape_cast %get3A_189 : vector<1x1x1024x128xf32> to vector<1024x128xf32>
    %slice3A_191 = vector.extract_strided_slice %get3A_190 {offsets = [0, 0], sizes = [1024, 64], strides = [1, 1]} : vector<1024x128xf32> to vector<1024x64xf32>
    %sub3A_192 = arith.subf %slice3A_191, %slice3A : vector<1024x64xf32>
    %broadcast_in_dim3A_193 = arith.constant 0.000000e+00 : f32
    %broadcast_in_dim3A_194 = vector.broadcast %broadcast_in_dim3A_193 : f32 to vector<1024x128xf32>
    %concatenate3A_195 = tpu.concatenate %slice3A, %sub3A_192, %broadcast_in_dim3A_194 in 1 : vector<1024x64xf32>, vector<1024x64xf32>, vector<1024x128xf32> -> vector<1024x256xf32>
    %convert_element_type3A_196 = arith.truncf %concatenate3A_195 : vector<1024x256xf32> to vector<1024x256xbf16>
    %dot_general3A_197 = arith.constant dense<0.000000e+00> : vector<1024x128xf32>
    %dot_general3A_198 = tpu.matmul %convert_element_type3A_196, %get3A_6, %dot_general3A_197 {dimension_numbers = #tpu.dot_dimension_numbers<[1], [0], [0], [1], [0, 0, 1, 1], [], []>, transpose_lhs_hint = false} : vector<1024x256xbf16>, vector<256x128xbf16>, vector<1024x128xf32> -> vector<1024x128xf32>
    %max3A_199 = arith.maximumf %max3A_181, %dot_general3A_198 : vector<1024x128xf32>
    %add3A_200 = arith.addf %add3A_182, %dot_general3A_198 : vector<1024x128xf32>
    %mul3A_201 = arith.mulf %dot_general3A_198, %dot_general3A_198 : vector<1024x128xf32>
    %add3A_202 = arith.addf %add3A_184, %mul3A_201 : vector<1024x128xf32>
    %get3A_203 = arith.constant 11 : index
    %get3A_204 = arith.constant 0 : index
    %get3A_205 = arith.constant 0 : index
    %get3A_206 = arith.constant 0 : index
    %get3A_207 = vector.load %arg2[%get3A_203, %get3A_204, %get3A_205, %get3A_206] : memref<20x1x1024x128xf32, #tpu.memory_space<vmem>>, vector<1x1x1024x128xf32>
    %get3A_208 = vector.shape_cast %get3A_207 : vector<1x1x1024x128xf32> to vector<1024x128xf32>
    %slice3A_209 = vector.extract_strided_slice %get3A_208 {offsets = [0, 0], sizes = [1024, 64], strides = [1, 1]} : vector<1024x128xf32> to vector<1024x64xf32>
    %sub3A_210 = arith.subf %slice3A_209, %slice3A : vector<1024x64xf32>
    %broadcast_in_dim3A_211 = arith.constant 0.000000e+00 : f32
    %broadcast_in_dim3A_212 = vector.broadcast %broadcast_in_dim3A_211 : f32 to vector<1024x128xf32>
    %concatenate3A_213 = tpu.concatenate %slice3A, %sub3A_210, %broadcast_in_dim3A_212 in 1 : vector<1024x64xf32>, vector<1024x64xf32>, vector<1024x128xf32> -> vector<1024x256xf32>
    %convert_element_type3A_214 = arith.truncf %concatenate3A_213 : vector<1024x256xf32> to vector<1024x256xbf16>
    %dot_general3A_215 = arith.constant dense<0.000000e+00> : vector<1024x128xf32>
    %dot_general3A_216 = tpu.matmul %convert_element_type3A_214, %get3A_6, %dot_general3A_215 {dimension_numbers = #tpu.dot_dimension_numbers<[1], [0], [0], [1], [0, 0, 1, 1], [], []>, transpose_lhs_hint = false} : vector<1024x256xbf16>, vector<256x128xbf16>, vector<1024x128xf32> -> vector<1024x128xf32>
    %max3A_217 = arith.maximumf %max3A_199, %dot_general3A_216 : vector<1024x128xf32>
    %add3A_218 = arith.addf %add3A_200, %dot_general3A_216 : vector<1024x128xf32>
    %mul3A_219 = arith.mulf %dot_general3A_216, %dot_general3A_216 : vector<1024x128xf32>
    %add3A_220 = arith.addf %add3A_202, %mul3A_219 : vector<1024x128xf32>
    %get3A_221 = arith.constant 12 : index
    %get3A_222 = arith.constant 0 : index
    %get3A_223 = arith.constant 0 : index
    %get3A_224 = arith.constant 0 : index
    %get3A_225 = vector.load %arg2[%get3A_221, %get3A_222, %get3A_223, %get3A_224] : memref<20x1x1024x128xf32, #tpu.memory_space<vmem>>, vector<1x1x1024x128xf32>
    %get3A_226 = vector.shape_cast %get3A_225 : vector<1x1x1024x128xf32> to vector<1024x128xf32>
    %slice3A_227 = vector.extract_strided_slice %get3A_226 {offsets = [0, 0], sizes = [1024, 64], strides = [1, 1]} : vector<1024x128xf32> to vector<1024x64xf32>
    %sub3A_228 = arith.subf %slice3A_227, %slice3A : vector<1024x64xf32>
    %broadcast_in_dim3A_229 = arith.constant 0.000000e+00 : f32
    %broadcast_in_dim3A_230 = vector.broadcast %broadcast_in_dim3A_229 : f32 to vector<1024x128xf32>
    %concatenate3A_231 = tpu.concatenate %slice3A, %sub3A_228, %broadcast_in_dim3A_230 in 1 : vector<1024x64xf32>, vector<1024x64xf32>, vector<1024x128xf32> -> vector<1024x256xf32>
    %convert_element_type3A_232 = arith.truncf %concatenate3A_231 : vector<1024x256xf32> to vector<1024x256xbf16>
    %dot_general3A_233 = arith.constant dense<0.000000e+00> : vector<1024x128xf32>
    %dot_general3A_234 = tpu.matmul %convert_element_type3A_232, %get3A_6, %dot_general3A_233 {dimension_numbers = #tpu.dot_dimension_numbers<[1], [0], [0], [1], [0, 0, 1, 1], [], []>, transpose_lhs_hint = false} : vector<1024x256xbf16>, vector<256x128xbf16>, vector<1024x128xf32> -> vector<1024x128xf32>
    %max3A_235 = arith.maximumf %max3A_217, %dot_general3A_234 : vector<1024x128xf32>
    %add3A_236 = arith.addf %add3A_218, %dot_general3A_234 : vector<1024x128xf32>
    %mul3A_237 = arith.mulf %dot_general3A_234, %dot_general3A_234 : vector<1024x128xf32>
    %add3A_238 = arith.addf %add3A_220, %mul3A_237 : vector<1024x128xf32>
    %get3A_239 = arith.constant 13 : index
    %get3A_240 = arith.constant 0 : index
    %get3A_241 = arith.constant 0 : index
    %get3A_242 = arith.constant 0 : index
    %get3A_243 = vector.load %arg2[%get3A_239, %get3A_240, %get3A_241, %get3A_242] : memref<20x1x1024x128xf32, #tpu.memory_space<vmem>>, vector<1x1x1024x128xf32>
    %get3A_244 = vector.shape_cast %get3A_243 : vector<1x1x1024x128xf32> to vector<1024x128xf32>
    %slice3A_245 = vector.extract_strided_slice %get3A_244 {offsets = [0, 0], sizes = [1024, 64], strides = [1, 1]} : vector<1024x128xf32> to vector<1024x64xf32>
    %sub3A_246 = arith.subf %slice3A_245, %slice3A : vector<1024x64xf32>
    %broadcast_in_dim3A_247 = arith.constant 0.000000e+00 : f32
    %broadcast_in_dim3A_248 = vector.broadcast %broadcast_in_dim3A_247 : f32 to vector<1024x128xf32>
    %concatenate3A_249 = tpu.concatenate %slice3A, %sub3A_246, %broadcast_in_dim3A_248 in 1 : vector<1024x64xf32>, vector<1024x64xf32>, vector<1024x128xf32> -> vector<1024x256xf32>
    %convert_element_type3A_250 = arith.truncf %concatenate3A_249 : vector<1024x256xf32> to vector<1024x256xbf16>
    %dot_general3A_251 = arith.constant dense<0.000000e+00> : vector<1024x128xf32>
    %dot_general3A_252 = tpu.matmul %convert_element_type3A_250, %get3A_6, %dot_general3A_251 {dimension_numbers = #tpu.dot_dimension_numbers<[1], [0], [0], [1], [0, 0, 1, 1], [], []>, transpose_lhs_hint = false} : vector<1024x256xbf16>, vector<256x128xbf16>, vector<1024x128xf32> -> vector<1024x128xf32>
    %max3A_253 = arith.maximumf %max3A_235, %dot_general3A_252 : vector<1024x128xf32>
    %add3A_254 = arith.addf %add3A_236, %dot_general3A_252 : vector<1024x128xf32>
    %mul3A_255 = arith.mulf %dot_general3A_252, %dot_general3A_252 : vector<1024x128xf32>
    %add3A_256 = arith.addf %add3A_238, %mul3A_255 : vector<1024x128xf32>
    %get3A_257 = arith.constant 14 : index
    %get3A_258 = arith.constant 0 : index
    %get3A_259 = arith.constant 0 : index
    %get3A_260 = arith.constant 0 : index
    %get3A_261 = vector.load %arg2[%get3A_257, %get3A_258, %get3A_259, %get3A_260] : memref<20x1x1024x128xf32, #tpu.memory_space<vmem>>, vector<1x1x1024x128xf32>
    %get3A_262 = vector.shape_cast %get3A_261 : vector<1x1x1024x128xf32> to vector<1024x128xf32>
    %slice3A_263 = vector.extract_strided_slice %get3A_262 {offsets = [0, 0], sizes = [1024, 64], strides = [1, 1]} : vector<1024x128xf32> to vector<1024x64xf32>
    %sub3A_264 = arith.subf %slice3A_263, %slice3A : vector<1024x64xf32>
    %broadcast_in_dim3A_265 = arith.constant 0.000000e+00 : f32
    %broadcast_in_dim3A_266 = vector.broadcast %broadcast_in_dim3A_265 : f32 to vector<1024x128xf32>
    %concatenate3A_267 = tpu.concatenate %slice3A, %sub3A_264, %broadcast_in_dim3A_266 in 1 : vector<1024x64xf32>, vector<1024x64xf32>, vector<1024x128xf32> -> vector<1024x256xf32>
    %convert_element_type3A_268 = arith.truncf %concatenate3A_267 : vector<1024x256xf32> to vector<1024x256xbf16>
    %dot_general3A_269 = arith.constant dense<0.000000e+00> : vector<1024x128xf32>
    %dot_general3A_270 = tpu.matmul %convert_element_type3A_268, %get3A_6, %dot_general3A_269 {dimension_numbers = #tpu.dot_dimension_numbers<[1], [0], [0], [1], [0, 0, 1, 1], [], []>, transpose_lhs_hint = false} : vector<1024x256xbf16>, vector<256x128xbf16>, vector<1024x128xf32> -> vector<1024x128xf32>
    %max3A_271 = arith.maximumf %max3A_253, %dot_general3A_270 : vector<1024x128xf32>
    %add3A_272 = arith.addf %add3A_254, %dot_general3A_270 : vector<1024x128xf32>
    %mul3A_273 = arith.mulf %dot_general3A_270, %dot_general3A_270 : vector<1024x128xf32>
    %add3A_274 = arith.addf %add3A_256, %mul3A_273 : vector<1024x128xf32>
    %get3A_275 = arith.constant 15 : index
    %get3A_276 = arith.constant 0 : index
    %get3A_277 = arith.constant 0 : index
    %get3A_278 = arith.constant 0 : index
    %get3A_279 = vector.load %arg2[%get3A_275, %get3A_276, %get3A_277, %get3A_278] : memref<20x1x1024x128xf32, #tpu.memory_space<vmem>>, vector<1x1x1024x128xf32>
    %get3A_280 = vector.shape_cast %get3A_279 : vector<1x1x1024x128xf32> to vector<1024x128xf32>
    %slice3A_281 = vector.extract_strided_slice %get3A_280 {offsets = [0, 0], sizes = [1024, 64], strides = [1, 1]} : vector<1024x128xf32> to vector<1024x64xf32>
    %sub3A_282 = arith.subf %slice3A_281, %slice3A : vector<1024x64xf32>
    %broadcast_in_dim3A_283 = arith.constant 0.000000e+00 : f32
    %broadcast_in_dim3A_284 = vector.broadcast %broadcast_in_dim3A_283 : f32 to vector<1024x128xf32>
    %concatenate3A_285 = tpu.concatenate %slice3A, %sub3A_282, %broadcast_in_dim3A_284 in 1 : vector<1024x64xf32>, vector<1024x64xf32>, vector<1024x128xf32> -> vector<1024x256xf32>
    %convert_element_type3A_286 = arith.truncf %concatenate3A_285 : vector<1024x256xf32> to vector<1024x256xbf16>
    %dot_general3A_287 = arith.constant dense<0.000000e+00> : vector<1024x128xf32>
    %dot_general3A_288 = tpu.matmul %convert_element_type3A_286, %get3A_6, %dot_general3A_287 {dimension_numbers = #tpu.dot_dimension_numbers<[1], [0], [0], [1], [0, 0, 1, 1], [], []>, transpose_lhs_hint = false} : vector<1024x256xbf16>, vector<256x128xbf16>, vector<1024x128xf32> -> vector<1024x128xf32>
    %max3A_289 = arith.maximumf %max3A_271, %dot_general3A_288 : vector<1024x128xf32>
    %add3A_290 = arith.addf %add3A_272, %dot_general3A_288 : vector<1024x128xf32>
    %mul3A_291 = arith.mulf %dot_general3A_288, %dot_general3A_288 : vector<1024x128xf32>
    %add3A_292 = arith.addf %add3A_274, %mul3A_291 : vector<1024x128xf32>
    %get3A_293 = arith.constant 16 : index
    %get3A_294 = arith.constant 0 : index
    %get3A_295 = arith.constant 0 : index
    %get3A_296 = arith.constant 0 : index
    %get3A_297 = vector.load %arg2[%get3A_293, %get3A_294, %get3A_295, %get3A_296] : memref<20x1x1024x128xf32, #tpu.memory_space<vmem>>, vector<1x1x1024x128xf32>
    %get3A_298 = vector.shape_cast %get3A_297 : vector<1x1x1024x128xf32> to vector<1024x128xf32>
    %slice3A_299 = vector.extract_strided_slice %get3A_298 {offsets = [0, 0], sizes = [1024, 64], strides = [1, 1]} : vector<1024x128xf32> to vector<1024x64xf32>
    %sub3A_300 = arith.subf %slice3A_299, %slice3A : vector<1024x64xf32>
    %broadcast_in_dim3A_301 = arith.constant 0.000000e+00 : f32
    %broadcast_in_dim3A_302 = vector.broadcast %broadcast_in_dim3A_301 : f32 to vector<1024x128xf32>
    %concatenate3A_303 = tpu.concatenate %slice3A, %sub3A_300, %broadcast_in_dim3A_302 in 1 : vector<1024x64xf32>, vector<1024x64xf32>, vector<1024x128xf32> -> vector<1024x256xf32>
    %convert_element_type3A_304 = arith.truncf %concatenate3A_303 : vector<1024x256xf32> to vector<1024x256xbf16>
    %dot_general3A_305 = arith.constant dense<0.000000e+00> : vector<1024x128xf32>
    %dot_general3A_306 = tpu.matmul %convert_element_type3A_304, %get3A_6, %dot_general3A_305 {dimension_numbers = #tpu.dot_dimension_numbers<[1], [0], [0], [1], [0, 0, 1, 1], [], []>, transpose_lhs_hint = false} : vector<1024x256xbf16>, vector<256x128xbf16>, vector<1024x128xf32> -> vector<1024x128xf32>
    %max3A_307 = arith.maximumf %max3A_289, %dot_general3A_306 : vector<1024x128xf32>
    %add3A_308 = arith.addf %add3A_290, %dot_general3A_306 : vector<1024x128xf32>
    %mul3A_309 = arith.mulf %dot_general3A_306, %dot_general3A_306 : vector<1024x128xf32>
    %add3A_310 = arith.addf %add3A_292, %mul3A_309 : vector<1024x128xf32>
    %get3A_311 = arith.constant 17 : index
    %get3A_312 = arith.constant 0 : index
    %get3A_313 = arith.constant 0 : index
    %get3A_314 = arith.constant 0 : index
    %get3A_315 = vector.load %arg2[%get3A_311, %get3A_312, %get3A_313, %get3A_314] : memref<20x1x1024x128xf32, #tpu.memory_space<vmem>>, vector<1x1x1024x128xf32>
    %get3A_316 = vector.shape_cast %get3A_315 : vector<1x1x1024x128xf32> to vector<1024x128xf32>
    %slice3A_317 = vector.extract_strided_slice %get3A_316 {offsets = [0, 0], sizes = [1024, 64], strides = [1, 1]} : vector<1024x128xf32> to vector<1024x64xf32>
    %sub3A_318 = arith.subf %slice3A_317, %slice3A : vector<1024x64xf32>
    %broadcast_in_dim3A_319 = arith.constant 0.000000e+00 : f32
    %broadcast_in_dim3A_320 = vector.broadcast %broadcast_in_dim3A_319 : f32 to vector<1024x128xf32>
    %concatenate3A_321 = tpu.concatenate %slice3A, %sub3A_318, %broadcast_in_dim3A_320 in 1 : vector<1024x64xf32>, vector<1024x64xf32>, vector<1024x128xf32> -> vector<1024x256xf32>
    %convert_element_type3A_322 = arith.truncf %concatenate3A_321 : vector<1024x256xf32> to vector<1024x256xbf16>
    %dot_general3A_323 = arith.constant dense<0.000000e+00> : vector<1024x128xf32>
    %dot_general3A_324 = tpu.matmul %convert_element_type3A_322, %get3A_6, %dot_general3A_323 {dimension_numbers = #tpu.dot_dimension_numbers<[1], [0], [0], [1], [0, 0, 1, 1], [], []>, transpose_lhs_hint = false} : vector<1024x256xbf16>, vector<256x128xbf16>, vector<1024x128xf32> -> vector<1024x128xf32>
    %max3A_325 = arith.maximumf %max3A_307, %dot_general3A_324 : vector<1024x128xf32>
    %add3A_326 = arith.addf %add3A_308, %dot_general3A_324 : vector<1024x128xf32>
    %mul3A_327 = arith.mulf %dot_general3A_324, %dot_general3A_324 : vector<1024x128xf32>
    %add3A_328 = arith.addf %add3A_310, %mul3A_327 : vector<1024x128xf32>
    %get3A_329 = arith.constant 18 : index
    %get3A_330 = arith.constant 0 : index
    %get3A_331 = arith.constant 0 : index
    %get3A_332 = arith.constant 0 : index
    %get3A_333 = vector.load %arg2[%get3A_329, %get3A_330, %get3A_331, %get3A_332] : memref<20x1x1024x128xf32, #tpu.memory_space<vmem>>, vector<1x1x1024x128xf32>
    %get3A_334 = vector.shape_cast %get3A_333 : vector<1x1x1024x128xf32> to vector<1024x128xf32>
    %slice3A_335 = vector.extract_strided_slice %get3A_334 {offsets = [0, 0], sizes = [1024, 64], strides = [1, 1]} : vector<1024x128xf32> to vector<1024x64xf32>
    %sub3A_336 = arith.subf %slice3A_335, %slice3A : vector<1024x64xf32>
    %broadcast_in_dim3A_337 = arith.constant 0.000000e+00 : f32
    %broadcast_in_dim3A_338 = vector.broadcast %broadcast_in_dim3A_337 : f32 to vector<1024x128xf32>
    %concatenate3A_339 = tpu.concatenate %slice3A, %sub3A_336, %broadcast_in_dim3A_338 in 1 : vector<1024x64xf32>, vector<1024x64xf32>, vector<1024x128xf32> -> vector<1024x256xf32>
    %convert_element_type3A_340 = arith.truncf %concatenate3A_339 : vector<1024x256xf32> to vector<1024x256xbf16>
    %dot_general3A_341 = arith.constant dense<0.000000e+00> : vector<1024x128xf32>
    %dot_general3A_342 = tpu.matmul %convert_element_type3A_340, %get3A_6, %dot_general3A_341 {dimension_numbers = #tpu.dot_dimension_numbers<[1], [0], [0], [1], [0, 0, 1, 1], [], []>, transpose_lhs_hint = false} : vector<1024x256xbf16>, vector<256x128xbf16>, vector<1024x128xf32> -> vector<1024x128xf32>
    %max3A_343 = arith.maximumf %max3A_325, %dot_general3A_342 : vector<1024x128xf32>
    %add3A_344 = arith.addf %add3A_326, %dot_general3A_342 : vector<1024x128xf32>
    %mul3A_345 = arith.mulf %dot_general3A_342, %dot_general3A_342 : vector<1024x128xf32>
    %add3A_346 = arith.addf %add3A_328, %mul3A_345 : vector<1024x128xf32>
    %get3A_347 = arith.constant 19 : index
    %get3A_348 = arith.constant 0 : index
    %get3A_349 = arith.constant 0 : index
    %get3A_350 = arith.constant 0 : index
    %get3A_351 = vector.load %arg2[%get3A_347, %get3A_348, %get3A_349, %get3A_350] : memref<20x1x1024x128xf32, #tpu.memory_space<vmem>>, vector<1x1x1024x128xf32>
    %get3A_352 = vector.shape_cast %get3A_351 : vector<1x1x1024x128xf32> to vector<1024x128xf32>
    %slice3A_353 = vector.extract_strided_slice %get3A_352 {offsets = [0, 0], sizes = [1024, 64], strides = [1, 1]} : vector<1024x128xf32> to vector<1024x64xf32>
    %sub3A_354 = arith.subf %slice3A_353, %slice3A : vector<1024x64xf32>
    %broadcast_in_dim3A_355 = arith.constant 0.000000e+00 : f32
    %broadcast_in_dim3A_356 = vector.broadcast %broadcast_in_dim3A_355 : f32 to vector<1024x128xf32>
    %concatenate3A_357 = tpu.concatenate %slice3A, %sub3A_354, %broadcast_in_dim3A_356 in 1 : vector<1024x64xf32>, vector<1024x64xf32>, vector<1024x128xf32> -> vector<1024x256xf32>
    %convert_element_type3A_358 = arith.truncf %concatenate3A_357 : vector<1024x256xf32> to vector<1024x256xbf16>
    %dot_general3A_359 = arith.constant dense<0.000000e+00> : vector<1024x128xf32>
    %dot_general3A_360 = tpu.matmul %convert_element_type3A_358, %get3A_6, %dot_general3A_359 {dimension_numbers = #tpu.dot_dimension_numbers<[1], [0], [0], [1], [0, 0, 1, 1], [], []>, transpose_lhs_hint = false} : vector<1024x256xbf16>, vector<256x128xbf16>, vector<1024x128xf32> -> vector<1024x128xf32>
    %max3A_361 = arith.maximumf %max3A_343, %dot_general3A_360 : vector<1024x128xf32>
    %add3A_362 = arith.addf %add3A_344, %dot_general3A_360 : vector<1024x128xf32>
    %mul3A_363 = arith.mulf %dot_general3A_360, %dot_general3A_360 : vector<1024x128xf32>
    %add3A_364 = arith.addf %add3A_346, %mul3A_363 : vector<1024x128xf32>
    %swap3A = arith.constant 0 : index
    %swap3A_365 = arith.constant 0 : index
    %swap3A_366 = arith.constant 0 : index
    %swap3A_367 = vector.load %arg4[%swap3A, %swap3A_365, %swap3A_366] : memref<1x1024x128xf32, #tpu.memory_space<vmem>>, vector<1x1024x128xf32>
    %swap3A_368 = vector.shape_cast %swap3A_367 : vector<1x1024x128xf32> to vector<1024x128xf32>
    %swap3A_369 = vector.shape_cast %max3A_361 : vector<1024x128xf32> to vector<1x1024x128xf32>
    tpu.vector_store %arg4[%swap3A, %swap3A_365, %swap3A_366], %swap3A_369 {strides = array<i32>} : memref<1x1024x128xf32, #tpu.memory_space<vmem>>, vector<1x1024x128xf32>,
    %reduce_sum3A = arith.constant dense<0.000000e+00> : vector<128xf32>
    %reduce_sum3A_370 = vector.multi_reduction <add>, %add3A_362, %reduce_sum3A [0] : vector<1024x128xf32> to vector<128xf32>
    %swap3A_371 = arith.constant 0 : index
    %swap3A_372 = arith.constant 0 : index
    %swap3A_373 = arith.constant 0 : index
    %swap3A_374 = vector.load %arg5[%swap3A_371, %swap3A_372, %swap3A_373] : memref<1x1x128xf32, #tpu.memory_space<vmem>>, vector<1x1x128xf32>
    %swap3A_375 = vector.shape_cast %swap3A_374 : vector<1x1x128xf32> to vector<128xf32>
    %swap3A_376 = vector.shape_cast %reduce_sum3A_370 : vector<128xf32> to vector<1x1x128xf32>
    tpu.vector_store %arg5[%swap3A_371, %swap3A_372, %swap3A_373], %swap3A_376 {strides = array<i32>} : memref<1x1x128xf32, #tpu.memory_space<vmem>>, vector<1x1x128xf32>,
    %reduce_sum3A_377 = arith.constant dense<0.000000e+00> : vector<128xf32>
    %reduce_sum3A_378 = vector.multi_reduction <add>, %add3A_364, %reduce_sum3A_377 [0] : vector<1024x128xf32> to vector<128xf32>
    %swap3A_379 = arith.constant 0 : index
    %swap3A_380 = arith.constant 0 : index
    %swap3A_381 = arith.constant 0 : index
    %swap3A_382 = vector.load %arg6[%swap3A_379, %swap3A_380, %swap3A_381] : memref<1x1x128xf32, #tpu.memory_space<vmem>>, vector<1x1x128xf32>
    %swap3A_383 = vector.shape_cast %swap3A_382 : vector<1x1x128xf32> to vector<128xf32>
    %swap3A_384 = vector.shape_cast %reduce_sum3A_378 : vector<128xf32> to vector<1x1x128xf32>
    tpu.vector_store %arg6[%swap3A_379, %swap3A_380, %swap3A_381], %swap3A_384 {strides = array<i32>} : memref<1x1x128xf32, #tpu.memory_space<vmem>>, vector<1x1x128xf32>,
    return
  }
  func.func @transform_0(%arg0: i32) -> (i32, i32, i32) {
    %c0_i32 = arith.constant 0 : i32
    %c0_i32_0 = arith.constant 0 : i32
    %c0_i32_1 = arith.constant 0 : i32
    return %arg0, %c0_i32, %c0_i32_0 : i32, i32, i32
  }
  func.func @transform_1(%arg0: i32) -> (i32, i32, i32, i32) {
    %c0_i32 = arith.constant 0 : i32
    %c0_i32_0 = arith.constant 0 : i32
    %c0_i32_1 = arith.constant 0 : i32
    %c0_i32_2 = arith.constant 0 : i32
    return %c0_i32, %arg0, %c0_i32_0, %c0_i32_1 : i32, i32, i32, i32
  }
  func.func @transform_2(%arg0: i32) -> (i32, i32) {
    %c0_i32 = arith.constant 0 : i32
    %c0_i32_0 = arith.constant 0 : i32
    %c0_i32_1 = arith.constant 0 : i32
    return %c0_i32, %c0_i32_0 : i32, i32
  }
  func.func @transform_3(%arg0: i32) -> (i32, i32, i32) {
    %c0_i32 = arith.constant 0 : i32
    %c0_i32_0 = arith.constant 0 : i32
    %c0_i32_1 = arith.constant 0 : i32
    return %arg0, %c0_i32, %c0_i32_0 : i32, i32, i32
  }
  func.func @transform_4(%arg0: i32) -> (i32, i32, i32) {
    %c0_i32 = arith.constant 0 : i32
    %c0_i32_0 = arith.constant 0 : i32
    %c0_i32_1 = arith.constant 0 : i32
    return %arg0, %c0_i32, %c0_i32_0 : i32, i32, i32
  }
  func.func @transform_5(%arg0: i32) -> (i32, i32, i32) {
    %c0_i32 = arith.constant 0 : i32
    %c0_i32_0 = arith.constant 0 : i32
    %c0_i32_1 = arith.constant 0 : i32
    return %arg0, %c0_i32, %c0_i32_0 : i32, i32, i32
  }
}

module attributes {stable_mosaic.version = 14 : i64} {
  func.func @_finalize_body(%arg0: memref<16x1024x128xf32, #tpu.memory_space<vmem>>, %arg1: memref<16x1x128xf32, #tpu.memory_space<vmem>>, %arg2: memref<16x1x128xf32, #tpu.memory_space<vmem>>, %arg3: memref<1x1x128xf32, #tpu.memory_space<vmem>>, %arg4: memref<1x1x128xf32, #tpu.memory_space<vmem>>, %arg5: memref<16x1024x128xf32, #tpu.memory_space<vmem>>) attributes {dimension_semantics = [], scalar_prefetch = 0 : i64, scratch_operands = 0 : i64, tpu.core_type = #tpu.core_type<tc>} {
    %get3A = arith.constant 0 : index
    %get3A_0 = arith.constant 0 : index
    %get3A_1 = arith.constant 0 : index
    %get3A_2 = vector.load %arg1[%get3A, %get3A_0, %get3A_1] : memref<16x1x128xf32, #tpu.memory_space<vmem>>, vector<16x1x128xf32>
    %reduce_sum3A = arith.constant dense<0.000000e+00> : vector<128xf32>
    %reduce_sum3A_3 = vector.multi_reduction <add>, %get3A_2, %reduce_sum3A [0, 1] : vector<16x1x128xf32> to vector<128xf32>
    %get3A_4 = arith.constant 0 : index
    %get3A_5 = arith.constant 0 : index
    %get3A_6 = arith.constant 0 : index
    %get3A_7 = vector.load %arg2[%get3A_4, %get3A_5, %get3A_6] : memref<16x1x128xf32, #tpu.memory_space<vmem>>, vector<16x1x128xf32>
    %reduce_sum3A_8 = arith.constant dense<0.000000e+00> : vector<128xf32>
    %reduce_sum3A_9 = vector.multi_reduction <add>, %get3A_7, %reduce_sum3A_8 [0, 1] : vector<16x1x128xf32> to vector<128xf32>
    %div3A = arith.constant 3.276800e+05 : f32
    %div3A_10 = vector.broadcast %div3A : f32 to vector<128xf32>
    %div3A_11 = arith.divf %reduce_sum3A_3, %div3A_10 : vector<128xf32>
    %div3A_12 = arith.constant 3.276800e+05 : f32
    %div3A_13 = vector.broadcast %div3A_12 : f32 to vector<128xf32>
    %div3A_14 = arith.divf %reduce_sum3A_9, %div3A_13 : vector<128xf32>
    %mul3A = arith.mulf %div3A_11, %div3A_11 : vector<128xf32>
    %sub3A = arith.subf %div3A_14, %mul3A : vector<128xf32>
    %add3A = arith.constant 9.99999974E-6 : f32
    %add3A_15 = vector.broadcast %add3A : f32 to vector<128xf32>
    %add3A_16 = arith.addf %sub3A, %add3A_15 : vector<128xf32>
    %sqrt3A = math.sqrt %add3A_16 : vector<128xf32>
    %get3A_17 = arith.constant 0 : index
    %get3A_18 = arith.constant 0 : index
    %get3A_19 = arith.constant 0 : index
    %get3A_20 = vector.load %arg0[%get3A_17, %get3A_18, %get3A_19] : memref<16x1024x128xf32, #tpu.memory_space<vmem>>, vector<16x1024x128xf32>
    %broadcast_in_dim3A = vector.shape_cast %div3A_11 : vector<128xf32> to vector<1x1x128xf32>
    %sub3A_21 = vector.broadcast %broadcast_in_dim3A : vector<1x1x128xf32> to vector<16x1024x128xf32>
    %sub3A_22 = arith.subf %get3A_20, %sub3A_21 : vector<16x1024x128xf32>
    %broadcast_in_dim3A_23 = vector.shape_cast %sqrt3A : vector<128xf32> to vector<1x1x128xf32>
    %div3A_24 = vector.broadcast %broadcast_in_dim3A_23 : vector<1x1x128xf32> to vector<16x1024x128xf32>
    %div3A_25 = arith.divf %sub3A_22, %div3A_24 : vector<16x1024x128xf32>
    %get3A_26 = arith.constant 0 : index
    %get3A_27 = arith.constant 0 : index
    %get3A_28 = arith.constant 0 : index
    %get3A_29 = vector.load %arg3[%get3A_26, %get3A_27, %get3A_28] : memref<1x1x128xf32, #tpu.memory_space<vmem>>, vector<1x1x128xf32>
    %get3A_30 = vector.shape_cast %get3A_29 : vector<1x1x128xf32> to vector<128xf32>
    %broadcast_in_dim3A_31 = vector.shape_cast %get3A_30 : vector<128xf32> to vector<1x1x128xf32>
    %mul3A_32 = vector.broadcast %broadcast_in_dim3A_31 : vector<1x1x128xf32> to vector<16x1024x128xf32>
    %mul3A_33 = arith.mulf %div3A_25, %mul3A_32 : vector<16x1024x128xf32>
    %get3A_34 = arith.constant 0 : index
    %get3A_35 = arith.constant 0 : index
    %get3A_36 = arith.constant 0 : index
    %get3A_37 = vector.load %arg4[%get3A_34, %get3A_35, %get3A_36] : memref<1x1x128xf32, #tpu.memory_space<vmem>>, vector<1x1x128xf32>
    %get3A_38 = vector.shape_cast %get3A_37 : vector<1x1x128xf32> to vector<128xf32>
    %broadcast_in_dim3A_39 = vector.shape_cast %get3A_38 : vector<128xf32> to vector<1x1x128xf32>
    %add3A_40 = vector.broadcast %broadcast_in_dim3A_39 : vector<1x1x128xf32> to vector<16x1024x128xf32>
    %add3A_41 = arith.addf %mul3A_33, %add3A_40 : vector<16x1024x128xf32>
    %ge3A = arith.constant 0.000000e+00 : f32
    %ge3A_42 = vector.broadcast %ge3A : f32 to vector<16x1024x128xf32>
    %ge3A_43 = arith.cmpf oge, %add3A_41, %ge3A_42 : vector<16x1024x128xf32>
    %mul3A_44 = arith.constant 2.000000e-01 : f32
    %mul3A_45 = vector.broadcast %mul3A_44 : f32 to vector<16x1024x128xf32>
    %mul3A_46 = arith.mulf %mul3A_45, %add3A_41 : vector<16x1024x128xf32>
    %select_n3A = arith.select %ge3A_43, %add3A_41, %mul3A_46 : vector<16x1024x128xi1>, vector<16x1024x128xf32>
    %swap3A = arith.constant 0 : index
    %swap3A_47 = arith.constant 0 : index
    %swap3A_48 = arith.constant 0 : index
    %swap3A_49 = vector.load %arg5[%swap3A, %swap3A_47, %swap3A_48] : memref<16x1024x128xf32, #tpu.memory_space<vmem>>, vector<16x1024x128xf32>
    tpu.vector_store %arg5[%swap3A, %swap3A_47, %swap3A_48], %select_n3A {strides = array<i32>} : memref<16x1024x128xf32, #tpu.memory_space<vmem>>, vector<16x1024x128xf32>,
    return
  }
}

module attributes {stable_mosaic.version = 14 : i64} {
  func.func @_layer5_body(%arg0: i32, %arg1: memref<1x1024x320xf32, #tpu.memory_space<vmem>>, %arg2: memref<320x1024xbf16, #tpu.memory_space<vmem>>, %arg3: memref<1x1x1024xf32, #tpu.memory_space<vmem>>, %arg4: memref<1x1x1024xf32, #tpu.memory_space<vmem>>, %arg5: memref<1x1x1024xf32, #tpu.memory_space<vmem>>) attributes {dimension_semantics = [#tpu.dimension_semantics<arbitrary>], iteration_bounds = array<i64: 16>, scalar_prefetch = 0 : i64, scratch_operands = 0 : i64, tpu.core_type = #tpu.core_type<tc>, window_params = [{transform_indices = @transform_0, window_bounds = array<i64: 1, 1024, 320>}, {pipeline_mode = #tpu.pipeline_mode<synchronous>, transform_indices = @transform_1, window_bounds = array<i64: 320, 1024>}, {transform_indices = @transform_2, window_bounds = array<i64: 1, 1, 1024>}, {transform_indices = @transform_3, window_bounds = array<i64: 1, 1, 1024>}, {transform_indices = @transform_4, window_bounds = array<i64: 1, 1, 1024>}]} {
    %get3A = arith.constant 0 : index
    %get3A_0 = arith.constant 0 : index
    %get3A_1 = arith.constant 0 : index
    %get3A_2 = vector.load %arg1[%get3A, %get3A_0, %get3A_1] : memref<1x1024x320xf32, #tpu.memory_space<vmem>>, vector<1x1024x320xf32>
    %get3A_3 = vector.shape_cast %get3A_2 : vector<1x1024x320xf32> to vector<1024x320xf32>
    %convert_element_type3A = arith.truncf %get3A_3 : vector<1024x320xf32> to vector<1024x320xbf16>
    %get3A_4 = arith.constant 0 : index
    %get3A_5 = arith.constant 0 : index
    %get3A_6 = vector.load %arg2[%get3A_4, %get3A_5] : memref<320x1024xbf16, #tpu.memory_space<vmem>>, vector<320x1024xbf16>
    %dot_general3A = arith.constant dense<0.000000e+00> : vector<1024x1024xf32>
    %dot_general3A_7 = tpu.matmul %convert_element_type3A, %get3A_6, %dot_general3A {dimension_numbers = #tpu.dot_dimension_numbers<[1], [0], [0], [1], [0, 0, 1, 1], [], []>, transpose_lhs_hint = false} : vector<1024x320xbf16>, vector<320x1024xbf16>, vector<1024x1024xf32> -> vector<1024x1024xf32>
    %reduce_max3A = arith.constant dense<0xFF800000> : vector<1024xf32>
    %reduce_max3A_8 = vector.multi_reduction <maximumf>, %dot_general3A_7, %reduce_max3A [0] : vector<1024x1024xf32> to vector<1024xf32>
    %swap3A = arith.constant 0 : index
    %swap3A_9 = arith.constant 0 : index
    %swap3A_10 = arith.constant 0 : index
    %swap3A_11 = vector.load %arg3[%swap3A, %swap3A_9, %swap3A_10] : memref<1x1x1024xf32, #tpu.memory_space<vmem>>, vector<1x1x1024xf32>
    %swap3A_12 = vector.shape_cast %swap3A_11 : vector<1x1x1024xf32> to vector<1024xf32>
    %swap3A_13 = vector.shape_cast %reduce_max3A_8 : vector<1024xf32> to vector<1x1x1024xf32>
    tpu.vector_store %arg3[%swap3A, %swap3A_9, %swap3A_10], %swap3A_13 {strides = array<i32>} : memref<1x1x1024xf32, #tpu.memory_space<vmem>>, vector<1x1x1024xf32>,
    %reduce_sum3A = arith.constant dense<0.000000e+00> : vector<1024xf32>
    %reduce_sum3A_14 = vector.multi_reduction <add>, %dot_general3A_7, %reduce_sum3A [0] : vector<1024x1024xf32> to vector<1024xf32>
    %swap3A_15 = arith.constant 0 : index
    %swap3A_16 = arith.constant 0 : index
    %swap3A_17 = arith.constant 0 : index
    %swap3A_18 = vector.load %arg4[%swap3A_15, %swap3A_16, %swap3A_17] : memref<1x1x1024xf32, #tpu.memory_space<vmem>>, vector<1x1x1024xf32>
    %swap3A_19 = vector.shape_cast %swap3A_18 : vector<1x1x1024xf32> to vector<1024xf32>
    %swap3A_20 = vector.shape_cast %reduce_sum3A_14 : vector<1024xf32> to vector<1x1x1024xf32>
    tpu.vector_store %arg4[%swap3A_15, %swap3A_16, %swap3A_17], %swap3A_20 {strides = array<i32>} : memref<1x1x1024xf32, #tpu.memory_space<vmem>>, vector<1x1x1024xf32>,
    %mul3A = arith.mulf %dot_general3A_7, %dot_general3A_7 : vector<1024x1024xf32>
    %reduce_sum3A_21 = arith.constant dense<0.000000e+00> : vector<1024xf32>
    %reduce_sum3A_22 = vector.multi_reduction <add>, %mul3A, %reduce_sum3A_21 [0] : vector<1024x1024xf32> to vector<1024xf32>
    %swap3A_23 = arith.constant 0 : index
    %swap3A_24 = arith.constant 0 : index
    %swap3A_25 = arith.constant 0 : index
    %swap3A_26 = vector.load %arg5[%swap3A_23, %swap3A_24, %swap3A_25] : memref<1x1x1024xf32, #tpu.memory_space<vmem>>, vector<1x1x1024xf32>
    %swap3A_27 = vector.shape_cast %swap3A_26 : vector<1x1x1024xf32> to vector<1024xf32>
    %swap3A_28 = vector.shape_cast %reduce_sum3A_22 : vector<1024xf32> to vector<1x1x1024xf32>
    tpu.vector_store %arg5[%swap3A_23, %swap3A_24, %swap3A_25], %swap3A_28 {strides = array<i32>} : memref<1x1x1024xf32, #tpu.memory_space<vmem>>, vector<1x1x1024xf32>,
    return
  }
  func.func @transform_0(%arg0: i32) -> (i32, i32, i32) {
    %c0_i32 = arith.constant 0 : i32
    %c0_i32_0 = arith.constant 0 : i32
    %c0_i32_1 = arith.constant 0 : i32
    return %arg0, %c0_i32, %c0_i32_0 : i32, i32, i32
  }
  func.func @transform_1(%arg0: i32) -> (i32, i32) {
    %c0_i32 = arith.constant 0 : i32
    %c0_i32_0 = arith.constant 0 : i32
    %c0_i32_1 = arith.constant 0 : i32
    return %c0_i32, %c0_i32_0 : i32, i32
  }
  func.func @transform_2(%arg0: i32) -> (i32, i32, i32) {
    %c0_i32 = arith.constant 0 : i32
    %c0_i32_0 = arith.constant 0 : i32
    %c0_i32_1 = arith.constant 0 : i32
    return %arg0, %c0_i32, %c0_i32_0 : i32, i32, i32
  }
  func.func @transform_3(%arg0: i32) -> (i32, i32, i32) {
    %c0_i32 = arith.constant 0 : i32
    %c0_i32_0 = arith.constant 0 : i32
    %c0_i32_1 = arith.constant 0 : i32
    return %arg0, %c0_i32, %c0_i32_0 : i32, i32, i32
  }
  func.func @transform_4(%arg0: i32) -> (i32, i32, i32) {
    %c0_i32 = arith.constant 0 : i32
    %c0_i32_0 = arith.constant 0 : i32
    %c0_i32_1 = arith.constant 0 : i32
    return %arg0, %c0_i32, %c0_i32_0 : i32, i32, i32
  }
}

module attributes {stable_mosaic.version = 14 : i64} {
  func.func @_finalize_body(%arg0: memref<16x1x1024xf32, #tpu.memory_space<vmem>>, %arg1: memref<16x1x1024xf32, #tpu.memory_space<vmem>>, %arg2: memref<16x1x1024xf32, #tpu.memory_space<vmem>>, %arg3: memref<1x1x1024xf32, #tpu.memory_space<vmem>>, %arg4: memref<1x1x1024xf32, #tpu.memory_space<vmem>>, %arg5: memref<16x1x1024xf32, #tpu.memory_space<vmem>>) attributes {dimension_semantics = [], scalar_prefetch = 0 : i64, scratch_operands = 0 : i64, tpu.core_type = #tpu.core_type<tc>} {
    %get3A = arith.constant 0 : index
    %get3A_0 = arith.constant 0 : index
    %get3A_1 = arith.constant 0 : index
    %get3A_2 = vector.load %arg1[%get3A, %get3A_0, %get3A_1] : memref<16x1x1024xf32, #tpu.memory_space<vmem>>, vector<16x1x1024xf32>
    %reduce_sum3A = arith.constant dense<0.000000e+00> : vector<1024xf32>
    %reduce_sum3A_3 = vector.multi_reduction <add>, %get3A_2, %reduce_sum3A [0, 1] : vector<16x1x1024xf32> to vector<1024xf32>
    %get3A_4 = arith.constant 0 : index
    %get3A_5 = arith.constant 0 : index
    %get3A_6 = arith.constant 0 : index
    %get3A_7 = vector.load %arg2[%get3A_4, %get3A_5, %get3A_6] : memref<16x1x1024xf32, #tpu.memory_space<vmem>>, vector<16x1x1024xf32>
    %reduce_sum3A_8 = arith.constant dense<0.000000e+00> : vector<1024xf32>
    %reduce_sum3A_9 = vector.multi_reduction <add>, %get3A_7, %reduce_sum3A_8 [0, 1] : vector<16x1x1024xf32> to vector<1024xf32>
    %div3A = arith.constant 1.638400e+04 : f32
    %div3A_10 = vector.broadcast %div3A : f32 to vector<1024xf32>
    %div3A_11 = arith.divf %reduce_sum3A_3, %div3A_10 : vector<1024xf32>
    %div3A_12 = arith.constant 1.638400e+04 : f32
    %div3A_13 = vector.broadcast %div3A_12 : f32 to vector<1024xf32>
    %div3A_14 = arith.divf %reduce_sum3A_9, %div3A_13 : vector<1024xf32>
    %mul3A = arith.mulf %div3A_11, %div3A_11 : vector<1024xf32>
    %sub3A = arith.subf %div3A_14, %mul3A : vector<1024xf32>
    %add3A = arith.constant 9.99999974E-6 : f32
    %add3A_15 = vector.broadcast %add3A : f32 to vector<1024xf32>
    %add3A_16 = arith.addf %sub3A, %add3A_15 : vector<1024xf32>
    %sqrt3A = math.sqrt %add3A_16 : vector<1024xf32>
    %get3A_17 = arith.constant 0 : index
    %get3A_18 = arith.constant 0 : index
    %get3A_19 = arith.constant 0 : index
    %get3A_20 = vector.load %arg0[%get3A_17, %get3A_18, %get3A_19] : memref<16x1x1024xf32, #tpu.memory_space<vmem>>, vector<16x1x1024xf32>
    %broadcast_in_dim3A = vector.shape_cast %div3A_11 : vector<1024xf32> to vector<1x1x1024xf32>
    %sub3A_21 = vector.broadcast %broadcast_in_dim3A : vector<1x1x1024xf32> to vector<16x1x1024xf32>
    %sub3A_22 = arith.subf %get3A_20, %sub3A_21 : vector<16x1x1024xf32>
    %broadcast_in_dim3A_23 = vector.shape_cast %sqrt3A : vector<1024xf32> to vector<1x1x1024xf32>
    %div3A_24 = vector.broadcast %broadcast_in_dim3A_23 : vector<1x1x1024xf32> to vector<16x1x1024xf32>
    %div3A_25 = arith.divf %sub3A_22, %div3A_24 : vector<16x1x1024xf32>
    %get3A_26 = arith.constant 0 : index
    %get3A_27 = arith.constant 0 : index
    %get3A_28 = arith.constant 0 : index
    %get3A_29 = vector.load %arg3[%get3A_26, %get3A_27, %get3A_28] : memref<1x1x1024xf32, #tpu.memory_space<vmem>>, vector<1x1x1024xf32>
    %get3A_30 = vector.shape_cast %get3A_29 : vector<1x1x1024xf32> to vector<1024xf32>
    %broadcast_in_dim3A_31 = vector.shape_cast %get3A_30 : vector<1024xf32> to vector<1x1x1024xf32>
    %mul3A_32 = vector.broadcast %broadcast_in_dim3A_31 : vector<1x1x1024xf32> to vector<16x1x1024xf32>
    %mul3A_33 = arith.mulf %div3A_25, %mul3A_32 : vector<16x1x1024xf32>
    %get3A_34 = arith.constant 0 : index
    %get3A_35 = arith.constant 0 : index
    %get3A_36 = arith.constant 0 : index
    %get3A_37 = vector.load %arg4[%get3A_34, %get3A_35, %get3A_36] : memref<1x1x1024xf32, #tpu.memory_space<vmem>>, vector<1x1x1024xf32>
    %get3A_38 = vector.shape_cast %get3A_37 : vector<1x1x1024xf32> to vector<1024xf32>
    %broadcast_in_dim3A_39 = vector.shape_cast %get3A_38 : vector<1024xf32> to vector<1x1x1024xf32>
    %add3A_40 = vector.broadcast %broadcast_in_dim3A_39 : vector<1x1x1024xf32> to vector<16x1x1024xf32>
    %add3A_41 = arith.addf %mul3A_33, %add3A_40 : vector<16x1x1024xf32>
    %ge3A = arith.constant 0.000000e+00 : f32
    %ge3A_42 = vector.broadcast %ge3A : f32 to vector<16x1x1024xf32>
    %ge3A_43 = arith.cmpf oge, %add3A_41, %ge3A_42 : vector<16x1x1024xf32>
    %mul3A_44 = arith.constant 2.000000e-01 : f32
    %mul3A_45 = vector.broadcast %mul3A_44 : f32 to vector<16x1x1024xf32>
    %mul3A_46 = arith.mulf %mul3A_45, %add3A_41 : vector<16x1x1024xf32>
    %select_n3A = arith.select %ge3A_43, %add3A_41, %mul3A_46 : vector<16x1x1024xi1>, vector<16x1x1024xf32>
    %swap3A = arith.constant 0 : index
    %swap3A_47 = arith.constant 0 : index
    %swap3A_48 = arith.constant 0 : index
    %swap3A_49 = vector.load %arg5[%swap3A, %swap3A_47, %swap3A_48] : memref<16x1x1024xf32, #tpu.memory_space<vmem>>, vector<16x1x1024xf32>
    tpu.vector_store %arg5[%swap3A, %swap3A_47, %swap3A_48], %select_n3A {strides = array<i32>} : memref<16x1x1024xf32, #tpu.memory_space<vmem>>, vector<16x1x1024xf32>,
    return
  }
}

</mosaic_0001>

<sc_bundles>
// kernel: kernel.20.cloned.1.call-start
scs
__scs_entry_jumppad:
0x0: {  	(pc) =	sbr.rel $0x88, $3  }
0x1: {  	(tag) =	ssettag $0x0;
	lr =	simm.s32 $0x1  }
0x2: {  	[smem:$0x3F91] =	sst lr;
	_ =	strace $0xD0000000  }
0x3: {  	_ = 	snop  }
0x4: {  	_ = 	snop  }
0x5: {  	_ = 	snop  }
0x6: {  	_ = 	snop  }
0x7: {  	_ = 	snop  }
__scs_overlays_trampoline_lowered:
0x8: {  	[smem:$0x3FA0] =	sst s0  }
0x9: {  	[smem:$0x3FA1] =	sst s1  }
0xa: {  	[smem:$0x3FA2] =	sst s2  }
0xb: {  	[smem:$0x3FA3] =	sst s3  }
0xc: {  	[smem:$0x3FA4] =	sst s4  }
0xd: {  	[smem:$0x3FA5] =	sst s5  }
0xe: {  	[smem:$0x3FA6] =	sst s6  }
0xf: {  	[smem:$0x3FA7] =	sst s7  }
0x10: {  	[smem:$0x3FA8] =	sst s8  }
0x11: {  	[smem:$0x3FA9] =	sst s9;
	s0 =	simm.s32 @!p0 $0x0  }
0x12: {  	s1 =	sld [smem:$0x3F8F];
	s0 =	simm.s32 @p0 $0x1  }
0x13: {  	[smem:$0x3FAA] =	sst s0;
	s0 =	simm.s32 @!p1 $0x0  }
0x14: {  	s2 =	sld [smem:$0x3F8E];
	s0 =	simm.s32 @p1 $0x1  }
0x15: {  	[smem:$0x3FAB] =	sst s0;
	s0 =	simm.s32 @!p2 $0x0  }
0x16: {  	s3 =	sld [smem:$0x3FDB];
	s0 =	simm.s32 @p2 $0x1  }
0x17: {  	s4 =	simm.s32 $0x1BF5;
	[smem:$0x3FAD] =	sst s0  }
0x18: {  	s0 =	sld [smem:$0x3F90];
	_ =	swait.ge [sflag:s4], $0x0  }
0x19: {  	s7 =	sld [smem:$0x3F91]  }
0x1a: {  	s8 =	sadd.s32 $0xFFFFE003, lr  }
0x1b: {  	s9 =	sadd.s32 $0xFFFFFEF7, lr;
	s5 =	simm.s32 $0xFFFFFFFF;
	p2 =	slt.u32 s8, $0xFFFFF086  }
0x1c: {  	p1 =	slt.u32 s9, $0xF7A;
	s5 =	simm.s32 @!p2 $0x0  }
0x1d: {  	s5 =	simm.s32 @p1 $0x1;
	p0 =	seq.s32 s7, s2  }
0x1e: {  	s7 =	smul.u32 @!p0 $0xF7A, s2;
	p2 =	seq.s32 @!p0 s5, $0x0  }
0x1f: {  	s9 =	smul.u32 $0xF7A, s1;
	s8 =	simm.s32 @!p0 $0x1BF5;
	p2 =	por !p2, p0  }
0x20: {  	[sflag:s8] =	ssyncset.s32 @!p0 $0xFFFFF086;
	s6 =	sadd.s32 @!p0 s3, s7;
	s7 =	simm.s32 @!p0 $0x108  }
0x21: {  	s3 =	sadd.s32 s3, s9;
	s6 =	sadd.s32 @!p0 $0x88, s6;
	s7 =	simm.s32 @p2 $0x1082  }
0x22: {  	[simem:s7], [sflag:s8] =	dma.local @!p0 [hbm:s6], $0xF7A  }
0x23: {  	s9 =	sor.u32 $0xD0000000, s2;
	s6 =	simm.s32 $0x108;
	_ =	swait.ge @!p0 [sflag:s8], $0x0  }
0x24: {  	s3 =	sadd.s32 $0x88, s3;
	s6 =	simm.s32 @!p1 $0x1082;
	[sflag:s4] =	ssyncset.s32 $0xFFFFF086  }
0x25: {  	[simem:s6], [sflag:s4] =	dma.local [hbm:s3], $0xF7A  }
0x26: {  	[smem:$0x3F91] =	sst s1;
	(tag) =	ssettag s2;
	_ =	strace s9  }
0x27: {  	s1 =	sld [smem:$0x3FA1]  }
0x28: {  	s2 =	sld [smem:$0x3FA2]  }
0x29: {  	s4 =	sld [smem:$0x3FA4]  }
0x2a: {  	p0 =	seq.s32 s5, $0x0;
	s5 =	sld [smem:$0x3FA5]  }
0x2b: {  	s6 =	sld [smem:$0x3FA6]  }
0x2c: {  	s7 =	sld [smem:$0x3FA7]  }
0x2d: {  	s3 =	simm.s32 $0x108;
	s8 =	sld [smem:$0x3FA8]  }
0x2e: {  	s3 =	simm.s32 @!p0 $0x1082;
	s9 =	sld [smem:$0x3FA9]  }
0x2f: {  	lr =	sadd.s32 s0, s3;
	s0 =	sld [smem:$0x3FA0]  }
0x30: {  	s3 =	sld [smem:$0x3FA3]  }
0x31: {  	[smem:$0x3FAC] =	sst s10  }
0x32: {  	s10 =	sld [smem:$0x3FAA];
	_ =	sdelay $0x3  }
0x33: {  	p0 =	seq.s32 s10, $0x1;
	s10 =	sld [smem:$0x3FAC];
	_ =	sdelay $0x3  }
0x34: {  	[smem:$0x3FAC] =	sst s10  }
0x35: {  	s10 =	sld [smem:$0x3FAB];
	_ =	sdelay $0x3  }
0x36: {  	p1 =	seq.s32 s10, $0x1;
	s10 =	sld [smem:$0x3FAC];
	_ =	sdelay $0x3  }
0x37: {  	[smem:$0x3FAC] =	sst s10  }
0x38: {  	s10 =	sld [smem:$0x3FAD]  }
0x39: {  	_ = 	snop;
	(pc) =	sbr.ind lr, $3  }
0x3a: {  	_ = 	snop  }
0x3b: {  	_ = 	snop  }
0x3c: {  	p2 =	seq.s32 s10, $0x1;
	s10 =	sld [smem:$0x3FAC]  }
0x3d: {  	_ =	shalt  }
0x3e: {  	_ =	shalt  }
0x3f: {  	_ =	shalt  }
0x40: {  	_ =	shalt  }
0x41: {  	_ =	shalt  }
0x42: {  	_ =	shalt  }
0x43: {  	_ =	shalt  }
0x44: {  	_ =	shalt  }
0x45: {  	_ =	shalt  }
0x46: {  	_ =	shalt  }
0x47: {  	_ =	shalt  }
0x48: {  	_ =	shalt  }
0x49: {  	_ =	shalt  }
0x4a: {  	_ =	shalt  }
0x4b: {  	_ =	shalt  }
0x4c: {  	_ =	shalt  }
0x4d: {  	_ =	shalt  }
0x4e: {  	_ =	shalt  }
0x4f: {  	_ =	shalt  }
0x50: {  	_ =	shalt  }
0x51: {  	_ =	shalt  }
0x52: {  	_ =	shalt  }
0x53: {  	_ =	shalt  }
0x54: {  	_ =	shalt  }
0x55: {  	_ =	shalt  }
0x56: {  	_ =	shalt  }
0x57: {  	_ =	shalt  }
0x58: {  	_ =	shalt  }
0x59: {  	_ =	shalt  }
0x5a: {  	_ =	shalt  }
0x5b: {  	_ =	shalt  }
0x5c: {  	_ =	shalt  }
0x5d: {  	_ =	shalt  }
0x5e: {  	_ =	shalt  }
0x5f: {  	_ =	shalt  }
0x60: {  	_ =	shalt  }
0x61: {  	_ =	shalt  }
0x62: {  	_ =	shalt  }
0x63: {  	_ =	shalt  }
0x64: {  	_ =	shalt  }
0x65: {  	_ =	shalt  }
0x66: {  	_ =	shalt  }
0x67: {  	_ =	shalt  }
0x68: {  	_ =	shalt  }
0x69: {  	_ =	shalt  }
0x6a: {  	_ =	shalt  }
0x6b: {  	_ =	shalt  }
0x6c: {  	_ =	shalt  }
0x6d: {  	_ =	shalt  }
0x6e: {  	_ =	shalt  }
0x6f: {  	_ =	shalt  }
0x70: {  	_ =	shalt  }
0x71: {  	_ =	shalt  }
0x72: {  	_ =	shalt  }
0x73: {  	_ =	shalt  }
0x74: {  	_ =	shalt  }
0x75: {  	_ =	shalt  }
0x76: {  	_ =	shalt  }
0x77: {  	_ =	shalt  }
0x78: {  	_ =	shalt  }
0x79: {  	_ =	shalt  }
0x7a: {  	_ =	shalt  }
0x7b: {  	_ =	shalt  }
0x7c: {  	_ =	shalt  }
0x7d: {  	_ =	shalt  }
0x7e: {  	_ =	shalt  }
0x7f: {  	_ =	shalt  }
0x80: {  	_ =	shalt  }
0x81: {  	_ =	shalt  }
0x82: {  	_ =	shalt  }
0x83: {  	_ =	shalt  }
0x84: {  	_ =	shalt  }
0x85: {  	_ =	shalt  }
0x86: {  	_ =	shalt  }
0x87: {  	_ =	shalt  }
.Lfunc_end0:
.L_simem_size_0:
called_computation_lowered:
.L_overlay_start_0:
0x88: {  	s2 =	sld [smem:$0x3FD9]  }
0x89: {  	s3 =	sld [smem:$0x3FFE];
	_ =	sdelay $0x1  }
0x8a: {  	s1 =	srdreg.scid  }
0x8b: {  	s0 =	sand.u32 $0x1, s1  }
0x8c: {  	s16 =	sshll.u32 s0, $0xA;
	s2 =	sadd.s32 s3, s2  }
0x8d: {  	s2 =	sadd.s32 s2, s16  }
0x8e: {  	[smem:$0x3FB8] =	sst s2  }
0x8f: {  	_ = 	snop  }
0x90: {  	(tm) =	ssettm $0x1  }
0x91: {  	s17 =	sld [smem:$0x3FFB];
	_ =	sdelay $0x3  }
0x92: {  	_ =	strace s17  }
0x93: {  	s2 =	sld [smem:$0x3FFC];
	_ =	sdelay $0x3  }
0x94: {  	_ =	strace s2  }
0x95: {  	s2 =	sld [smem:$0x3FFD];
	_ =	sdelay $0x3  }
0x96: {  	_ =	strace s2  }
0x97: {  	_ =	strace $0x8FFFFFFF  }
0x98: {  	s18 =	sld [smem:$0x3FDB];
	_ =	sdelay $0x1  }
0x99: {  	s19 =	simm.s32 $_scs_section_size  }
0x9a: {  	s4 =	simm.s32 $_size__tile_overlayer_lowered;
	s5 =	simm.s32 $_tile_overlayer_lowered  }
0x9b: {  	s22 =	simm.s32 $0x1BFF;
	s21 =	sshll.u32 s5, $0x1;
	s2 =	sadd.s32 s19, s18  }
0x9c: {  	s6 =	simm.s32 $0x0;
	s20 =	sshll.u32 s4, $0x1;
	s4 =	sadd.s32 s21, s2  }
0x9d: {  	[timem:s6], [sflag:s22] =	dma.local [hbm:s4], s20  }
0x9e: {  	_ =	swait.ge [sflag:s22], s20  }
0x9f: {  	s3 =	ssub.s32 $0x0, s20;
	[sflag:s22] =	ssyncset.done $0x0  }
0xa0: {  	[sflag:s22] =	ssyncadd.s32 s3;
	_ =	sdelay $0x1  }
0xa1: {  	s23 =	simm.s32 $0x1B8B  }
0xa2: {  	_ =	swait.ge [sflag:s23], $0x1  }
0xa3: {  	[sflag:s23] =	ssyncset.done $0x0  }
0xa4: {  	s25 =	simm.s32 $0x1B8E;
	s24 =	sld [smem:$0x3FFE];
	[sflag:s23] =	ssyncadd.s32 $0xFFFFFFFF  }
0xa5: {  	s26 =	simm.s32 $execute0_lowered;
	[smem:$0x3FD2] =	sst s25  }
0xa6: {  	s4 =	sshll.u32 s26, $0x1;
	_ =	strace $0x80000046;
	[dreg:$0x1] =	wrdreg $0xFFFFFFFF  }
0xa7: {  	s28 =	simm.s32 $_size_execute0_lowered;
	s2 =	sadd.s32 s2, s4;
	[dreg:$0x0] =	wrdreg $0x0  }
0xa8: {  	s4 =	sshll.u32 s28, $0x1;
	[dreg:$0x2] =	wrdreg s2  }
0xa9: {  	[dreg:$0x3] =	wrdreg s4  }
0xaa: {  	[dreg:$0x4] =	wrdreg $0xC0  }
0xab: {  	_ =	task [dreg:s6], $0x5FFFF  }
0xac: {  	[dreg:$0x1] =	wrdreg $0xFFFFFFFF  }
0xad: {  	[dreg:$0x0] =	wrdreg $0x60  }
0xae: {  	[dreg:$0x2] =	wrdreg s24  }
0xaf: {  	[dreg:$0x3] =	wrdreg $0x9  }
0xb0: {  	_ =	task.clear_ibuf [dreg:s6], $0x4FFFF;
	_ =	strace $0x90000046  }
0xb1: {  	s29 =	simm.s32 $0x9;
	_ =	strace $0x80000048  }
0xb2: {  	_ =	swait.ge [sflag:s29], $0x1  }
0xb3: {  	[sflag:s29] =	ssyncadd.s32 $0xFFFFFFFF  }
0xb4: {  	_ =	strace $0x90000048  }
0xb5: {  	_ =	sfence  }
0xb6: {  	s30 =	sld [smem:$0x0];
	_ =	sdelay $0x2  }
0xb7: {  	s31 =	sshll.u32 s1, $0xD;
	s1 =	sshrl.u32 s1, $0x2  }
0xb8: {  	s3 =	sand.u32 $0x4000, s31;
	s1 =	sadd.s32 s1, s30  }
0xb9: {  	s0 =	sor.u32 s3, s0;
	s1 =	sshll.u32 s1, $0x11  }
0xba: {  	s0 =	sor.u32 s1, s0  }
0xbb: {  	s0 =	sadd.s32 $0x8F2B, s0  }
0xbc: {  	[sflag:s0] =	ssyncadd.remote.s32 $0x1  }
0xbd: {  	_ =	sfence.sel $0xFFFF  }
0xbe: {  	[dreg:$0x0] =	wrdreg $0xFFFFFFFF;
	(pc) =	sbr.abs _section_cstart, $3  }
0xbf: {  	[dreg:$0x1] =	wrdreg $0xFFFFFFFF  }
0xc0: {  	_ =	task.clear_ibuf [dreg:s6], $0x2FFFF;
	_ =	strace $0x9FFFFFFF  }
0xc1: {  	(tm) =	ssettm $0x7FFFFFFF  }
tec
execute0_lowered:
.L_overlay_start_1:
0x0: {  	(tag) =	ssettag $0x1  }
0x1: {  	s4 =	rddreg [dreg:$0x0]  }
0x2: {  	s0 =	rddreg [dreg:$0x1]  }
0x3: {  	s3 =	srdreg.scid;
	s1 =	stileid.u32;
	s2 =	simm.s32 $0x0  }
0x4: {  	s13 =	simm.s32 $0x6800;
	s14 =	simm.s32 $0x1;
	s25 =	smul.u32 $0x280000, s1  }
0x5: {  	s15 =	simm.s32 $0x2;
	s7 =	sand.u32 $0x1, s3;
	s29 =	smul.u32 $0x50000, s1  }
0x6: {  	s16 =	simm.s32 $0x2780;
	s23 =	sshll.u32 s1, $0x1;
	s28 =	smul.u32 $0x140000, s7  }
0x7: {  	s17 =	simm.s32 $0x0;
	s5 =	sor.u32 s7, s23;
	s30 =	smul.u32 $0x28000, s7  }
0x8: {  	[smem:$0x7FF] =	sst s2;
	s3 =	sadd.s32 $0x6200, s4;
	s6 =	smul.u32 $0x500, s5  }
0x9: {  	s12 =	sadd.s32 $0x50200, s4;
	s8 =	ssub.s32 $0x2, s7;
	s9 =	smul.u32 $0x140000, s5  }
0xa: {  	_ =	strace $0x80000047;
	s10 =	sshrl.u32 s8, $0x1;
	s11 =	smul.u32 $0x28000, s5  }
0xb: {  	s24 =	ssub.s32 s8, s10;
	s8 =	sadd.s32 s28, s25;
	s10 =	sadd.s32 s29, s12  }
0xc: {  	s6 =	sadd.s32 s6, s4;
	s26 =	sshrl.u32 s9, $0x3;
	s5 =	smax.u32 s24, $0x1  }
0xd: {  	s31 =	sadd.s32 s12, s11;
	s8 =	sshrl.u32 s8, $0x3;
	s9 =	sadd.s32 s30, s10  }
0xe: {  	s10 =	simm.s32 $0x3;
	s11 =	simm.s32 $0x2800;
	s4 =	sadd.s32 $0x46200, s6  }
0xf: {  	s6 =	sadd.s32 s12, s26;
	s7 =	sadd.s32 $0x27800, s31;
	s8 =	sadd.s32 s8, s12  }
0x10: {  	s9 =	sadd.s32 $0x800, s9;
	s12 =	simm.s32 $0x80;
	s6 =	sadd.s32 $0x27000, s6  }
.LBB2_1:
0x11: {  	[tilespmem:s2], [sflag:$0x3] =	stream.linear.gather [hbm4b:s4+s2], $0x2800, $0x38;
	[tilespmem:$0xA800] =	vst v63  }
0x12: {  	_ =	swait.ge [sflag:s10], $0x2800  }
0x13: {  	[sflag:s10] =	ssyncset.done $0x0  }
0x14: {  	[sflag:s10] =	ssyncadd.s32 $0xFFFFD800  }
0x15: {  	[tilespmem:s11], [sflag:$0x1] =	stream.indirect.gather [hbm4b:s3+s12], $0x80, s2, s12, $0xb8;
	[tilespmem:$0xA800] =	vst v63  }
0x16: {  	_ = 	snop  }
0x17: {  	[tilespmem:s13], [sflag:$0x2] =	stream.indirect.gather [hbm4b:s3+s12], $0x80, s12, s12, $0xb8;
	[tilespmem:$0xA800] =	vst v63  }
0x18: {  	_ =	swait.ge [sflag:s14], $0x4000  }
0x19: {  	[sflag:s14] =	ssyncset.done $0x0  }
0x1a: {  	s18 =	sadd.s32 $0x0, s8;
	[sflag:s14] =	ssyncadd.s32 $0xFFFFC000  }
0x1b: {  	[hbm4b:s18+s2] =	stream.linear.scatter [tilespmem:s11], [sflag:$0x3], $0x4000, $0x38;
	[tilespmem:$0xA800] =	vst v63  }
0x1c: {  	_ =	swait.ge [sflag:s10], $0x4000  }
0x1d: {  	[sflag:s10] =	ssyncset.done $0x0  }
0x1e: {  	s30 =	simm.s32 $0x100;
	[sflag:s10] =	ssyncadd.s32 $0xFFFFC000  }
0x1f: {  	[tilespmem:s11], [sflag:$0x1] =	stream.indirect.gather [hbm4b:s3+s12], $0x80, s30, s12, $0xb8;
	[tilespmem:$0xA800] =	vst v63  }
0x20: {  	_ =	swait.ge [sflag:s15], $0x4000  }
0x21: {  	[sflag:s15] =	ssyncset.done $0x0  }
0x22: {  	s31 =	sadd.s32 $0x0, s9;
	[sflag:s15] =	ssyncadd.s32 $0xFFFFC000  }
0x23: {  	[hbm4b:s31+s2] =	stream.linear.scatter [tilespmem:s13], [sflag:$0x3], $0x4000, $0x38;
	[tilespmem:$0xA800] =	vst v63  }
0x24: {  	_ =	swait.ge [sflag:s10], $0x4000  }
0x25: {  	s19 =	simm.s32 $0x80;
	s18 =	simm.s32 $0x1000;
	[sflag:s10] =	ssyncset.done $0x0  }
.LBB2_2:
0x26: {  	p0 =	sne.s32 s18, $0x26000;
	[sflag:s10] =	ssyncadd.s32 $0xFFFFC000;
	s19 =	sadd.s32 $0x100, s19  }
0x27: {  	[tilespmem:s13], [sflag:$0x2] =	stream.indirect.gather [hbm4b:s3+s12], $0x80, s19, s12, $0xb8;
	[tilespmem:$0xA800] =	vst v63  }
0x28: {  	s20 =	smov.u32 s18;
	s18 =	sadd.s32 $0x1000, s18;
	_ =	swait.ge [sflag:s14], $0x4000  }
0x29: {  	[sflag:s14] =	ssyncset.done $0x0  }
0x2a: {  	s21 =	sadd.s32 s20, s8;
	[sflag:s14] =	ssyncadd.s32 $0xFFFFC000  }
0x2b: {  	[hbm4b:s21+s2] =	stream.linear.scatter [tilespmem:s11], [sflag:$0x3], $0x4000, $0x38;
	[tilespmem:$0xA800] =	vst v63  }
0x2c: {  	_ =	swait.ge [sflag:s10], $0x4000  }
0x2d: {  	[sflag:s10] =	ssyncset.done $0x0  }
0x2e: {  	s21 =	sadd.s32 $0x80, s19;
	[sflag:s10] =	ssyncadd.s32 $0xFFFFC000  }
0x2f: {  	[tilespmem:s11], [sflag:$0x1] =	stream.indirect.gather [hbm4b:s3+s12], $0x80, s21, s12, $0xb8;
	[tilespmem:$0xA800] =	vst v63  }
0x30: {  	_ =	swait.ge [sflag:s15], $0x4000  }
.Ltmp0:
0x31: {  	[sflag:s15] =	ssyncset.done $0x0;
	(pc) =	sbr.rel @p0 .LBB2_2-.Ltmp0, $4  }
0x32: {  	s20 =	sadd.s32 s20, s9;
	[sflag:s15] =	ssyncadd.s32 $0xFFFFC000  }
0x33: {  	[hbm4b:s20+s2] =	stream.linear.scatter [tilespmem:s13], [sflag:$0x3], $0x4000, $0x38;
	[tilespmem:$0xA800] =	vst v63  }
0x34: {  	_ =	swait.ge [sflag:s10], $0x4000  }
0x35: {  	[sflag:s10] =	ssyncset.done $0x0  }
0x36: {  	[sflag:s10] =	ssyncadd.s32 $0xFFFFC000  }
0x37: {  	[tilespmem:s13], [sflag:$0x2] =	stream.indirect.gather [hbm4b:s3+s12], $0x80, s16, s12, $0xb8;
	[tilespmem:$0xA800] =	vst v63  }
0x38: {  	_ =	swait.ge [sflag:s14], $0x4000  }
0x39: {  	[sflag:s14] =	ssyncset.done $0x0  }
0x3a: {  	[sflag:s14] =	ssyncadd.s32 $0xFFFFC000  }
0x3b: {  	[hbm4b:s6+s2] =	stream.linear.scatter [tilespmem:s11], [sflag:$0x3], $0x4000, $0x38;
	[tilespmem:$0xA800] =	vst v63  }
0x3c: {  	_ =	swait.ge [sflag:s10], $0x4000  }
0x3d: {  	[sflag:s10] =	ssyncset.done $0x0  }
0x3e: {  	[sflag:s10] =	ssyncadd.s32 $0xFFFFC000  }
0x3f: {  	s17 =	sadd.s32 $0x1, s17;
	_ =	swait.ge [sflag:s15], $0x4000  }
0x40: {  	p0 =	sne.s32 s17, s5;
	[sflag:s15] =	ssyncset.done $0x0  }
.Ltmp1:
0x41: {  	[sflag:s15] =	ssyncadd.s32 $0xFFFFC000;
	(pc) =	sbr.rel @p0 .LBB2_1-.Ltmp1, $4  }
0x42: {  	[hbm4b:s7+s2] =	stream.linear.scatter [tilespmem:s13], [sflag:$0x3], $0x4000, $0x38;
	[tilespmem:$0xA800] =	vst v63  }
0x43: {  	_ =	swait.ge [sflag:s10], $0x4000  }
0x44: {  	[sflag:s10] =	ssyncset.done $0x0  }
0x45: {  	[sflag:s10] =	ssyncadd.s32 $0xFFFFC000  }
0x46: {  	_ =	sfence.sel $0x180000  }
0x47: {  	[bflag:$0x0] =	sbarrier.arrive $0xFFFF  }
0x48: {  	p0 =	sne.s32 s1, $0x0;
	_ =	strace $0x90000047  }
0x49: {  	s0 =	sadd.s32 @!p0 $0x100000, s0;
	[bflag:$0x2] =	sbarrier.arrive $0xFFFF  }
0x4a: {  	[sflag:s0] =	ssyncadd.tile.s32 @!p0 $0x1;
	_ =	shalt  }
.Lfunc_end2:
_tile_overlayer_lowered:
.L_overlay_start_2:
0x4b: {  	(tag) =	ssettag $0x2  }
0x4c: {  	s0 =	rddreg [dreg:$0x0];
	s2 =	stileid.u32  }
0x4d: {  	s1 =	rddreg [dreg:$0x1];
	p0 =	sne.s32 s2, $0x0  }
0x4e: {  	s3 =	rddreg [dreg:$0x2];
	[bflag:$0x3] =	sbarrier.arrive $0xFFFF;
	s2 =	simm.s32 @!p0 $0x1C03  }
0x4f: {  	[timem:s3], [sflag:s2] =	dma.local @!p0 [hbm:s0], s1  }
0x50: {  	s0 =	simm.s32 @!p0 $0x3  }
0x51: {  	_ =	swait.ge @!p0 [sflag:s0], s1  }
0x52: {  	s1 =	ssub.s32 @!p0 $0x0, s1;
	[sflag:s0] =	ssyncset.done @!p0 $0x0  }
0x53: {  	[sflag:s0] =	ssyncadd.s32 @!p0 s1  }
0x54: {  	[bflag:$0x3] =	sbarrier.arrive $0xFFFF  }
0x55: {  	_ =	shalt  }

// kernel: kernel.23.cloned.1.call-start
scs
__scs_entry_jumppad:
0x0: {  	(pc) =	sbr.rel $0x88, $3  }
0x1: {  	(tag) =	ssettag $0x0;
	lr =	simm.s32 $0x1  }
0x2: {  	[smem:$0x3F91] =	sst lr;
	_ =	strace $0xD0000000  }
0x3: {  	_ = 	snop  }
0x4: {  	_ = 	snop  }
0x5: {  	_ = 	snop  }
0x6: {  	_ = 	snop  }
0x7: {  	_ = 	snop  }
__scs_overlays_trampoline_lowered:
0x8: {  	[smem:$0x3FA0] =	sst s0  }
0x9: {  	[smem:$0x3FA1] =	sst s1  }
0xa: {  	[smem:$0x3FA2] =	sst s2  }
0xb: {  	[smem:$0x3FA3] =	sst s3  }
0xc: {  	[smem:$0x3FA4] =	sst s4  }
0xd: {  	[smem:$0x3FA5] =	sst s5  }
0xe: {  	[smem:$0x3FA6] =	sst s6  }
0xf: {  	[smem:$0x3FA7] =	sst s7  }
0x10: {  	[smem:$0x3FA8] =	sst s8  }
0x11: {  	[smem:$0x3FA9] =	sst s9;
	s0 =	simm.s32 @!p0 $0x0  }
0x12: {  	s1 =	sld [smem:$0x3F8F];
	s0 =	simm.s32 @p0 $0x1  }
0x13: {  	[smem:$0x3FAA] =	sst s0;
	s0 =	simm.s32 @!p1 $0x0  }
0x14: {  	s2 =	sld [smem:$0x3F8E];
	s0 =	simm.s32 @p1 $0x1  }
0x15: {  	[smem:$0x3FAB] =	sst s0;
	s0 =	simm.s32 @!p2 $0x0  }
0x16: {  	s3 =	sld [smem:$0x3FDB];
	s0 =	simm.s32 @p2 $0x1  }
0x17: {  	s4 =	simm.s32 $0x1BF5;
	[smem:$0x3FAD] =	sst s0  }
0x18: {  	s0 =	sld [smem:$0x3F90];
	_ =	swait.ge [sflag:s4], $0x0  }
0x19: {  	s7 =	sld [smem:$0x3F91]  }
0x1a: {  	s8 =	sadd.s32 $0xFFFFE003, lr  }
0x1b: {  	s9 =	sadd.s32 $0xFFFFFEF7, lr;
	s5 =	simm.s32 $0xFFFFFFFF;
	p2 =	slt.u32 s8, $0xFFFFF086  }
0x1c: {  	p1 =	slt.u32 s9, $0xF7A;
	s5 =	simm.s32 @!p2 $0x0  }
0x1d: {  	s5 =	simm.s32 @p1 $0x1;
	p0 =	seq.s32 s7, s2  }
0x1e: {  	s7 =	smul.u32 @!p0 $0xF7A, s2;
	p2 =	seq.s32 @!p0 s5, $0x0  }
0x1f: {  	s9 =	smul.u32 $0xF7A, s1;
	s8 =	simm.s32 @!p0 $0x1BF5;
	p2 =	por !p2, p0  }
0x20: {  	[sflag:s8] =	ssyncset.s32 @!p0 $0xFFFFF086;
	s6 =	sadd.s32 @!p0 s3, s7;
	s7 =	simm.s32 @!p0 $0x108  }
0x21: {  	s3 =	sadd.s32 s3, s9;
	s6 =	sadd.s32 @!p0 $0x88, s6;
	s7 =	simm.s32 @p2 $0x1082  }
0x22: {  	[simem:s7], [sflag:s8] =	dma.local @!p0 [hbm:s6], $0xF7A  }
0x23: {  	s9 =	sor.u32 $0xD0000000, s2;
	s6 =	simm.s32 $0x108;
	_ =	swait.ge @!p0 [sflag:s8], $0x0  }
0x24: {  	s3 =	sadd.s32 $0x88, s3;
	s6 =	simm.s32 @!p1 $0x1082;
	[sflag:s4] =	ssyncset.s32 $0xFFFFF086  }
0x25: {  	[simem:s6], [sflag:s4] =	dma.local [hbm:s3], $0xF7A  }
0x26: {  	[smem:$0x3F91] =	sst s1;
	(tag) =	ssettag s2;
	_ =	strace s9  }
0x27: {  	s1 =	sld [smem:$0x3FA1]  }
0x28: {  	s2 =	sld [smem:$0x3FA2]  }
0x29: {  	s4 =	sld [smem:$0x3FA4]  }
0x2a: {  	p0 =	seq.s32 s5, $0x0;
	s5 =	sld [smem:$0x3FA5]  }
0x2b: {  	s6 =	sld [smem:$0x3FA6]  }
0x2c: {  	s7 =	sld [smem:$0x3FA7]  }
0x2d: {  	s3 =	simm.s32 $0x108;
	s8 =	sld [smem:$0x3FA8]  }
0x2e: {  	s3 =	simm.s32 @!p0 $0x1082;
	s9 =	sld [smem:$0x3FA9]  }
0x2f: {  	lr =	sadd.s32 s0, s3;
	s0 =	sld [smem:$0x3FA0]  }
0x30: {  	s3 =	sld [smem:$0x3FA3]  }
0x31: {  	[smem:$0x3FAC] =	sst s10  }
0x32: {  	s10 =	sld [smem:$0x3FAA];
	_ =	sdelay $0x3  }
0x33: {  	p0 =	seq.s32 s10, $0x1;
	s10 =	sld [smem:$0x3FAC];
	_ =	sdelay $0x3  }
0x34: {  	[smem:$0x3FAC] =	sst s10  }
0x35: {  	s10 =	sld [smem:$0x3FAB];
	_ =	sdelay $0x3  }
0x36: {  	p1 =	seq.s32 s10, $0x1;
	s10 =	sld [smem:$0x3FAC];
	_ =	sdelay $0x3  }
0x37: {  	[smem:$0x3FAC] =	sst s10  }
0x38: {  	s10 =	sld [smem:$0x3FAD]  }
0x39: {  	_ = 	snop;
	(pc) =	sbr.ind lr, $3  }
0x3a: {  	_ = 	snop  }
0x3b: {  	_ = 	snop  }
0x3c: {  	p2 =	seq.s32 s10, $0x1;
	s10 =	sld [smem:$0x3FAC]  }
0x3d: {  	_ =	shalt  }
0x3e: {  	_ =	shalt  }
0x3f: {  	_ =	shalt  }
0x40: {  	_ =	shalt  }
0x41: {  	_ =	shalt  }
0x42: {  	_ =	shalt  }
0x43: {  	_ =	shalt  }
0x44: {  	_ =	shalt  }
0x45: {  	_ =	shalt  }
0x46: {  	_ =	shalt  }
0x47: {  	_ =	shalt  }
0x48: {  	_ =	shalt  }
0x49: {  	_ =	shalt  }
0x4a: {  	_ =	shalt  }
0x4b: {  	_ =	shalt  }
0x4c: {  	_ =	shalt  }
0x4d: {  	_ =	shalt  }
0x4e: {  	_ =	shalt  }
0x4f: {  	_ =	shalt  }
0x50: {  	_ =	shalt  }
0x51: {  	_ =	shalt  }
0x52: {  	_ =	shalt  }
0x53: {  	_ =	shalt  }
0x54: {  	_ =	shalt  }
0x55: {  	_ =	shalt  }
0x56: {  	_ =	shalt  }
0x57: {  	_ =	shalt  }
0x58: {  	_ =	shalt  }
0x59: {  	_ =	shalt  }
0x5a: {  	_ =	shalt  }
0x5b: {  	_ =	shalt  }
0x5c: {  	_ =	shalt  }
0x5d: {  	_ =	shalt  }
0x5e: {  	_ =	shalt  }
0x5f: {  	_ =	shalt  }
0x60: {  	_ =	shalt  }
0x61: {  	_ =	shalt  }
0x62: {  	_ =	shalt  }
0x63: {  	_ =	shalt  }
0x64: {  	_ =	shalt  }
0x65: {  	_ =	shalt  }
0x66: {  	_ =	shalt  }
0x67: {  	_ =	shalt  }
0x68: {  	_ =	shalt  }
0x69: {  	_ =	shalt  }
0x6a: {  	_ =	shalt  }
0x6b: {  	_ =	shalt  }
0x6c: {  	_ =	shalt  }
0x6d: {  	_ =	shalt  }
0x6e: {  	_ =	shalt  }
0x6f: {  	_ =	shalt  }
0x70: {  	_ =	shalt  }
0x71: {  	_ =	shalt  }
0x72: {  	_ =	shalt  }
0x73: {  	_ =	shalt  }
0x74: {  	_ =	shalt  }
0x75: {  	_ =	shalt  }
0x76: {  	_ =	shalt  }
0x77: {  	_ =	shalt  }
0x78: {  	_ =	shalt  }
0x79: {  	_ =	shalt  }
0x7a: {  	_ =	shalt  }
0x7b: {  	_ =	shalt  }
0x7c: {  	_ =	shalt  }
0x7d: {  	_ =	shalt  }
0x7e: {  	_ =	shalt  }
0x7f: {  	_ =	shalt  }
0x80: {  	_ =	shalt  }
0x81: {  	_ =	shalt  }
0x82: {  	_ =	shalt  }
0x83: {  	_ =	shalt  }
0x84: {  	_ =	shalt  }
0x85: {  	_ =	shalt  }
0x86: {  	_ =	shalt  }
0x87: {  	_ =	shalt  }
.Lfunc_end0:
.L_simem_size_0:
called_computation.1_lowered:
.L_overlay_start_0:
0x88: {  	s2 =	sld [smem:$0x3FD9]  }
0x89: {  	s3 =	sld [smem:$0x3FFE];
	_ =	sdelay $0x1  }
0x8a: {  	s1 =	srdreg.scid  }
0x8b: {  	s0 =	sand.u32 $0x1, s1  }
0x8c: {  	s16 =	sshll.u32 s0, $0xA;
	s2 =	sadd.s32 s3, s2  }
0x8d: {  	s2 =	sadd.s32 s2, s16  }
0x8e: {  	[smem:$0x3FB8] =	sst s2  }
0x8f: {  	_ = 	snop  }
0x90: {  	(tm) =	ssettm $0x1  }
0x91: {  	s17 =	sld [smem:$0x3FFB];
	_ =	sdelay $0x3  }
0x92: {  	_ =	strace s17  }
0x93: {  	s2 =	sld [smem:$0x3FFC];
	_ =	sdelay $0x3  }
0x94: {  	_ =	strace s2  }
0x95: {  	s2 =	sld [smem:$0x3FFD];
	_ =	sdelay $0x3  }
0x96: {  	_ =	strace s2  }
0x97: {  	_ =	strace $0x8FFFFFFF  }
0x98: {  	s18 =	sld [smem:$0x3FDB];
	_ =	sdelay $0x1  }
0x99: {  	s19 =	simm.s32 $_scs_section_size  }
0x9a: {  	s4 =	simm.s32 $_size__tile_overlayer_lowered;
	s5 =	simm.s32 $_tile_overlayer_lowered  }
0x9b: {  	s22 =	simm.s32 $0x1BFF;
	s21 =	sshll.u32 s5, $0x1;
	s2 =	sadd.s32 s19, s18  }
0x9c: {  	s6 =	simm.s32 $0x0;
	s20 =	sshll.u32 s4, $0x1;
	s4 =	sadd.s32 s21, s2  }
0x9d: {  	[timem:s6], [sflag:s22] =	dma.local [hbm:s4], s20  }
0x9e: {  	_ =	swait.ge [sflag:s22], s20  }
0x9f: {  	s3 =	ssub.s32 $0x0, s20;
	[sflag:s22] =	ssyncset.done $0x0  }
0xa0: {  	[sflag:s22] =	ssyncadd.s32 s3;
	_ =	sdelay $0x1  }
0xa1: {  	s23 =	simm.s32 $0x1B8B  }
0xa2: {  	_ =	swait.ge [sflag:s23], $0x1  }
0xa3: {  	[sflag:s23] =	ssyncset.done $0x0  }
0xa4: {  	s25 =	simm.s32 $0x1B8E;
	s24 =	sld [smem:$0x3FFE];
	[sflag:s23] =	ssyncadd.s32 $0xFFFFFFFF  }
0xa5: {  	s26 =	simm.s32 $execute0_lowered;
	[smem:$0x3FD2] =	sst s25  }
0xa6: {  	s4 =	sshll.u32 s26, $0x1;
	_ =	strace $0x80000049;
	[dreg:$0x1] =	wrdreg $0xFFFFFFFF  }
0xa7: {  	s28 =	simm.s32 $_size_execute0_lowered;
	s2 =	sadd.s32 s2, s4;
	[dreg:$0x0] =	wrdreg $0x0  }
0xa8: {  	s4 =	sshll.u32 s28, $0x1;
	[dreg:$0x2] =	wrdreg s2  }
0xa9: {  	[dreg:$0x3] =	wrdreg s4  }
0xaa: {  	[dreg:$0x4] =	wrdreg $0xC0  }
0xab: {  	_ =	task [dreg:s6], $0x5FFFF  }
0xac: {  	[dreg:$0x1] =	wrdreg $0xFFFFFFFF  }
0xad: {  	[dreg:$0x0] =	wrdreg $0x60  }
0xae: {  	[dreg:$0x2] =	wrdreg s24  }
0xaf: {  	[dreg:$0x3] =	wrdreg $0x9  }
0xb0: {  	_ =	task.clear_ibuf [dreg:s6], $0x4FFFF;
	_ =	strace $0x90000049  }
0xb1: {  	s29 =	simm.s32 $0x9;
	_ =	strace $0x8000004B  }
0xb2: {  	_ =	swait.ge [sflag:s29], $0x1  }
0xb3: {  	[sflag:s29] =	ssyncadd.s32 $0xFFFFFFFF  }
0xb4: {  	_ =	strace $0x9000004B  }
0xb5: {  	_ =	sfence  }
0xb6: {  	s30 =	sld [smem:$0x0];
	_ =	sdelay $0x2  }
0xb7: {  	s31 =	sshll.u32 s1, $0xD;
	s1 =	sshrl.u32 s1, $0x2  }
0xb8: {  	s3 =	sand.u32 $0x4000, s31;
	s1 =	sadd.s32 s1, s30  }
0xb9: {  	s0 =	sor.u32 s3, s0;
	s1 =	sshll.u32 s1, $0x11  }
0xba: {  	s0 =	sor.u32 s1, s0  }
0xbb: {  	s0 =	sadd.s32 $0x8F2B, s0  }
0xbc: {  	[sflag:s0] =	ssyncadd.remote.s32 $0x1  }
0xbd: {  	_ =	sfence.sel $0xFFFF  }
0xbe: {  	[dreg:$0x0] =	wrdreg $0xFFFFFFFF;
	(pc) =	sbr.abs _section_cstart, $3  }
0xbf: {  	[dreg:$0x1] =	wrdreg $0xFFFFFFFF  }
0xc0: {  	_ =	task.clear_ibuf [dreg:s6], $0x2FFFF;
	_ =	strace $0x9FFFFFFF  }
0xc1: {  	(tm) =	ssettm $0x7FFFFFFF  }
tec
execute0_lowered:
.L_overlay_start_1:
0x0: {  	(tag) =	ssettag $0x1  }
0x1: {  	s4 =	rddreg [dreg:$0x0]  }
0x2: {  	s0 =	rddreg [dreg:$0x1]  }
0x3: {  	s3 =	srdreg.scid;
	s1 =	stileid.u32;
	s2 =	simm.s32 $0x0  }
0x4: {  	s13 =	simm.s32 $0x6800;
	s14 =	simm.s32 $0x1;
	s25 =	smul.u32 $0x280000, s1  }
0x5: {  	s15 =	simm.s32 $0x2;
	s7 =	sand.u32 $0x1, s3;
	s29 =	smul.u32 $0x50000, s1  }
0x6: {  	s16 =	simm.s32 $0x2780;
	s23 =	sshll.u32 s1, $0x1;
	s28 =	smul.u32 $0x140000, s7  }
0x7: {  	s17 =	simm.s32 $0x0;
	s5 =	sor.u32 s7, s23;
	s30 =	smul.u32 $0x28000, s7  }
0x8: {  	[smem:$0x7FF] =	sst s2;
	s3 =	sadd.s32 $0x46200, s4;
	s6 =	smul.u32 $0x500, s5  }
0x9: {  	s12 =	sadd.s32 $0x90200, s4;
	s8 =	ssub.s32 $0x2, s7;
	s9 =	smul.u32 $0x140000, s5  }
0xa: {  	_ =	strace $0x8000004A;
	s10 =	sshrl.u32 s8, $0x1;
	s11 =	smul.u32 $0x28000, s5  }
0xb: {  	s24 =	ssub.s32 s8, s10;
	s8 =	sadd.s32 s28, s25;
	s10 =	sadd.s32 s29, s12  }
0xc: {  	s6 =	sadd.s32 s6, s4;
	s26 =	sshrl.u32 s9, $0x3;
	s5 =	smax.u32 s24, $0x1  }
0xd: {  	s31 =	sadd.s32 s12, s11;
	s8 =	sshrl.u32 s8, $0x3;
	s9 =	sadd.s32 s30, s10  }
0xe: {  	s10 =	simm.s32 $0x3;
	s11 =	simm.s32 $0x2800;
	s4 =	sadd.s32 $0x86200, s6  }
0xf: {  	s6 =	sadd.s32 s12, s26;
	s7 =	sadd.s32 $0x27800, s31;
	s8 =	sadd.s32 s8, s12  }
0x10: {  	s9 =	sadd.s32 $0x800, s9;
	s12 =	simm.s32 $0x80;
	s6 =	sadd.s32 $0x27000, s6  }
.LBB2_1:
0x11: {  	[tilespmem:s2], [sflag:$0x3] =	stream.linear.gather [hbm4b:s4+s2], $0x2800, $0x38;
	[tilespmem:$0xA800] =	vst v63  }
0x12: {  	_ =	swait.ge [sflag:s10], $0x2800  }
0x13: {  	[sflag:s10] =	ssyncset.done $0x0  }
0x14: {  	[sflag:s10] =	ssyncadd.s32 $0xFFFFD800  }
0x15: {  	[tilespmem:s11], [sflag:$0x1] =	stream.indirect.gather [hbm4b:s3+s12], $0x80, s2, s12, $0xb8;
	[tilespmem:$0xA800] =	vst v63  }
0x16: {  	_ = 	snop  }
0x17: {  	[tilespmem:s13], [sflag:$0x2] =	stream.indirect.gather [hbm4b:s3+s12], $0x80, s12, s12, $0xb8;
	[tilespmem:$0xA800] =	vst v63  }
0x18: {  	_ =	swait.ge [sflag:s14], $0x4000  }
0x19: {  	[sflag:s14] =	ssyncset.done $0x0  }
0x1a: {  	s18 =	sadd.s32 $0x0, s8;
	[sflag:s14] =	ssyncadd.s32 $0xFFFFC000  }
0x1b: {  	[hbm4b:s18+s2] =	stream.linear.scatter [tilespmem:s11], [sflag:$0x3], $0x4000, $0x38;
	[tilespmem:$0xA800] =	vst v63  }
0x1c: {  	_ =	swait.ge [sflag:s10], $0x4000  }
0x1d: {  	[sflag:s10] =	ssyncset.done $0x0  }
0x1e: {  	s30 =	simm.s32 $0x100;
	[sflag:s10] =	ssyncadd.s32 $0xFFFFC000  }
0x1f: {  	[tilespmem:s11], [sflag:$0x1] =	stream.indirect.gather [hbm4b:s3+s12], $0x80, s30, s12, $0xb8;
	[tilespmem:$0xA800] =	vst v63  }
0x20: {  	_ =	swait.ge [sflag:s15], $0x4000  }
0x21: {  	[sflag:s15] =	ssyncset.done $0x0  }
0x22: {  	s31 =	sadd.s32 $0x0, s9;
	[sflag:s15] =	ssyncadd.s32 $0xFFFFC000  }
0x23: {  	[hbm4b:s31+s2] =	stream.linear.scatter [tilespmem:s13], [sflag:$0x3], $0x4000, $0x38;
	[tilespmem:$0xA800] =	vst v63  }
0x24: {  	_ =	swait.ge [sflag:s10], $0x4000  }
0x25: {  	s19 =	simm.s32 $0x80;
	s18 =	simm.s32 $0x1000;
	[sflag:s10] =	ssyncset.done $0x0  }
.LBB2_2:
0x26: {  	p0 =	sne.s32 s18, $0x26000;
	[sflag:s10] =	ssyncadd.s32 $0xFFFFC000;
	s19 =	sadd.s32 $0x100, s19  }
0x27: {  	[tilespmem:s13], [sflag:$0x2] =	stream.indirect.gather [hbm4b:s3+s12], $0x80, s19, s12, $0xb8;
	[tilespmem:$0xA800] =	vst v63  }
0x28: {  	s20 =	smov.u32 s18;
	s18 =	sadd.s32 $0x1000, s18;
	_ =	swait.ge [sflag:s14], $0x4000  }
0x29: {  	[sflag:s14] =	ssyncset.done $0x0  }
0x2a: {  	s21 =	sadd.s32 s20, s8;
	[sflag:s14] =	ssyncadd.s32 $0xFFFFC000  }
0x2b: {  	[hbm4b:s21+s2] =	stream.linear.scatter [tilespmem:s11], [sflag:$0x3], $0x4000, $0x38;
	[tilespmem:$0xA800] =	vst v63  }
0x2c: {  	_ =	swait.ge [sflag:s10], $0x4000  }
0x2d: {  	[sflag:s10] =	ssyncset.done $0x0  }
0x2e: {  	s21 =	sadd.s32 $0x80, s19;
	[sflag:s10] =	ssyncadd.s32 $0xFFFFC000  }
0x2f: {  	[tilespmem:s11], [sflag:$0x1] =	stream.indirect.gather [hbm4b:s3+s12], $0x80, s21, s12, $0xb8;
	[tilespmem:$0xA800] =	vst v63  }
0x30: {  	_ =	swait.ge [sflag:s15], $0x4000  }
.Ltmp0:
0x31: {  	[sflag:s15] =	ssyncset.done $0x0;
	(pc) =	sbr.rel @p0 .LBB2_2-.Ltmp0, $4  }
0x32: {  	s20 =	sadd.s32 s20, s9;
	[sflag:s15] =	ssyncadd.s32 $0xFFFFC000  }
0x33: {  	[hbm4b:s20+s2] =	stream.linear.scatter [tilespmem:s13], [sflag:$0x3], $0x4000, $0x38;
	[tilespmem:$0xA800] =	vst v63  }
0x34: {  	_ =	swait.ge [sflag:s10], $0x4000  }
0x35: {  	[sflag:s10] =	ssyncset.done $0x0  }
0x36: {  	[sflag:s10] =	ssyncadd.s32 $0xFFFFC000  }
0x37: {  	[tilespmem:s13], [sflag:$0x2] =	stream.indirect.gather [hbm4b:s3+s12], $0x80, s16, s12, $0xb8;
	[tilespmem:$0xA800] =	vst v63  }
0x38: {  	_ =	swait.ge [sflag:s14], $0x4000  }
0x39: {  	[sflag:s14] =	ssyncset.done $0x0  }
0x3a: {  	[sflag:s14] =	ssyncadd.s32 $0xFFFFC000  }
0x3b: {  	[hbm4b:s6+s2] =	stream.linear.scatter [tilespmem:s11], [sflag:$0x3], $0x4000, $0x38;
	[tilespmem:$0xA800] =	vst v63  }
0x3c: {  	_ =	swait.ge [sflag:s10], $0x4000  }
0x3d: {  	[sflag:s10] =	ssyncset.done $0x0  }
0x3e: {  	[sflag:s10] =	ssyncadd.s32 $0xFFFFC000  }
0x3f: {  	s17 =	sadd.s32 $0x1, s17;
	_ =	swait.ge [sflag:s15], $0x4000  }
0x40: {  	p0 =	sne.s32 s17, s5;
	[sflag:s15] =	ssyncset.done $0x0  }
.Ltmp1:
0x41: {  	[sflag:s15] =	ssyncadd.s32 $0xFFFFC000;
	(pc) =	sbr.rel @p0 .LBB2_1-.Ltmp1, $4  }
0x42: {  	[hbm4b:s7+s2] =	stream.linear.scatter [tilespmem:s13], [sflag:$0x3], $0x4000, $0x38;
	[tilespmem:$0xA800] =	vst v63  }
0x43: {  	_ =	swait.ge [sflag:s10], $0x4000  }
0x44: {  	[sflag:s10] =	ssyncset.done $0x0  }
0x45: {  	[sflag:s10] =	ssyncadd.s32 $0xFFFFC000  }
0x46: {  	_ =	sfence.sel $0x180000  }
0x47: {  	[bflag:$0x0] =	sbarrier.arrive $0xFFFF  }
0x48: {  	p0 =	sne.s32 s1, $0x0;
	_ =	strace $0x9000004A  }
0x49: {  	s0 =	sadd.s32 @!p0 $0x100000, s0;
	[bflag:$0x2] =	sbarrier.arrive $0xFFFF  }
0x4a: {  	[sflag:s0] =	ssyncadd.tile.s32 @!p0 $0x1;
	_ =	shalt  }
.Lfunc_end2:
_tile_overlayer_lowered:
.L_overlay_start_2:
0x4b: {  	(tag) =	ssettag $0x2  }
0x4c: {  	s0 =	rddreg [dreg:$0x0];
	s2 =	stileid.u32  }
0x4d: {  	s1 =	rddreg [dreg:$0x1];
	p0 =	sne.s32 s2, $0x0  }
0x4e: {  	s3 =	rddreg [dreg:$0x2];
	[bflag:$0x3] =	sbarrier.arrive $0xFFFF;
	s2 =	simm.s32 @!p0 $0x1C03  }
0x4f: {  	[timem:s3], [sflag:s2] =	dma.local @!p0 [hbm:s0], s1  }
0x50: {  	s0 =	simm.s32 @!p0 $0x3  }
0x51: {  	_ =	swait.ge @!p0 [sflag:s0], s1  }
0x52: {  	s1 =	ssub.s32 @!p0 $0x0, s1;
	[sflag:s0] =	ssyncset.done @!p0 $0x0  }
0x53: {  	[sflag:s0] =	ssyncadd.s32 @!p0 s1  }
0x54: {  	[bflag:$0x3] =	sbarrier.arrive $0xFFFF  }
0x55: {  	_ =	shalt  }

// kernel: kernel.26.cloned.1.call-start
scs
__scs_entry_jumppad:
0x0: {  	(pc) =	sbr.rel $0x88, $3  }
0x1: {  	(tag) =	ssettag $0x0;
	lr =	simm.s32 $0x1  }
0x2: {  	[smem:$0x3F91] =	sst lr;
	_ =	strace $0xD0000000  }
0x3: {  	_ = 	snop  }
0x4: {  	_ = 	snop  }
0x5: {  	_ = 	snop  }
0x6: {  	_ = 	snop  }
0x7: {  	_ = 	snop  }
__scs_overlays_trampoline_lowered:
0x8: {  	[smem:$0x3FA0] =	sst s0  }
0x9: {  	[smem:$0x3FA1] =	sst s1  }
0xa: {  	[smem:$0x3FA2] =	sst s2  }
0xb: {  	[smem:$0x3FA3] =	sst s3  }
0xc: {  	[smem:$0x3FA4] =	sst s4  }
0xd: {  	[smem:$0x3FA5] =	sst s5  }
0xe: {  	[smem:$0x3FA6] =	sst s6  }
0xf: {  	[smem:$0x3FA7] =	sst s7  }
0x10: {  	[smem:$0x3FA8] =	sst s8  }
0x11: {  	[smem:$0x3FA9] =	sst s9;
	s0 =	simm.s32 @!p0 $0x0  }
0x12: {  	s1 =	sld [smem:$0x3F8F];
	s0 =	simm.s32 @p0 $0x1  }
0x13: {  	[smem:$0x3FAA] =	sst s0;
	s0 =	simm.s32 @!p1 $0x0  }
0x14: {  	s2 =	sld [smem:$0x3F8E];
	s0 =	simm.s32 @p1 $0x1  }
0x15: {  	[smem:$0x3FAB] =	sst s0;
	s0 =	simm.s32 @!p2 $0x0  }
0x16: {  	s3 =	sld [smem:$0x3FDB];
	s0 =	simm.s32 @p2 $0x1  }
0x17: {  	s4 =	simm.s32 $0x1BF5;
	[smem:$0x3FAD] =	sst s0  }
0x18: {  	s0 =	sld [smem:$0x3F90];
	_ =	swait.ge [sflag:s4], $0x0  }
0x19: {  	s7 =	sld [smem:$0x3F91]  }
0x1a: {  	s8 =	sadd.s32 $0xFFFFE003, lr  }
0x1b: {  	s9 =	sadd.s32 $0xFFFFFEF7, lr;
	s5 =	simm.s32 $0xFFFFFFFF;
	p2 =	slt.u32 s8, $0xFFFFF086  }
0x1c: {  	p1 =	slt.u32 s9, $0xF7A;
	s5 =	simm.s32 @!p2 $0x0  }
0x1d: {  	s5 =	simm.s32 @p1 $0x1;
	p0 =	seq.s32 s7, s2  }
0x1e: {  	s7 =	smul.u32 @!p0 $0xF7A, s2;
	p2 =	seq.s32 @!p0 s5, $0x0  }
0x1f: {  	s9 =	smul.u32 $0xF7A, s1;
	s8 =	simm.s32 @!p0 $0x1BF5;
	p2 =	por !p2, p0  }
0x20: {  	[sflag:s8] =	ssyncset.s32 @!p0 $0xFFFFF086;
	s6 =	sadd.s32 @!p0 s3, s7;
	s7 =	simm.s32 @!p0 $0x108  }
0x21: {  	s3 =	sadd.s32 s3, s9;
	s6 =	sadd.s32 @!p0 $0x88, s6;
	s7 =	simm.s32 @p2 $0x1082  }
0x22: {  	[simem:s7], [sflag:s8] =	dma.local @!p0 [hbm:s6], $0xF7A  }
0x23: {  	s9 =	sor.u32 $0xD0000000, s2;
	s6 =	simm.s32 $0x108;
	_ =	swait.ge @!p0 [sflag:s8], $0x0  }
0x24: {  	s3 =	sadd.s32 $0x88, s3;
	s6 =	simm.s32 @!p1 $0x1082;
	[sflag:s4] =	ssyncset.s32 $0xFFFFF086  }
0x25: {  	[simem:s6], [sflag:s4] =	dma.local [hbm:s3], $0xF7A  }
0x26: {  	[smem:$0x3F91] =	sst s1;
	(tag) =	ssettag s2;
	_ =	strace s9  }
0x27: {  	s1 =	sld [smem:$0x3FA1]  }
0x28: {  	s2 =	sld [smem:$0x3FA2]  }
0x29: {  	s4 =	sld [smem:$0x3FA4]  }
0x2a: {  	p0 =	seq.s32 s5, $0x0;
	s5 =	sld [smem:$0x3FA5]  }
0x2b: {  	s6 =	sld [smem:$0x3FA6]  }
0x2c: {  	s7 =	sld [smem:$0x3FA7]  }
0x2d: {  	s3 =	simm.s32 $0x108;
	s8 =	sld [smem:$0x3FA8]  }
0x2e: {  	s3 =	simm.s32 @!p0 $0x1082;
	s9 =	sld [smem:$0x3FA9]  }
0x2f: {  	lr =	sadd.s32 s0, s3;
	s0 =	sld [smem:$0x3FA0]  }
0x30: {  	s3 =	sld [smem:$0x3FA3]  }
0x31: {  	[smem:$0x3FAC] =	sst s10  }
0x32: {  	s10 =	sld [smem:$0x3FAA];
	_ =	sdelay $0x3  }
0x33: {  	p0 =	seq.s32 s10, $0x1;
	s10 =	sld [smem:$0x3FAC];
	_ =	sdelay $0x3  }
0x34: {  	[smem:$0x3FAC] =	sst s10  }
0x35: {  	s10 =	sld [smem:$0x3FAB];
	_ =	sdelay $0x3  }
0x36: {  	p1 =	seq.s32 s10, $0x1;
	s10 =	sld [smem:$0x3FAC];
	_ =	sdelay $0x3  }
0x37: {  	[smem:$0x3FAC] =	sst s10  }
0x38: {  	s10 =	sld [smem:$0x3FAD]  }
0x39: {  	_ = 	snop;
	(pc) =	sbr.ind lr, $3  }
0x3a: {  	_ = 	snop  }
0x3b: {  	_ = 	snop  }
0x3c: {  	p2 =	seq.s32 s10, $0x1;
	s10 =	sld [smem:$0x3FAC]  }
0x3d: {  	_ =	shalt  }
0x3e: {  	_ =	shalt  }
0x3f: {  	_ =	shalt  }
0x40: {  	_ =	shalt  }
0x41: {  	_ =	shalt  }
0x42: {  	_ =	shalt  }
0x43: {  	_ =	shalt  }
0x44: {  	_ =	shalt  }
0x45: {  	_ =	shalt  }
0x46: {  	_ =	shalt  }
0x47: {  	_ =	shalt  }
0x48: {  	_ =	shalt  }
0x49: {  	_ =	shalt  }
0x4a: {  	_ =	shalt  }
0x4b: {  	_ =	shalt  }
0x4c: {  	_ =	shalt  }
0x4d: {  	_ =	shalt  }
0x4e: {  	_ =	shalt  }
0x4f: {  	_ =	shalt  }
0x50: {  	_ =	shalt  }
0x51: {  	_ =	shalt  }
0x52: {  	_ =	shalt  }
0x53: {  	_ =	shalt  }
0x54: {  	_ =	shalt  }
0x55: {  	_ =	shalt  }
0x56: {  	_ =	shalt  }
0x57: {  	_ =	shalt  }
0x58: {  	_ =	shalt  }
0x59: {  	_ =	shalt  }
0x5a: {  	_ =	shalt  }
0x5b: {  	_ =	shalt  }
0x5c: {  	_ =	shalt  }
0x5d: {  	_ =	shalt  }
0x5e: {  	_ =	shalt  }
0x5f: {  	_ =	shalt  }
0x60: {  	_ =	shalt  }
0x61: {  	_ =	shalt  }
0x62: {  	_ =	shalt  }
0x63: {  	_ =	shalt  }
0x64: {  	_ =	shalt  }
0x65: {  	_ =	shalt  }
0x66: {  	_ =	shalt  }
0x67: {  	_ =	shalt  }
0x68: {  	_ =	shalt  }
0x69: {  	_ =	shalt  }
0x6a: {  	_ =	shalt  }
0x6b: {  	_ =	shalt  }
0x6c: {  	_ =	shalt  }
0x6d: {  	_ =	shalt  }
0x6e: {  	_ =	shalt  }
0x6f: {  	_ =	shalt  }
0x70: {  	_ =	shalt  }
0x71: {  	_ =	shalt  }
0x72: {  	_ =	shalt  }
0x73: {  	_ =	shalt  }
0x74: {  	_ =	shalt  }
0x75: {  	_ =	shalt  }
0x76: {  	_ =	shalt  }
0x77: {  	_ =	shalt  }
0x78: {  	_ =	shalt  }
0x79: {  	_ =	shalt  }
0x7a: {  	_ =	shalt  }
0x7b: {  	_ =	shalt  }
0x7c: {  	_ =	shalt  }
0x7d: {  	_ =	shalt  }
0x7e: {  	_ =	shalt  }
0x7f: {  	_ =	shalt  }
0x80: {  	_ =	shalt  }
0x81: {  	_ =	shalt  }
0x82: {  	_ =	shalt  }
0x83: {  	_ =	shalt  }
0x84: {  	_ =	shalt  }
0x85: {  	_ =	shalt  }
0x86: {  	_ =	shalt  }
0x87: {  	_ =	shalt  }
.Lfunc_end0:
.L_simem_size_0:
called_computation.2_lowered:
.L_overlay_start_0:
0x88: {  	s2 =	sld [smem:$0x3FD9]  }
0x89: {  	s3 =	sld [smem:$0x3FFE];
	_ =	sdelay $0x1  }
0x8a: {  	s1 =	srdreg.scid  }
0x8b: {  	s0 =	sand.u32 $0x1, s1  }
0x8c: {  	s16 =	sshll.u32 s0, $0xA;
	s2 =	sadd.s32 s3, s2  }
0x8d: {  	s2 =	sadd.s32 s2, s16  }
0x8e: {  	[smem:$0x3FB8] =	sst s2  }
0x8f: {  	_ = 	snop  }
0x90: {  	(tm) =	ssettm $0x1  }
0x91: {  	s17 =	sld [smem:$0x3FFB];
	_ =	sdelay $0x3  }
0x92: {  	_ =	strace s17  }
0x93: {  	s2 =	sld [smem:$0x3FFC];
	_ =	sdelay $0x3  }
0x94: {  	_ =	strace s2  }
0x95: {  	s2 =	sld [smem:$0x3FFD];
	_ =	sdelay $0x3  }
0x96: {  	_ =	strace s2  }
0x97: {  	_ =	strace $0x8FFFFFFF  }
0x98: {  	s18 =	sld [smem:$0x3FDB];
	_ =	sdelay $0x1  }
0x99: {  	s19 =	simm.s32 $_scs_section_size  }
0x9a: {  	s4 =	simm.s32 $_size__tile_overlayer_lowered;
	s5 =	simm.s32 $_tile_overlayer_lowered  }
0x9b: {  	s22 =	simm.s32 $0x1BFF;
	s21 =	sshll.u32 s5, $0x1;
	s2 =	sadd.s32 s19, s18  }
0x9c: {  	s6 =	simm.s32 $0x0;
	s20 =	sshll.u32 s4, $0x1;
	s4 =	sadd.s32 s21, s2  }
0x9d: {  	[timem:s6], [sflag:s22] =	dma.local [hbm:s4], s20  }
0x9e: {  	_ =	swait.ge [sflag:s22], s20  }
0x9f: {  	s3 =	ssub.s32 $0x0, s20;
	[sflag:s22] =	ssyncset.done $0x0  }
0xa0: {  	[sflag:s22] =	ssyncadd.s32 s3;
	_ =	sdelay $0x1  }
0xa1: {  	s23 =	simm.s32 $0x1B8B  }
0xa2: {  	_ =	swait.ge [sflag:s23], $0x1  }
0xa3: {  	[sflag:s23] =	ssyncset.done $0x0  }
0xa4: {  	s25 =	simm.s32 $0x1B8E;
	s24 =	sld [smem:$0x3FFE];
	[sflag:s23] =	ssyncadd.s32 $0xFFFFFFFF  }
0xa5: {  	s26 =	simm.s32 $execute0_lowered;
	[smem:$0x3FD2] =	sst s25  }
0xa6: {  	s4 =	sshll.u32 s26, $0x1;
	_ =	strace $0x8000004C;
	[dreg:$0x1] =	wrdreg $0xFFFFFFFF  }
0xa7: {  	s28 =	simm.s32 $_size_execute0_lowered;
	s2 =	sadd.s32 s2, s4;
	[dreg:$0x0] =	wrdreg $0x0  }
0xa8: {  	s4 =	sshll.u32 s28, $0x1;
	[dreg:$0x2] =	wrdreg s2  }
0xa9: {  	[dreg:$0x3] =	wrdreg s4  }
0xaa: {  	[dreg:$0x4] =	wrdreg $0xC0  }
0xab: {  	_ =	task [dreg:s6], $0x5FFFF  }
0xac: {  	[dreg:$0x1] =	wrdreg $0xFFFFFFFF  }
0xad: {  	[dreg:$0x0] =	wrdreg $0x60  }
0xae: {  	[dreg:$0x2] =	wrdreg s24  }
0xaf: {  	[dreg:$0x3] =	wrdreg $0x9  }
0xb0: {  	_ =	task.clear_ibuf [dreg:s6], $0x4FFFF;
	_ =	strace $0x9000004C  }
0xb1: {  	s29 =	simm.s32 $0x9;
	_ =	strace $0x8000004E  }
0xb2: {  	_ =	swait.ge [sflag:s29], $0x1  }
0xb3: {  	[sflag:s29] =	ssyncadd.s32 $0xFFFFFFFF  }
0xb4: {  	_ =	strace $0x9000004E  }
0xb5: {  	_ =	sfence  }
0xb6: {  	s30 =	sld [smem:$0x0];
	_ =	sdelay $0x2  }
0xb7: {  	s31 =	sshll.u32 s1, $0xD;
	s1 =	sshrl.u32 s1, $0x2  }
0xb8: {  	s3 =	sand.u32 $0x4000, s31;
	s1 =	sadd.s32 s1, s30  }
0xb9: {  	s0 =	sor.u32 s3, s0;
	s1 =	sshll.u32 s1, $0x11  }
0xba: {  	s0 =	sor.u32 s1, s0  }
0xbb: {  	s0 =	sadd.s32 $0x8F2B, s0  }
0xbc: {  	[sflag:s0] =	ssyncadd.remote.s32 $0x1  }
0xbd: {  	_ =	sfence.sel $0xFFFF  }
0xbe: {  	[dreg:$0x0] =	wrdreg $0xFFFFFFFF;
	(pc) =	sbr.abs _section_cstart, $3  }
0xbf: {  	[dreg:$0x1] =	wrdreg $0xFFFFFFFF  }
0xc0: {  	_ =	task.clear_ibuf [dreg:s6], $0x2FFFF;
	_ =	strace $0x9FFFFFFF  }
0xc1: {  	(tm) =	ssettm $0x7FFFFFFF  }
tec
execute0_lowered:
.L_overlay_start_1:
0x0: {  	(tag) =	ssettag $0x1  }
0x1: {  	s4 =	rddreg [dreg:$0x0]  }
0x2: {  	s0 =	rddreg [dreg:$0x1]  }
0x3: {  	s3 =	srdreg.scid;
	s1 =	stileid.u32;
	s2 =	simm.s32 $0x0  }
0x4: {  	s13 =	simm.s32 $0x6800;
	s14 =	simm.s32 $0x1;
	s25 =	smul.u32 $0x280000, s1  }
0x5: {  	s15 =	simm.s32 $0x2;
	s7 =	sand.u32 $0x1, s3;
	s29 =	smul.u32 $0x50000, s1  }
0x6: {  	s16 =	simm.s32 $0x2780;
	s23 =	sshll.u32 s1, $0x1;
	s28 =	smul.u32 $0x140000, s7  }
0x7: {  	s17 =	simm.s32 $0x0;
	s5 =	sor.u32 s7, s23;
	s30 =	smul.u32 $0x28000, s7  }
0x8: {  	[smem:$0x7FF] =	sst s2;
	s3 =	sadd.s32 $0x86200, s4;
	s6 =	smul.u32 $0x500, s5  }
0x9: {  	s12 =	sadd.s32 $0xD0200, s4;
	s8 =	ssub.s32 $0x2, s7;
	s9 =	smul.u32 $0x140000, s5  }
0xa: {  	_ =	strace $0x8000004D;
	s10 =	sshrl.u32 s8, $0x1;
	s11 =	smul.u32 $0x28000, s5  }
0xb: {  	s24 =	ssub.s32 s8, s10;
	s8 =	sadd.s32 s28, s25;
	s10 =	sadd.s32 s29, s12  }
0xc: {  	s6 =	sadd.s32 s6, s4;
	s26 =	sshrl.u32 s9, $0x3;
	s5 =	smax.u32 s24, $0x1  }
0xd: {  	s31 =	sadd.s32 s12, s11;
	s8 =	sshrl.u32 s8, $0x3;
	s9 =	sadd.s32 s30, s10  }
0xe: {  	s10 =	simm.s32 $0x3;
	s11 =	simm.s32 $0x2800;
	s4 =	sadd.s32 $0xC6200, s6  }
0xf: {  	s6 =	sadd.s32 s12, s26;
	s7 =	sadd.s32 $0x27800, s31;
	s8 =	sadd.s32 s8, s12  }
0x10: {  	s9 =	sadd.s32 $0x800, s9;
	s12 =	simm.s32 $0x80;
	s6 =	sadd.s32 $0x27000, s6  }
.LBB2_1:
0x11: {  	[tilespmem:s2], [sflag:$0x3] =	stream.linear.gather [hbm4b:s4+s2], $0x2800, $0x38;
	[tilespmem:$0xA800] =	vst v63  }
0x12: {  	_ =	swait.ge [sflag:s10], $0x2800  }
0x13: {  	[sflag:s10] =	ssyncset.done $0x0  }
0x14: {  	[sflag:s10] =	ssyncadd.s32 $0xFFFFD800  }
0x15: {  	[tilespmem:s11], [sflag:$0x1] =	stream.indirect.gather [hbm4b:s3+s12], $0x80, s2, s12, $0xb8;
	[tilespmem:$0xA800] =	vst v63  }
0x16: {  	_ = 	snop  }
0x17: {  	[tilespmem:s13], [sflag:$0x2] =	stream.indirect.gather [hbm4b:s3+s12], $0x80, s12, s12, $0xb8;
	[tilespmem:$0xA800] =	vst v63  }
0x18: {  	_ =	swait.ge [sflag:s14], $0x4000  }
0x19: {  	[sflag:s14] =	ssyncset.done $0x0  }
0x1a: {  	s18 =	sadd.s32 $0x0, s8;
	[sflag:s14] =	ssyncadd.s32 $0xFFFFC000  }
0x1b: {  	[hbm4b:s18+s2] =	stream.linear.scatter [tilespmem:s11], [sflag:$0x3], $0x4000, $0x38;
	[tilespmem:$0xA800] =	vst v63  }
0x1c: {  	_ =	swait.ge [sflag:s10], $0x4000  }
0x1d: {  	[sflag:s10] =	ssyncset.done $0x0  }
0x1e: {  	s30 =	simm.s32 $0x100;
	[sflag:s10] =	ssyncadd.s32 $0xFFFFC000  }
0x1f: {  	[tilespmem:s11], [sflag:$0x1] =	stream.indirect.gather [hbm4b:s3+s12], $0x80, s30, s12, $0xb8;
	[tilespmem:$0xA800] =	vst v63  }
0x20: {  	_ =	swait.ge [sflag:s15], $0x4000  }
0x21: {  	[sflag:s15] =	ssyncset.done $0x0  }
0x22: {  	s31 =	sadd.s32 $0x0, s9;
	[sflag:s15] =	ssyncadd.s32 $0xFFFFC000  }
0x23: {  	[hbm4b:s31+s2] =	stream.linear.scatter [tilespmem:s13], [sflag:$0x3], $0x4000, $0x38;
	[tilespmem:$0xA800] =	vst v63  }
0x24: {  	_ =	swait.ge [sflag:s10], $0x4000  }
0x25: {  	s19 =	simm.s32 $0x80;
	s18 =	simm.s32 $0x1000;
	[sflag:s10] =	ssyncset.done $0x0  }
.LBB2_2:
0x26: {  	p0 =	sne.s32 s18, $0x26000;
	[sflag:s10] =	ssyncadd.s32 $0xFFFFC000;
	s19 =	sadd.s32 $0x100, s19  }
0x27: {  	[tilespmem:s13], [sflag:$0x2] =	stream.indirect.gather [hbm4b:s3+s12], $0x80, s19, s12, $0xb8;
	[tilespmem:$0xA800] =	vst v63  }
0x28: {  	s20 =	smov.u32 s18;
	s18 =	sadd.s32 $0x1000, s18;
	_ =	swait.ge [sflag:s14], $0x4000  }
0x29: {  	[sflag:s14] =	ssyncset.done $0x0  }
0x2a: {  	s21 =	sadd.s32 s20, s8;
	[sflag:s14] =	ssyncadd.s32 $0xFFFFC000  }
0x2b: {  	[hbm4b:s21+s2] =	stream.linear.scatter [tilespmem:s11], [sflag:$0x3], $0x4000, $0x38;
	[tilespmem:$0xA800] =	vst v63  }
0x2c: {  	_ =	swait.ge [sflag:s10], $0x4000  }
0x2d: {  	[sflag:s10] =	ssyncset.done $0x0  }
0x2e: {  	s21 =	sadd.s32 $0x80, s19;
	[sflag:s10] =	ssyncadd.s32 $0xFFFFC000  }
0x2f: {  	[tilespmem:s11], [sflag:$0x1] =	stream.indirect.gather [hbm4b:s3+s12], $0x80, s21, s12, $0xb8;
	[tilespmem:$0xA800] =	vst v63  }
0x30: {  	_ =	swait.ge [sflag:s15], $0x4000  }
.Ltmp0:
0x31: {  	[sflag:s15] =	ssyncset.done $0x0;
	(pc) =	sbr.rel @p0 .LBB2_2-.Ltmp0, $4  }
0x32: {  	s20 =	sadd.s32 s20, s9;
	[sflag:s15] =	ssyncadd.s32 $0xFFFFC000  }
0x33: {  	[hbm4b:s20+s2] =	stream.linear.scatter [tilespmem:s13], [sflag:$0x3], $0x4000, $0x38;
	[tilespmem:$0xA800] =	vst v63  }
0x34: {  	_ =	swait.ge [sflag:s10], $0x4000  }
0x35: {  	[sflag:s10] =	ssyncset.done $0x0  }
0x36: {  	[sflag:s10] =	ssyncadd.s32 $0xFFFFC000  }
0x37: {  	[tilespmem:s13], [sflag:$0x2] =	stream.indirect.gather [hbm4b:s3+s12], $0x80, s16, s12, $0xb8;
	[tilespmem:$0xA800] =	vst v63  }
0x38: {  	_ =	swait.ge [sflag:s14], $0x4000  }
0x39: {  	[sflag:s14] =	ssyncset.done $0x0  }
0x3a: {  	[sflag:s14] =	ssyncadd.s32 $0xFFFFC000  }
0x3b: {  	[hbm4b:s6+s2] =	stream.linear.scatter [tilespmem:s11], [sflag:$0x3], $0x4000, $0x38;
	[tilespmem:$0xA800] =	vst v63  }
0x3c: {  	_ =	swait.ge [sflag:s10], $0x4000  }
0x3d: {  	[sflag:s10] =	ssyncset.done $0x0  }
0x3e: {  	[sflag:s10] =	ssyncadd.s32 $0xFFFFC000  }
0x3f: {  	s17 =	sadd.s32 $0x1, s17;
	_ =	swait.ge [sflag:s15], $0x4000  }
0x40: {  	p0 =	sne.s32 s17, s5;
	[sflag:s15] =	ssyncset.done $0x0  }
.Ltmp1:
0x41: {  	[sflag:s15] =	ssyncadd.s32 $0xFFFFC000;
	(pc) =	sbr.rel @p0 .LBB2_1-.Ltmp1, $4  }
0x42: {  	[hbm4b:s7+s2] =	stream.linear.scatter [tilespmem:s13], [sflag:$0x3], $0x4000, $0x38;
	[tilespmem:$0xA800] =	vst v63  }
0x43: {  	_ =	swait.ge [sflag:s10], $0x4000  }
0x44: {  	[sflag:s10] =	ssyncset.done $0x0  }
0x45: {  	[sflag:s10] =	ssyncadd.s32 $0xFFFFC000  }
0x46: {  	_ =	sfence.sel $0x180000  }
0x47: {  	[bflag:$0x0] =	sbarrier.arrive $0xFFFF  }
0x48: {  	p0 =	sne.s32 s1, $0x0;
	_ =	strace $0x9000004D  }
0x49: {  	s0 =	sadd.s32 @!p0 $0x100000, s0;
	[bflag:$0x2] =	sbarrier.arrive $0xFFFF  }
0x4a: {  	[sflag:s0] =	ssyncadd.tile.s32 @!p0 $0x1;
	_ =	shalt  }
.Lfunc_end2:
_tile_overlayer_lowered:
.L_overlay_start_2:
0x4b: {  	(tag) =	ssettag $0x2  }
0x4c: {  	s0 =	rddreg [dreg:$0x0];
	s2 =	stileid.u32  }
0x4d: {  	s1 =	rddreg [dreg:$0x1];
	p0 =	sne.s32 s2, $0x0  }
0x4e: {  	s3 =	rddreg [dreg:$0x2];
	[bflag:$0x3] =	sbarrier.arrive $0xFFFF;
	s2 =	simm.s32 @!p0 $0x1C03  }
0x4f: {  	[timem:s3], [sflag:s2] =	dma.local @!p0 [hbm:s0], s1  }
0x50: {  	s0 =	simm.s32 @!p0 $0x3  }
0x51: {  	_ =	swait.ge @!p0 [sflag:s0], s1  }
0x52: {  	s1 =	ssub.s32 @!p0 $0x0, s1;
	[sflag:s0] =	ssyncset.done @!p0 $0x0  }
0x53: {  	[sflag:s0] =	ssyncadd.s32 @!p0 s1  }
0x54: {  	[bflag:$0x3] =	sbarrier.arrive $0xFFFF  }
0x55: {  	_ =	shalt  }

// kernel: kernel.29.cloned.1.call-start
scs
__scs_entry_jumppad:
0x0: {  	(pc) =	sbr.rel $0x88, $3  }
0x1: {  	(tag) =	ssettag $0x0;
	lr =	simm.s32 $0x1  }
0x2: {  	[smem:$0x3F91] =	sst lr;
	_ =	strace $0xD0000000  }
0x3: {  	_ = 	snop  }
0x4: {  	_ = 	snop  }
0x5: {  	_ = 	snop  }
0x6: {  	_ = 	snop  }
0x7: {  	_ = 	snop  }
__scs_overlays_trampoline_lowered:
0x8: {  	[smem:$0x3FA0] =	sst s0  }
0x9: {  	[smem:$0x3FA1] =	sst s1  }
0xa: {  	[smem:$0x3FA2] =	sst s2  }
0xb: {  	[smem:$0x3FA3] =	sst s3  }
0xc: {  	[smem:$0x3FA4] =	sst s4  }
0xd: {  	[smem:$0x3FA5] =	sst s5  }
0xe: {  	[smem:$0x3FA6] =	sst s6  }
0xf: {  	[smem:$0x3FA7] =	sst s7  }
0x10: {  	[smem:$0x3FA8] =	sst s8  }
0x11: {  	[smem:$0x3FA9] =	sst s9;
	s0 =	simm.s32 @!p0 $0x0  }
0x12: {  	s1 =	sld [smem:$0x3F8F];
	s0 =	simm.s32 @p0 $0x1  }
0x13: {  	[smem:$0x3FAA] =	sst s0;
	s0 =	simm.s32 @!p1 $0x0  }
0x14: {  	s2 =	sld [smem:$0x3F8E];
	s0 =	simm.s32 @p1 $0x1  }
0x15: {  	[smem:$0x3FAB] =	sst s0;
	s0 =	simm.s32 @!p2 $0x0  }
0x16: {  	s3 =	sld [smem:$0x3FDB];
	s0 =	simm.s32 @p2 $0x1  }
0x17: {  	s4 =	simm.s32 $0x1BF5;
	[smem:$0x3FAD] =	sst s0  }
0x18: {  	s0 =	sld [smem:$0x3F90];
	_ =	swait.ge [sflag:s4], $0x0  }
0x19: {  	s7 =	sld [smem:$0x3F91]  }
0x1a: {  	s8 =	sadd.s32 $0xFFFFE003, lr  }
0x1b: {  	s9 =	sadd.s32 $0xFFFFFEF7, lr;
	s5 =	simm.s32 $0xFFFFFFFF;
	p2 =	slt.u32 s8, $0xFFFFF086  }
0x1c: {  	p1 =	slt.u32 s9, $0xF7A;
	s5 =	simm.s32 @!p2 $0x0  }
0x1d: {  	s5 =	simm.s32 @p1 $0x1;
	p0 =	seq.s32 s7, s2  }
0x1e: {  	s7 =	smul.u32 @!p0 $0xF7A, s2;
	p2 =	seq.s32 @!p0 s5, $0x0  }
0x1f: {  	s9 =	smul.u32 $0xF7A, s1;
	s8 =	simm.s32 @!p0 $0x1BF5;
	p2 =	por !p2, p0  }
0x20: {  	[sflag:s8] =	ssyncset.s32 @!p0 $0xFFFFF086;
	s6 =	sadd.s32 @!p0 s3, s7;
	s7 =	simm.s32 @!p0 $0x108  }
0x21: {  	s3 =	sadd.s32 s3, s9;
	s6 =	sadd.s32 @!p0 $0x88, s6;
	s7 =	simm.s32 @p2 $0x1082  }
0x22: {  	[simem:s7], [sflag:s8] =	dma.local @!p0 [hbm:s6], $0xF7A  }
0x23: {  	s9 =	sor.u32 $0xD0000000, s2;
	s6 =	simm.s32 $0x108;
	_ =	swait.ge @!p0 [sflag:s8], $0x0  }
0x24: {  	s3 =	sadd.s32 $0x88, s3;
	s6 =	simm.s32 @!p1 $0x1082;
	[sflag:s4] =	ssyncset.s32 $0xFFFFF086  }
0x25: {  	[simem:s6], [sflag:s4] =	dma.local [hbm:s3], $0xF7A  }
0x26: {  	[smem:$0x3F91] =	sst s1;
	(tag) =	ssettag s2;
	_ =	strace s9  }
0x27: {  	s1 =	sld [smem:$0x3FA1]  }
0x28: {  	s2 =	sld [smem:$0x3FA2]  }
0x29: {  	s4 =	sld [smem:$0x3FA4]  }
0x2a: {  	p0 =	seq.s32 s5, $0x0;
	s5 =	sld [smem:$0x3FA5]  }
0x2b: {  	s6 =	sld [smem:$0x3FA6]  }
0x2c: {  	s7 =	sld [smem:$0x3FA7]  }
0x2d: {  	s3 =	simm.s32 $0x108;
	s8 =	sld [smem:$0x3FA8]  }
0x2e: {  	s3 =	simm.s32 @!p0 $0x1082;
	s9 =	sld [smem:$0x3FA9]  }
0x2f: {  	lr =	sadd.s32 s0, s3;
	s0 =	sld [smem:$0x3FA0]  }
0x30: {  	s3 =	sld [smem:$0x3FA3]  }
0x31: {  	[smem:$0x3FAC] =	sst s10  }
0x32: {  	s10 =	sld [smem:$0x3FAA];
	_ =	sdelay $0x3  }
0x33: {  	p0 =	seq.s32 s10, $0x1;
	s10 =	sld [smem:$0x3FAC];
	_ =	sdelay $0x3  }
0x34: {  	[smem:$0x3FAC] =	sst s10  }
0x35: {  	s10 =	sld [smem:$0x3FAB];
	_ =	sdelay $0x3  }
0x36: {  	p1 =	seq.s32 s10, $0x1;
	s10 =	sld [smem:$0x3FAC];
	_ =	sdelay $0x3  }
0x37: {  	[smem:$0x3FAC] =	sst s10  }
0x38: {  	s10 =	sld [smem:$0x3FAD]  }
0x39: {  	_ = 	snop;
	(pc) =	sbr.ind lr, $3  }
0x3a: {  	_ = 	snop  }
0x3b: {  	_ = 	snop  }
0x3c: {  	p2 =	seq.s32 s10, $0x1;
	s10 =	sld [smem:$0x3FAC]  }
0x3d: {  	_ =	shalt  }
0x3e: {  	_ =	shalt  }
0x3f: {  	_ =	shalt  }
0x40: {  	_ =	shalt  }
0x41: {  	_ =	shalt  }
0x42: {  	_ =	shalt  }
0x43: {  	_ =	shalt  }
0x44: {  	_ =	shalt  }
0x45: {  	_ =	shalt  }
0x46: {  	_ =	shalt  }
0x47: {  	_ =	shalt  }
0x48: {  	_ =	shalt  }
0x49: {  	_ =	shalt  }
0x4a: {  	_ =	shalt  }
0x4b: {  	_ =	shalt  }
0x4c: {  	_ =	shalt  }
0x4d: {  	_ =	shalt  }
0x4e: {  	_ =	shalt  }
0x4f: {  	_ =	shalt  }
0x50: {  	_ =	shalt  }
0x51: {  	_ =	shalt  }
0x52: {  	_ =	shalt  }
0x53: {  	_ =	shalt  }
0x54: {  	_ =	shalt  }
0x55: {  	_ =	shalt  }
0x56: {  	_ =	shalt  }
0x57: {  	_ =	shalt  }
0x58: {  	_ =	shalt  }
0x59: {  	_ =	shalt  }
0x5a: {  	_ =	shalt  }
0x5b: {  	_ =	shalt  }
0x5c: {  	_ =	shalt  }
0x5d: {  	_ =	shalt  }
0x5e: {  	_ =	shalt  }
0x5f: {  	_ =	shalt  }
0x60: {  	_ =	shalt  }
0x61: {  	_ =	shalt  }
0x62: {  	_ =	shalt  }
0x63: {  	_ =	shalt  }
0x64: {  	_ =	shalt  }
0x65: {  	_ =	shalt  }
0x66: {  	_ =	shalt  }
0x67: {  	_ =	shalt  }
0x68: {  	_ =	shalt  }
0x69: {  	_ =	shalt  }
0x6a: {  	_ =	shalt  }
0x6b: {  	_ =	shalt  }
0x6c: {  	_ =	shalt  }
0x6d: {  	_ =	shalt  }
0x6e: {  	_ =	shalt  }
0x6f: {  	_ =	shalt  }
0x70: {  	_ =	shalt  }
0x71: {  	_ =	shalt  }
0x72: {  	_ =	shalt  }
0x73: {  	_ =	shalt  }
0x74: {  	_ =	shalt  }
0x75: {  	_ =	shalt  }
0x76: {  	_ =	shalt  }
0x77: {  	_ =	shalt  }
0x78: {  	_ =	shalt  }
0x79: {  	_ =	shalt  }
0x7a: {  	_ =	shalt  }
0x7b: {  	_ =	shalt  }
0x7c: {  	_ =	shalt  }
0x7d: {  	_ =	shalt  }
0x7e: {  	_ =	shalt  }
0x7f: {  	_ =	shalt  }
0x80: {  	_ =	shalt  }
0x81: {  	_ =	shalt  }
0x82: {  	_ =	shalt  }
0x83: {  	_ =	shalt  }
0x84: {  	_ =	shalt  }
0x85: {  	_ =	shalt  }
0x86: {  	_ =	shalt  }
0x87: {  	_ =	shalt  }
.Lfunc_end0:
.L_simem_size_0:
called_computation.3_lowered:
.L_overlay_start_0:
0x88: {  	s2 =	sld [smem:$0x3FD9]  }
0x89: {  	s3 =	sld [smem:$0x3FFE];
	_ =	sdelay $0x1  }
0x8a: {  	s1 =	srdreg.scid  }
0x8b: {  	s0 =	sand.u32 $0x1, s1  }
0x8c: {  	s16 =	sshll.u32 s0, $0xA;
	s2 =	sadd.s32 s3, s2  }
0x8d: {  	s2 =	sadd.s32 s2, s16  }
0x8e: {  	[smem:$0x3FB8] =	sst s2  }
0x8f: {  	_ = 	snop  }
0x90: {  	(tm) =	ssettm $0x1  }
0x91: {  	s17 =	sld [smem:$0x3FFB];
	_ =	sdelay $0x3  }
0x92: {  	_ =	strace s17  }
0x93: {  	s2 =	sld [smem:$0x3FFC];
	_ =	sdelay $0x3  }
0x94: {  	_ =	strace s2  }
0x95: {  	s2 =	sld [smem:$0x3FFD];
	_ =	sdelay $0x3  }
0x96: {  	_ =	strace s2  }
0x97: {  	_ =	strace $0x8FFFFFFF  }
0x98: {  	s18 =	sld [smem:$0x3FDB];
	_ =	sdelay $0x1  }
0x99: {  	s19 =	simm.s32 $_scs_section_size  }
0x9a: {  	s4 =	simm.s32 $_size__tile_overlayer_lowered;
	s5 =	simm.s32 $_tile_overlayer_lowered  }
0x9b: {  	s22 =	simm.s32 $0x1BFF;
	s21 =	sshll.u32 s5, $0x1;
	s2 =	sadd.s32 s19, s18  }
0x9c: {  	s6 =	simm.s32 $0x0;
	s20 =	sshll.u32 s4, $0x1;
	s4 =	sadd.s32 s21, s2  }
0x9d: {  	[timem:s6], [sflag:s22] =	dma.local [hbm:s4], s20  }
0x9e: {  	_ =	swait.ge [sflag:s22], s20  }
0x9f: {  	s3 =	ssub.s32 $0x0, s20;
	[sflag:s22] =	ssyncset.done $0x0  }
0xa0: {  	[sflag:s22] =	ssyncadd.s32 s3;
	_ =	sdelay $0x1  }
0xa1: {  	s23 =	simm.s32 $0x1B8B  }
0xa2: {  	_ =	swait.ge [sflag:s23], $0x1  }
0xa3: {  	[sflag:s23] =	ssyncset.done $0x0  }
0xa4: {  	s25 =	simm.s32 $0x1B8E;
	s24 =	sld [smem:$0x3FFE];
	[sflag:s23] =	ssyncadd.s32 $0xFFFFFFFF  }
0xa5: {  	s26 =	simm.s32 $execute0_lowered;
	[smem:$0x3FD2] =	sst s25  }
0xa6: {  	s4 =	sshll.u32 s26, $0x1;
	_ =	strace $0x8000004F;
	[dreg:$0x1] =	wrdreg $0xFFFFFFFF  }
0xa7: {  	s28 =	simm.s32 $_size_execute0_lowered;
	s2 =	sadd.s32 s2, s4;
	[dreg:$0x0] =	wrdreg $0x0  }
0xa8: {  	s4 =	sshll.u32 s28, $0x1;
	[dreg:$0x2] =	wrdreg s2  }
0xa9: {  	[dreg:$0x3] =	wrdreg s4  }
0xaa: {  	[dreg:$0x4] =	wrdreg $0xC0  }
0xab: {  	_ =	task [dreg:s6], $0x5FFFF  }
0xac: {  	[dreg:$0x1] =	wrdreg $0xFFFFFFFF  }
0xad: {  	[dreg:$0x0] =	wrdreg $0x60  }
0xae: {  	[dreg:$0x2] =	wrdreg s24  }
0xaf: {  	[dreg:$0x3] =	wrdreg $0x9  }
0xb0: {  	_ =	task.clear_ibuf [dreg:s6], $0x4FFFF;
	_ =	strace $0x9000004F  }
0xb1: {  	s29 =	simm.s32 $0x9;
	_ =	strace $0x80000051  }
0xb2: {  	_ =	swait.ge [sflag:s29], $0x1  }
0xb3: {  	[sflag:s29] =	ssyncadd.s32 $0xFFFFFFFF  }
0xb4: {  	_ =	strace $0x90000051  }
0xb5: {  	_ =	sfence  }
0xb6: {  	s30 =	sld [smem:$0x0];
	_ =	sdelay $0x2  }
0xb7: {  	s31 =	sshll.u32 s1, $0xD;
	s1 =	sshrl.u32 s1, $0x2  }
0xb8: {  	s3 =	sand.u32 $0x4000, s31;
	s1 =	sadd.s32 s1, s30  }
0xb9: {  	s0 =	sor.u32 s3, s0;
	s1 =	sshll.u32 s1, $0x11  }
0xba: {  	s0 =	sor.u32 s1, s0  }
0xbb: {  	s0 =	sadd.s32 $0x8F2B, s0  }
0xbc: {  	[sflag:s0] =	ssyncadd.remote.s32 $0x1  }
0xbd: {  	_ =	sfence.sel $0xFFFF  }
0xbe: {  	[dreg:$0x0] =	wrdreg $0xFFFFFFFF;
	(pc) =	sbr.abs _section_cstart, $3  }
0xbf: {  	[dreg:$0x1] =	wrdreg $0xFFFFFFFF  }
0xc0: {  	_ =	task.clear_ibuf [dreg:s6], $0x2FFFF;
	_ =	strace $0x9FFFFFFF  }
0xc1: {  	(tm) =	ssettm $0x7FFFFFFF  }
tec
execute0_lowered:
.L_overlay_start_1:
0x0: {  	(tag) =	ssettag $0x1  }
0x1: {  	s4 =	rddreg [dreg:$0x0]  }
0x2: {  	s0 =	rddreg [dreg:$0x1]  }
0x3: {  	s3 =	srdreg.scid;
	s1 =	stileid.u32;
	s2 =	simm.s32 $0x0  }
0x4: {  	s13 =	simm.s32 $0x6800;
	s14 =	simm.s32 $0x1;
	s25 =	smul.u32 $0x280000, s1  }
0x5: {  	s15 =	simm.s32 $0x2;
	s7 =	sand.u32 $0x1, s3;
	s29 =	smul.u32 $0x50000, s1  }
0x6: {  	s16 =	simm.s32 $0x2780;
	s23 =	sshll.u32 s1, $0x1;
	s28 =	smul.u32 $0x140000, s7  }
0x7: {  	s17 =	simm.s32 $0x0;
	s5 =	sor.u32 s7, s23;
	s30 =	smul.u32 $0x28000, s7  }
0x8: {  	[smem:$0x7FF] =	sst s2;
	s3 =	sadd.s32 $0xC6200, s4;
	s6 =	smul.u32 $0x500, s5  }
0x9: {  	s12 =	sadd.s32 $0x110200, s4;
	s8 =	ssub.s32 $0x2, s7;
	s9 =	smul.u32 $0x140000, s5  }
0xa: {  	_ =	strace $0x80000050;
	s10 =	sshrl.u32 s8, $0x1;
	s11 =	smul.u32 $0x28000, s5  }
0xb: {  	s24 =	ssub.s32 s8, s10;
	s8 =	sadd.s32 s28, s25;
	s10 =	sadd.s32 s29, s12  }
0xc: {  	s6 =	sadd.s32 s6, s4;
	s26 =	sshrl.u32 s9, $0x3;
	s5 =	smax.u32 s24, $0x1  }
0xd: {  	s31 =	sadd.s32 s12, s11;
	s8 =	sshrl.u32 s8, $0x3;
	s9 =	sadd.s32 s30, s10  }
0xe: {  	s10 =	simm.s32 $0x3;
	s11 =	simm.s32 $0x2800;
	s4 =	sadd.s32 $0x106200, s6  }
0xf: {  	s6 =	sadd.s32 s12, s26;
	s7 =	sadd.s32 $0x27800, s31;
	s8 =	sadd.s32 s8, s12  }
0x10: {  	s9 =	sadd.s32 $0x800, s9;
	s12 =	simm.s32 $0x80;
	s6 =	sadd.s32 $0x27000, s6  }
.LBB2_1:
0x11: {  	[tilespmem:s2], [sflag:$0x3] =	stream.linear.gather [hbm4b:s4+s2], $0x2800, $0x38;
	[tilespmem:$0xA800] =	vst v63  }
0x12: {  	_ =	swait.ge [sflag:s10], $0x2800  }
0x13: {  	[sflag:s10] =	ssyncset.done $0x0  }
0x14: {  	[sflag:s10] =	ssyncadd.s32 $0xFFFFD800  }
0x15: {  	[tilespmem:s11], [sflag:$0x1] =	stream.indirect.gather [hbm4b:s3+s12], $0x80, s2, s12, $0xb8;
	[tilespmem:$0xA800] =	vst v63  }
0x16: {  	_ = 	snop  }
0x17: {  	[tilespmem:s13], [sflag:$0x2] =	stream.indirect.gather [hbm4b:s3+s12], $0x80, s12, s12, $0xb8;
	[tilespmem:$0xA800] =	vst v63  }
0x18: {  	_ =	swait.ge [sflag:s14], $0x4000  }
0x19: {  	[sflag:s14] =	ssyncset.done $0x0  }
0x1a: {  	s18 =	sadd.s32 $0x0, s8;
	[sflag:s14] =	ssyncadd.s32 $0xFFFFC000  }
0x1b: {  	[hbm4b:s18+s2] =	stream.linear.scatter [tilespmem:s11], [sflag:$0x3], $0x4000, $0x38;
	[tilespmem:$0xA800] =	vst v63  }
0x1c: {  	_ =	swait.ge [sflag:s10], $0x4000  }
0x1d: {  	[sflag:s10] =	ssyncset.done $0x0  }
0x1e: {  	s30 =	simm.s32 $0x100;
	[sflag:s10] =	ssyncadd.s32 $0xFFFFC000  }
0x1f: {  	[tilespmem:s11], [sflag:$0x1] =	stream.indirect.gather [hbm4b:s3+s12], $0x80, s30, s12, $0xb8;
	[tilespmem:$0xA800] =	vst v63  }
0x20: {  	_ =	swait.ge [sflag:s15], $0x4000  }
0x21: {  	[sflag:s15] =	ssyncset.done $0x0  }
0x22: {  	s31 =	sadd.s32 $0x0, s9;
	[sflag:s15] =	ssyncadd.s32 $0xFFFFC000  }
0x23: {  	[hbm4b:s31+s2] =	stream.linear.scatter [tilespmem:s13], [sflag:$0x3], $0x4000, $0x38;
	[tilespmem:$0xA800] =	vst v63  }
0x24: {  	_ =	swait.ge [sflag:s10], $0x4000  }
0x25: {  	s19 =	simm.s32 $0x80;
	s18 =	simm.s32 $0x1000;
	[sflag:s10] =	ssyncset.done $0x0  }
.LBB2_2:
0x26: {  	p0 =	sne.s32 s18, $0x26000;
	[sflag:s10] =	ssyncadd.s32 $0xFFFFC000;
	s19 =	sadd.s32 $0x100, s19  }
0x27: {  	[tilespmem:s13], [sflag:$0x2] =	stream.indirect.gather [hbm4b:s3+s12], $0x80, s19, s12, $0xb8;
	[tilespmem:$0xA800] =	vst v63  }
0x28: {  	s20 =	smov.u32 s18;
	s18 =	sadd.s32 $0x1000, s18;
	_ =	swait.ge [sflag:s14], $0x4000  }
0x29: {  	[sflag:s14] =	ssyncset.done $0x0  }
0x2a: {  	s21 =	sadd.s32 s20, s8;
	[sflag:s14] =	ssyncadd.s32 $0xFFFFC000  }
0x2b: {  	[hbm4b:s21+s2] =	stream.linear.scatter [tilespmem:s11], [sflag:$0x3], $0x4000, $0x38;
	[tilespmem:$0xA800] =	vst v63  }
0x2c: {  	_ =	swait.ge [sflag:s10], $0x4000  }
0x2d: {  	[sflag:s10] =	ssyncset.done $0x0  }
0x2e: {  	s21 =	sadd.s32 $0x80, s19;
	[sflag:s10] =	ssyncadd.s32 $0xFFFFC000  }
0x2f: {  	[tilespmem:s11], [sflag:$0x1] =	stream.indirect.gather [hbm4b:s3+s12], $0x80, s21, s12, $0xb8;
	[tilespmem:$0xA800] =	vst v63  }
0x30: {  	_ =	swait.ge [sflag:s15], $0x4000  }
.Ltmp0:
0x31: {  	[sflag:s15] =	ssyncset.done $0x0;
	(pc) =	sbr.rel @p0 .LBB2_2-.Ltmp0, $4  }
0x32: {  	s20 =	sadd.s32 s20, s9;
	[sflag:s15] =	ssyncadd.s32 $0xFFFFC000  }
0x33: {  	[hbm4b:s20+s2] =	stream.linear.scatter [tilespmem:s13], [sflag:$0x3], $0x4000, $0x38;
	[tilespmem:$0xA800] =	vst v63  }
0x34: {  	_ =	swait.ge [sflag:s10], $0x4000  }
0x35: {  	[sflag:s10] =	ssyncset.done $0x0  }
0x36: {  	[sflag:s10] =	ssyncadd.s32 $0xFFFFC000  }
0x37: {  	[tilespmem:s13], [sflag:$0x2] =	stream.indirect.gather [hbm4b:s3+s12], $0x80, s16, s12, $0xb8;
	[tilespmem:$0xA800] =	vst v63  }
0x38: {  	_ =	swait.ge [sflag:s14], $0x4000  }
0x39: {  	[sflag:s14] =	ssyncset.done $0x0  }
0x3a: {  	[sflag:s14] =	ssyncadd.s32 $0xFFFFC000  }
0x3b: {  	[hbm4b:s6+s2] =	stream.linear.scatter [tilespmem:s11], [sflag:$0x3], $0x4000, $0x38;
	[tilespmem:$0xA800] =	vst v63  }
0x3c: {  	_ =	swait.ge [sflag:s10], $0x4000  }
0x3d: {  	[sflag:s10] =	ssyncset.done $0x0  }
0x3e: {  	[sflag:s10] =	ssyncadd.s32 $0xFFFFC000  }
0x3f: {  	s17 =	sadd.s32 $0x1, s17;
	_ =	swait.ge [sflag:s15], $0x4000  }
0x40: {  	p0 =	sne.s32 s17, s5;
	[sflag:s15] =	ssyncset.done $0x0  }
.Ltmp1:
0x41: {  	[sflag:s15] =	ssyncadd.s32 $0xFFFFC000;
	(pc) =	sbr.rel @p0 .LBB2_1-.Ltmp1, $4  }
0x42: {  	[hbm4b:s7+s2] =	stream.linear.scatter [tilespmem:s13], [sflag:$0x3], $0x4000, $0x38;
	[tilespmem:$0xA800] =	vst v63  }
0x43: {  	_ =	swait.ge [sflag:s10], $0x4000  }
0x44: {  	[sflag:s10] =	ssyncset.done $0x0  }
0x45: {  	[sflag:s10] =	ssyncadd.s32 $0xFFFFC000  }
0x46: {  	_ =	sfence.sel $0x180000  }
0x47: {  	[bflag:$0x0] =	sbarrier.arrive $0xFFFF  }
0x48: {  	p0 =	sne.s32 s1, $0x0;
	_ =	strace $0x90000050  }
0x49: {  	s0 =	sadd.s32 @!p0 $0x100000, s0;
	[bflag:$0x2] =	sbarrier.arrive $0xFFFF  }
0x4a: {  	[sflag:s0] =	ssyncadd.tile.s32 @!p0 $0x1;
	_ =	shalt  }
.Lfunc_end2:
_tile_overlayer_lowered:
.L_overlay_start_2:
0x4b: {  	(tag) =	ssettag $0x2  }
0x4c: {  	s0 =	rddreg [dreg:$0x0];
	s2 =	stileid.u32  }
0x4d: {  	s1 =	rddreg [dreg:$0x1];
	p0 =	sne.s32 s2, $0x0  }
0x4e: {  	s3 =	rddreg [dreg:$0x2];
	[bflag:$0x3] =	sbarrier.arrive $0xFFFF;
	s2 =	simm.s32 @!p0 $0x1C03  }
0x4f: {  	[timem:s3], [sflag:s2] =	dma.local @!p0 [hbm:s0], s1  }
0x50: {  	s0 =	simm.s32 @!p0 $0x3  }
0x51: {  	_ =	swait.ge @!p0 [sflag:s0], s1  }
0x52: {  	s1 =	ssub.s32 @!p0 $0x0, s1;
	[sflag:s0] =	ssyncset.done @!p0 $0x0  }
0x53: {  	[sflag:s0] =	ssyncadd.s32 @!p0 s1  }
0x54: {  	[bflag:$0x3] =	sbarrier.arrive $0xFFFF  }
0x55: {  	_ =	shalt  }

</sc_bundles>
